<compile_context>
chip_gen: v7x
topology: tpu7x:2x2x1
jax: 0.10.2.dev20260603
libtpu: 0.0.44.dev20260713+nightly
codegen_flags: <defaults>
</compile_context>

<pallas_src>
import functools

import jax
import jax.numpy as jnp
from jax import lax
from jax.experimental import pallas as pl
from jax.experimental.pallas import tpu as pltpu
from jax.experimental.pallas import tpu_sc as plsc

N_NODES = 1000000
N_RELATIONS = 1000
EMBED_DIM = 32
BATCH = 16384

_INFO = plsc.get_sparse_core_info()
_NC = _INFO.num_cores
_NS = _INFO.num_subcores
_NW = _NC * _NS
_L = _INFO.num_lanes

_B_PER_W = BATCH // _NW
_GROUPS = _B_PER_W // _L

_GATHER_DNUMS = lax.GatherDimensionNumbers(
    offset_dims=(), collapsed_slice_dims=(0,), start_index_map=(0,))


def _lane_perm(x, p):
    return lax.gather(x, p[:, None], dimension_numbers=_GATHER_DNUMS,
                      slice_sizes=(1,),
                      mode=lax.GatherScatterMode.PROMISE_IN_BOUNDS)


def _body(heads_hbm, rels_hbm, tails_hbm,
          node_r_hbm, node_i_hbm, rel_r_hbm, rel_i_hbm,
          out_hbm,
          h_idx, r_idx, t_idx,
          sr, si, rr, ri, tr, ti,
          out_v, sem):
    wid = lax.axis_index("s") * _NC + lax.axis_index("c")
    base = wid * _B_PER_W

    pltpu.sync_copy(heads_hbm.at[pl.ds(base, _B_PER_W)], h_idx)
    pltpu.sync_copy(rels_hbm.at[pl.ds(base, _B_PER_W)], r_idx)
    pltpu.sync_copy(tails_hbm.at[pl.ds(base, _B_PER_W)], t_idx)

    c1 = pltpu.async_copy(node_r_hbm.at[h_idx], sr, sem)
    c2 = pltpu.async_copy(node_i_hbm.at[h_idx], si, sem)
    c3 = pltpu.async_copy(rel_r_hbm.at[r_idx], rr, sem)
    c4 = pltpu.async_copy(rel_i_hbm.at[r_idx], ri, sem)
    c5 = pltpu.async_copy(node_r_hbm.at[t_idx], tr, sem)
    c6 = pltpu.async_copy(node_i_hbm.at[t_idx], ti, sem)
    c1.wait()
    c2.wait()
    c3.wait()
    c4.wait()
    c5.wait()
    c6.wait()

    lane = lax.iota(jnp.int32, _L)
    perms = [lane ^ s for s in (8, 4, 2, 1)]

    def group(g, carry):
        acc_out = jnp.zeros((_L,), jnp.float32)
        for j in range(_L):
            b = g * _L + j
            sr0 = sr[b, pl.ds(0, _L)]
            sr1 = sr[b, pl.ds(_L, _L)]
            si0 = si[b, pl.ds(0, _L)]
            si1 = si[b, pl.ds(_L, _L)]
            rr0 = rr[b, pl.ds(0, _L)]
            rr1 = rr[b, pl.ds(_L, _L)]
            ri0 = ri[b, pl.ds(0, _L)]
            ri1 = ri[b, pl.ds(_L, _L)]
            tr0 = tr[b, pl.ds(0, _L)]
            tr1 = tr[b, pl.ds(_L, _L)]
            ti0 = ti[b, pl.ds(0, _L)]
            ti1 = ti[b, pl.ds(_L, _L)]
            a0 = rr0 * sr0 - ri0 * si0
            b0 = rr0 * si0 + ri0 * sr0
            a1 = rr1 * sr1 - ri1 * si1
            b1 = rr1 * si1 + ri1 * sr1
            acc = (a0 * tr0 + b0 * ti0) + (a1 * tr1 + b1 * ti1)
            for p in perms:
                acc = acc + _lane_perm(acc, p)
            acc_out = jnp.where(lane == j, acc, acc_out)
        out_v[pl.ds(g * _L, _L)] = acc_out
        return carry

    lax.fori_loop(0, _GROUPS, group, 0)

    pltpu.sync_copy(out_v, out_hbm.at[pl.ds(base, _B_PER_W)])


@jax.jit
def kernel(heads, rels, tails, node_r, node_i, rel_r, rel_i):
    mesh = plsc.VectorSubcoreMesh(core_axis_name="c", subcore_axis_name="s")
    f = functools.partial(
        pl.kernel,
        out_type=jax.ShapeDtypeStruct((BATCH,), jnp.float32),
        mesh=mesh,
        compiler_params=pltpu.CompilerParams(use_tc_tiling_on_sc=False),
        scratch_types=[
            pltpu.VMEM((_B_PER_W,), jnp.int32),
            pltpu.VMEM((_B_PER_W,), jnp.int32),
            pltpu.VMEM((_B_PER_W,), jnp.int32),
            pltpu.VMEM((_B_PER_W, EMBED_DIM), jnp.float32),
            pltpu.VMEM((_B_PER_W, EMBED_DIM), jnp.float32),
            pltpu.VMEM((_B_PER_W, EMBED_DIM), jnp.float32),
            pltpu.VMEM((_B_PER_W, EMBED_DIM), jnp.float32),
            pltpu.VMEM((_B_PER_W, EMBED_DIM), jnp.float32),
            pltpu.VMEM((_B_PER_W, EMBED_DIM), jnp.float32),
            pltpu.VMEM((_B_PER_W,), jnp.float32),
            pltpu.SemaphoreType.DMA,
        ],
    )(_body)
    return f(heads, rels, tails, node_r, node_i, rel_r, rel_i)

# --- scband reference (transcript-rebuilt; emitter-appended) ---
"""Pipeline reference for scband-combination-model-56942676411129 (READ-ONLY COPY).

The authoritative reference and input builder live on the scoring server;
editing this copy changes nothing except your own understanding.
"""

import jax, jax.numpy as jnp
import numpy as np

N_NODES = 1000000
N_RELATIONS = 1000
EMBED_DIM = 32
BATCH = 16384


def setup_inputs(seed: int = 0) -> dict:
    key = jax.random.key(seed)
    k1, k2, k3, k4, k5, k6, k7 = jax.random.split(key, 7)
    node_r = jax.random.normal(k1, (N_NODES, EMBED_DIM), dtype=jnp.float32) * 0.05
    node_i = jax.random.normal(k2, (N_NODES, EMBED_DIM), dtype=jnp.float32) * 0.05
    rel_r = jax.random.normal(k3, (N_RELATIONS, EMBED_DIM), dtype=jnp.float32) * 0.05
    rel_i = jax.random.normal(k4, (N_RELATIONS, EMBED_DIM), dtype=jnp.float32) * 0.05
    heads = jax.random.randint(k5, (BATCH,), 0, N_NODES, dtype=jnp.int32)
    rels = jax.random.randint(k6, (BATCH,), 0, N_RELATIONS, dtype=jnp.int32)
    tails = jax.random.randint(k7, (BATCH,), 0, N_NODES, dtype=jnp.int32)
    return {
        "heads": heads,
        "rels": rels,
        "tails": tails,
        "node_r": node_r,
        "node_i": node_i,
        "rel_r": rel_r,
        "rel_i": rel_i,
    }


def reference(heads, rels, tails, node_r, node_i, rel_r, rel_i):
    # Embedding lookups (gather rows) followed by ComplEx trilinear scoring,
    # faithful to Model.score / complex_formulation in the original code.
    src_r = jnp.take(node_r, heads, axis=0)
    src_i = jnp.take(node_i, heads, axis=0)
    r_r = jnp.take(rel_r, rels, axis=0)
    r_i = jnp.take(rel_i, rels, axis=0)
    tar_r = jnp.take(node_r, tails, axis=0)
    tar_i = jnp.take(node_i, tails, axis=0)
    p1 = jnp.sum(r_r * src_r * tar_r, axis=-1)
    p2 = jnp.sum(r_r * src_i * tar_i, axis=-1)
    p3 = jnp.sum(r_i * src_r * tar_i, axis=-1)
    p4 = jnp.sum(r_i * src_i * tar_r, axis=-1)
    phi = p1 + p2 + p3 - p4
    return phi

if __name__ == "__main__":
    import jax
    _d = setup_inputs()
    print(jax.jit(kernel)(*tuple(_d.values())))

</pallas_src>

<mosaic_0001>
#map = affine_map<(d0, d1) -> (0)>
#map1 = affine_map<(d0, d1) -> (0, 0)>
module attributes {stable_mosaic.version = 14 : i64} {
  func.func @_body(%arg0: i32, %arg1: i32, %arg2: memref<16384xi32, #tpu.memory_space<hbm>>, %arg3: memref<16384xi32, #tpu.memory_space<hbm>>, %arg4: memref<16384xi32, #tpu.memory_space<hbm>>, %arg5: memref<1000000x32xf32, #tpu.memory_space<hbm>>, %arg6: memref<1000000x32xf32, #tpu.memory_space<hbm>>, %arg7: memref<1000x32xf32, #tpu.memory_space<hbm>>, %arg8: memref<1000x32xf32, #tpu.memory_space<hbm>>, %arg9: memref<16384xf32, #tpu.memory_space<hbm>>, %arg10: memref<512xi32, #tpu.memory_space<vmem>>, %arg11: memref<512xi32, #tpu.memory_space<vmem>>, %arg12: memref<512xi32, #tpu.memory_space<vmem>>, %arg13: memref<512x32xf32, #tpu.memory_space<vmem>>, %arg14: memref<512x32xf32, #tpu.memory_space<vmem>>, %arg15: memref<512x32xf32, #tpu.memory_space<vmem>>, %arg16: memref<512x32xf32, #tpu.memory_space<vmem>>, %arg17: memref<512x32xf32, #tpu.memory_space<vmem>>, %arg18: memref<512x32xf32, #tpu.memory_space<vmem>>, %arg19: memref<512xf32, #tpu.memory_space<vmem>>, %arg20: memref<!tpu.dma_semaphore, #tpu.memory_space<semaphore_mem>>) attributes {dimension_semantics = [#tpu.dimension_semantics<core_parallel>, #tpu.dimension_semantics<subcore_parallel>], iteration_bounds = array<i64: 2, 16>, scalar_prefetch = 0 : i64, scratch_operands = 11 : i64, tpu.core_type = #tpu.core_type<sc_vector_subcore>, window_params = [{transform_indices = #map}, {transform_indices = #map}, {transform_indices = #map}, {transform_indices = #map1}, {transform_indices = #map1}, {transform_indices = #map1}, {transform_indices = #map1}, {transform_indices = #map}]} {
    %mul3A = arith.constant 2 : i32
    %mul3A_0 = arith.muli %arg1, %mul3A : i32
    %add3A = arith.addi %mul3A_0, %arg0 : i32
    %mul3A_1 = arith.constant 512 : i32
    %mul3A_2 = arith.muli %add3A, %mul3A_1 : i32
    "tpu.region"() ({
      %run_scoped3A = tpu.sem_alloc : memref<!tpu.dma_semaphore, #tpu.memory_space<semaphore_mem>>
      %dma_start3A_53 = tpu.memref_slice %arg2[%mul3A_2] : memref<16384xi32, #tpu.memory_space<hbm>> -> memref<512xi32, #tpu.memory_space<hbm>>
      %dma_start3A_54 = tpu.memref_slice %arg2[%mul3A_2] : memref<16384xi32, #tpu.memory_space<hbm>> -> memref<512xi32, #tpu.memory_space<hbm>>
      tpu.enqueue_dma source(%dma_start3A_54 : memref<512xi32, #tpu.memory_space<hbm>>) target(%arg10 : memref<512xi32, #tpu.memory_space<vmem>>) target_semaphore(%run_scoped3A : memref<!tpu.dma_semaphore, #tpu.memory_space<semaphore_mem>>)
      %dma_wait3A_55 = tpu.memref_slice %arg2[%mul3A_2] : memref<16384xi32, #tpu.memory_space<hbm>> -> memref<512xi32, #tpu.memory_space<hbm>>
      %dma_wait3A_56 = tpu.memref_slice %arg2[%mul3A_2] : memref<16384xi32, #tpu.memory_space<hbm>> -> memref<512xi32, #tpu.memory_space<hbm>>
      tpu.wait_dma2 semaphore(%run_scoped3A : memref<!tpu.dma_semaphore, #tpu.memory_space<semaphore_mem>>) src(%dma_wait3A_56 : memref<512xi32, #tpu.memory_space<hbm>>) dst(%arg10 : memref<512xi32, #tpu.memory_space<vmem>>)
      tpu.yield
    }) : () -> ()
    "tpu.region"() ({
      %run_scoped3A = tpu.sem_alloc : memref<!tpu.dma_semaphore, #tpu.memory_space<semaphore_mem>>
      %dma_start3A_53 = tpu.memref_slice %arg3[%mul3A_2] : memref<16384xi32, #tpu.memory_space<hbm>> -> memref<512xi32, #tpu.memory_space<hbm>>
      %dma_start3A_54 = tpu.memref_slice %arg3[%mul3A_2] : memref<16384xi32, #tpu.memory_space<hbm>> -> memref<512xi32, #tpu.memory_space<hbm>>
      tpu.enqueue_dma source(%dma_start3A_54 : memref<512xi32, #tpu.memory_space<hbm>>) target(%arg11 : memref<512xi32, #tpu.memory_space<vmem>>) target_semaphore(%run_scoped3A : memref<!tpu.dma_semaphore, #tpu.memory_space<semaphore_mem>>)
      %dma_wait3A_55 = tpu.memref_slice %arg3[%mul3A_2] : memref<16384xi32, #tpu.memory_space<hbm>> -> memref<512xi32, #tpu.memory_space<hbm>>
      %dma_wait3A_56 = tpu.memref_slice %arg3[%mul3A_2] : memref<16384xi32, #tpu.memory_space<hbm>> -> memref<512xi32, #tpu.memory_space<hbm>>
      tpu.wait_dma2 semaphore(%run_scoped3A : memref<!tpu.dma_semaphore, #tpu.memory_space<semaphore_mem>>) src(%dma_wait3A_56 : memref<512xi32, #tpu.memory_space<hbm>>) dst(%arg11 : memref<512xi32, #tpu.memory_space<vmem>>)
      tpu.yield
    }) : () -> ()
    "tpu.region"() ({
      %run_scoped3A = tpu.sem_alloc : memref<!tpu.dma_semaphore, #tpu.memory_space<semaphore_mem>>
      %dma_start3A_53 = tpu.memref_slice %arg4[%mul3A_2] : memref<16384xi32, #tpu.memory_space<hbm>> -> memref<512xi32, #tpu.memory_space<hbm>>
      %dma_start3A_54 = tpu.memref_slice %arg4[%mul3A_2] : memref<16384xi32, #tpu.memory_space<hbm>> -> memref<512xi32, #tpu.memory_space<hbm>>
      tpu.enqueue_dma source(%dma_start3A_54 : memref<512xi32, #tpu.memory_space<hbm>>) target(%arg12 : memref<512xi32, #tpu.memory_space<vmem>>) target_semaphore(%run_scoped3A : memref<!tpu.dma_semaphore, #tpu.memory_space<semaphore_mem>>)
      %dma_wait3A_55 = tpu.memref_slice %arg4[%mul3A_2] : memref<16384xi32, #tpu.memory_space<hbm>> -> memref<512xi32, #tpu.memory_space<hbm>>
      %dma_wait3A_56 = tpu.memref_slice %arg4[%mul3A_2] : memref<16384xi32, #tpu.memory_space<hbm>> -> memref<512xi32, #tpu.memory_space<hbm>>
      tpu.wait_dma2 semaphore(%run_scoped3A : memref<!tpu.dma_semaphore, #tpu.memory_space<semaphore_mem>>) src(%dma_wait3A_56 : memref<512xi32, #tpu.memory_space<hbm>>) dst(%arg12 : memref<512xi32, #tpu.memory_space<vmem>>)
      tpu.yield
    }) : () -> ()
    %dma_start3A = arith.constant 0 : i32
    %dma_start3A_3 = arith.constant 0 : i32
    %dma_start3A_4 = tpu.memref_slice %arg5[%dma_start3A, %dma_start3A_3] : memref<1000000x32xf32, #tpu.memory_space<hbm>> -> memref<1000000x32xf32, #tpu.memory_space<hbm>>
    tpu.enqueue_indirect_dma source(%dma_start3A_4 : memref<1000000x32xf32, #tpu.memory_space<hbm>>) target(%arg13 : memref<512x32xf32, #tpu.memory_space<vmem>>) offsets(%arg10 : memref<512xi32, #tpu.memory_space<vmem>>) semaphore(%arg20 : memref<!tpu.dma_semaphore, #tpu.memory_space<semaphore_mem>>)
    %dma_start3A_5 = arith.constant 0 : i32
    %dma_start3A_6 = arith.constant 0 : i32
    %dma_start3A_7 = tpu.memref_slice %arg6[%dma_start3A_5, %dma_start3A_6] : memref<1000000x32xf32, #tpu.memory_space<hbm>> -> memref<1000000x32xf32, #tpu.memory_space<hbm>>
    tpu.enqueue_indirect_dma source(%dma_start3A_7 : memref<1000000x32xf32, #tpu.memory_space<hbm>>) target(%arg14 : memref<512x32xf32, #tpu.memory_space<vmem>>) offsets(%arg10 : memref<512xi32, #tpu.memory_space<vmem>>) semaphore(%arg20 : memref<!tpu.dma_semaphore, #tpu.memory_space<semaphore_mem>>)
    %dma_start3A_8 = arith.constant 0 : i32
    %dma_start3A_9 = arith.constant 0 : i32
    %dma_start3A_10 = tpu.memref_slice %arg7[%dma_start3A_8, %dma_start3A_9] : memref<1000x32xf32, #tpu.memory_space<hbm>> -> memref<1000x32xf32, #tpu.memory_space<hbm>>
    tpu.enqueue_indirect_dma source(%dma_start3A_10 : memref<1000x32xf32, #tpu.memory_space<hbm>>) target(%arg15 : memref<512x32xf32, #tpu.memory_space<vmem>>) offsets(%arg11 : memref<512xi32, #tpu.memory_space<vmem>>) semaphore(%arg20 : memref<!tpu.dma_semaphore, #tpu.memory_space<semaphore_mem>>)
    %dma_start3A_11 = arith.constant 0 : i32
    %dma_start3A_12 = arith.constant 0 : i32
    %dma_start3A_13 = tpu.memref_slice %arg8[%dma_start3A_11, %dma_start3A_12] : memref<1000x32xf32, #tpu.memory_space<hbm>> -> memref<1000x32xf32, #tpu.memory_space<hbm>>
    tpu.enqueue_indirect_dma source(%dma_start3A_13 : memref<1000x32xf32, #tpu.memory_space<hbm>>) target(%arg16 : memref<512x32xf32, #tpu.memory_space<vmem>>) offsets(%arg11 : memref<512xi32, #tpu.memory_space<vmem>>) semaphore(%arg20 : memref<!tpu.dma_semaphore, #tpu.memory_space<semaphore_mem>>)
    %dma_start3A_14 = arith.constant 0 : i32
    %dma_start3A_15 = arith.constant 0 : i32
    %dma_start3A_16 = tpu.memref_slice %arg5[%dma_start3A_14, %dma_start3A_15] : memref<1000000x32xf32, #tpu.memory_space<hbm>> -> memref<1000000x32xf32, #tpu.memory_space<hbm>>
    tpu.enqueue_indirect_dma source(%dma_start3A_16 : memref<1000000x32xf32, #tpu.memory_space<hbm>>) target(%arg17 : memref<512x32xf32, #tpu.memory_space<vmem>>) offsets(%arg12 : memref<512xi32, #tpu.memory_space<vmem>>) semaphore(%arg20 : memref<!tpu.dma_semaphore, #tpu.memory_space<semaphore_mem>>)
    %dma_start3A_17 = arith.constant 0 : i32
    %dma_start3A_18 = arith.constant 0 : i32
    %dma_start3A_19 = tpu.memref_slice %arg6[%dma_start3A_17, %dma_start3A_18] : memref<1000000x32xf32, #tpu.memory_space<hbm>> -> memref<1000000x32xf32, #tpu.memory_space<hbm>>
    tpu.enqueue_indirect_dma source(%dma_start3A_19 : memref<1000000x32xf32, #tpu.memory_space<hbm>>) target(%arg18 : memref<512x32xf32, #tpu.memory_space<vmem>>) offsets(%arg12 : memref<512xi32, #tpu.memory_space<vmem>>) semaphore(%arg20 : memref<!tpu.dma_semaphore, #tpu.memory_space<semaphore_mem>>)
    %dma_wait3A = arith.constant 0 : i32
    %dma_wait3A_20 = arith.constant 0 : i32
    %dma_wait3A_21 = tpu.memref_slice %arg5[%dma_wait3A, %dma_wait3A_20] : memref<1000000x32xf32, #tpu.memory_space<hbm>> -> memref<1000000x32xf32, #tpu.memory_space<hbm>>
    tpu.wait_indirect_dma semaphore(%arg20 : memref<!tpu.dma_semaphore, #tpu.memory_space<semaphore_mem>>) src(%dma_wait3A_21 : memref<1000000x32xf32, #tpu.memory_space<hbm>>) dst(%arg13 : memref<512x32xf32, #tpu.memory_space<vmem>>)
    %dma_wait3A_22 = arith.constant 0 : i32
    %dma_wait3A_23 = arith.constant 0 : i32
    %dma_wait3A_24 = tpu.memref_slice %arg6[%dma_wait3A_22, %dma_wait3A_23] : memref<1000000x32xf32, #tpu.memory_space<hbm>> -> memref<1000000x32xf32, #tpu.memory_space<hbm>>
    tpu.wait_indirect_dma semaphore(%arg20 : memref<!tpu.dma_semaphore, #tpu.memory_space<semaphore_mem>>) src(%dma_wait3A_24 : memref<1000000x32xf32, #tpu.memory_space<hbm>>) dst(%arg14 : memref<512x32xf32, #tpu.memory_space<vmem>>)
    %dma_wait3A_25 = arith.constant 0 : i32
    %dma_wait3A_26 = arith.constant 0 : i32
    %dma_wait3A_27 = tpu.memref_slice %arg7[%dma_wait3A_25, %dma_wait3A_26] : memref<1000x32xf32, #tpu.memory_space<hbm>> -> memref<1000x32xf32, #tpu.memory_space<hbm>>
    tpu.wait_indirect_dma semaphore(%arg20 : memref<!tpu.dma_semaphore, #tpu.memory_space<semaphore_mem>>) src(%dma_wait3A_27 : memref<1000x32xf32, #tpu.memory_space<hbm>>) dst(%arg15 : memref<512x32xf32, #tpu.memory_space<vmem>>)
    %dma_wait3A_28 = arith.constant 0 : i32
    %dma_wait3A_29 = arith.constant 0 : i32
    %dma_wait3A_30 = tpu.memref_slice %arg8[%dma_wait3A_28, %dma_wait3A_29] : memref<1000x32xf32, #tpu.memory_space<hbm>> -> memref<1000x32xf32, #tpu.memory_space<hbm>>
    tpu.wait_indirect_dma semaphore(%arg20 : memref<!tpu.dma_semaphore, #tpu.memory_space<semaphore_mem>>) src(%dma_wait3A_30 : memref<1000x32xf32, #tpu.memory_space<hbm>>) dst(%arg16 : memref<512x32xf32, #tpu.memory_space<vmem>>)
    %dma_wait3A_31 = arith.constant 0 : i32
    %dma_wait3A_32 = arith.constant 0 : i32
    %dma_wait3A_33 = tpu.memref_slice %arg5[%dma_wait3A_31, %dma_wait3A_32] : memref<1000000x32xf32, #tpu.memory_space<hbm>> -> memref<1000000x32xf32, #tpu.memory_space<hbm>>
    tpu.wait_indirect_dma semaphore(%arg20 : memref<!tpu.dma_semaphore, #tpu.memory_space<semaphore_mem>>) src(%dma_wait3A_33 : memref<1000000x32xf32, #tpu.memory_space<hbm>>) dst(%arg17 : memref<512x32xf32, #tpu.memory_space<vmem>>)
    %dma_wait3A_34 = arith.constant 0 : i32
    %dma_wait3A_35 = arith.constant 0 : i32
    %dma_wait3A_36 = tpu.memref_slice %arg6[%dma_wait3A_34, %dma_wait3A_35] : memref<1000000x32xf32, #tpu.memory_space<hbm>> -> memref<1000000x32xf32, #tpu.memory_space<hbm>>
    tpu.wait_indirect_dma semaphore(%arg20 : memref<!tpu.dma_semaphore, #tpu.memory_space<semaphore_mem>>) src(%dma_wait3A_36 : memref<1000000x32xf32, #tpu.memory_space<hbm>>) dst(%arg18 : memref<512x32xf32, #tpu.memory_space<vmem>>)
    %iota3A = tpu.iota {dimensions = array<i32: 0>} : vector<16xi32>
    %xor3A = arith.constant 8 : i32
    %xor3A_37 = vector.broadcast %xor3A : i32 to vector<16xi32>
    %xor3A_38 = arith.xori %iota3A, %xor3A_37 : vector<16xi32>
    %xor3A_39 = arith.constant 4 : i32
    %xor3A_40 = vector.broadcast %xor3A_39 : i32 to vector<16xi32>
    %xor3A_41 = arith.xori %iota3A, %xor3A_40 : vector<16xi32>
    %xor3A_42 = arith.constant 2 : i32
    %xor3A_43 = vector.broadcast %xor3A_42 : i32 to vector<16xi32>
    %xor3A_44 = arith.xori %iota3A, %xor3A_43 : vector<16xi32>
    %xor3A_45 = arith.constant 1 : i32
    %xor3A_46 = vector.broadcast %xor3A_45 : i32 to vector<16xi32>
    %xor3A_47 = arith.xori %iota3A, %xor3A_46 : vector<16xi32>
    %scan3A = arith.constant 0 : i32
    %scan3A_48 = arith.constant 0 : i32
    %scan3A_49 = arith.constant 32 : i32
    %scan3A_50 = arith.addi %scan3A_48, %scan3A_49 : i32
    %scan3A_51 = arith.constant 1 : i32
    scf.for %scan3A_53 = %scan3A_48 to %scan3A_50 step %scan3A_51  : i32 {
      %broadcast_in_dim3A = arith.constant 0.000000e+00 : f32
      %broadcast_in_dim3A_54 = vector.broadcast %broadcast_in_dim3A : f32 to vector<16xf32>
      %mul3A_55 = arith.constant 16 : i32
      %mul3A_56 = arith.muli %scan3A_53, %mul3A_55 : i32
      %add3A_57 = arith.constant 0 : i32
      %add3A_58 = arith.addi %mul3A_56, %add3A_57 : i32
      %get3A = arith.index_cast %add3A_58 : i32 to index
      %get3A_59 = arith.constant 0 : index
      %get3A_60 = tpu.vector_load %arg13[%get3A, %get3A_59] {strides = array<i32>} : memref<512x32xf32, #tpu.memory_space<vmem>>, vector<1x16xf32>,
      %get3A_61 = vector.shape_cast %get3A_60 : vector<1x16xf32> to vector<16xf32>
      %get3A_62 = arith.index_cast %add3A_58 : i32 to index
      %get3A_63 = arith.constant 16 : index
      %get3A_64 = tpu.vector_load %arg13[%get3A_62, %get3A_63] {strides = array<i32>} : memref<512x32xf32, #tpu.memory_space<vmem>>, vector<1x16xf32>,
      %get3A_65 = vector.shape_cast %get3A_64 : vector<1x16xf32> to vector<16xf32>
      %get3A_66 = arith.index_cast %add3A_58 : i32 to index
      %get3A_67 = arith.constant 0 : index
      %get3A_68 = tpu.vector_load %arg14[%get3A_66, %get3A_67] {strides = array<i32>} : memref<512x32xf32, #tpu.memory_space<vmem>>, vector<1x16xf32>,
      %get3A_69 = vector.shape_cast %get3A_68 : vector<1x16xf32> to vector<16xf32>
      %get3A_70 = arith.index_cast %add3A_58 : i32 to index
      %get3A_71 = arith.constant 16 : index
      %get3A_72 = tpu.vector_load %arg14[%get3A_70, %get3A_71] {strides = array<i32>} : memref<512x32xf32, #tpu.memory_space<vmem>>, vector<1x16xf32>,
      %get3A_73 = vector.shape_cast %get3A_72 : vector<1x16xf32> to vector<16xf32>
      %get3A_74 = arith.index_cast %add3A_58 : i32 to index
      %get3A_75 = arith.constant 0 : index
      %get3A_76 = tpu.vector_load %arg15[%get3A_74, %get3A_75] {strides = array<i32>} : memref<512x32xf32, #tpu.memory_space<vmem>>, vector<1x16xf32>,
      %get3A_77 = vector.shape_cast %get3A_76 : vector<1x16xf32> to vector<16xf32>
      %get3A_78 = arith.index_cast %add3A_58 : i32 to index
      %get3A_79 = arith.constant 16 : index
      %get3A_80 = tpu.vector_load %arg15[%get3A_78, %get3A_79] {strides = array<i32>} : memref<512x32xf32, #tpu.memory_space<vmem>>, vector<1x16xf32>,
      %get3A_81 = vector.shape_cast %get3A_80 : vector<1x16xf32> to vector<16xf32>
      %get3A_82 = arith.index_cast %add3A_58 : i32 to index
      %get3A_83 = arith.constant 0 : index
      %get3A_84 = tpu.vector_load %arg16[%get3A_82, %get3A_83] {strides = array<i32>} : memref<512x32xf32, #tpu.memory_space<vmem>>, vector<1x16xf32>,
      %get3A_85 = vector.shape_cast %get3A_84 : vector<1x16xf32> to vector<16xf32>
      %get3A_86 = arith.index_cast %add3A_58 : i32 to index
      %get3A_87 = arith.constant 16 : index
      %get3A_88 = tpu.vector_load %arg16[%get3A_86, %get3A_87] {strides = array<i32>} : memref<512x32xf32, #tpu.memory_space<vmem>>, vector<1x16xf32>,
      %get3A_89 = vector.shape_cast %get3A_88 : vector<1x16xf32> to vector<16xf32>
      %get3A_90 = arith.index_cast %add3A_58 : i32 to index
      %get3A_91 = arith.constant 0 : index
      %get3A_92 = tpu.vector_load %arg17[%get3A_90, %get3A_91] {strides = array<i32>} : memref<512x32xf32, #tpu.memory_space<vmem>>, vector<1x16xf32>,
      %get3A_93 = vector.shape_cast %get3A_92 : vector<1x16xf32> to vector<16xf32>
      %get3A_94 = arith.index_cast %add3A_58 : i32 to index
      %get3A_95 = arith.constant 16 : index
      %get3A_96 = tpu.vector_load %arg17[%get3A_94, %get3A_95] {strides = array<i32>} : memref<512x32xf32, #tpu.memory_space<vmem>>, vector<1x16xf32>,
      %get3A_97 = vector.shape_cast %get3A_96 : vector<1x16xf32> to vector<16xf32>
      %get3A_98 = arith.index_cast %add3A_58 : i32 to index
      %get3A_99 = arith.constant 0 : index
      %get3A_100 = tpu.vector_load %arg18[%get3A_98, %get3A_99] {strides = array<i32>} : memref<512x32xf32, #tpu.memory_space<vmem>>, vector<1x16xf32>,
      %get3A_101 = vector.shape_cast %get3A_100 : vector<1x16xf32> to vector<16xf32>
      %get3A_102 = arith.index_cast %add3A_58 : i32 to index
      %get3A_103 = arith.constant 16 : index
      %get3A_104 = tpu.vector_load %arg18[%get3A_102, %get3A_103] {strides = array<i32>} : memref<512x32xf32, #tpu.memory_space<vmem>>, vector<1x16xf32>,
      %get3A_105 = vector.shape_cast %get3A_104 : vector<1x16xf32> to vector<16xf32>
      %mul3A_106 = arith.mulf %get3A_77, %get3A_61 : vector<16xf32>
      %mul3A_107 = arith.mulf %get3A_85, %get3A_69 : vector<16xf32>
      %sub3A = arith.subf %mul3A_106, %mul3A_107 : vector<16xf32>
      %mul3A_108 = arith.mulf %get3A_77, %get3A_69 : vector<16xf32>
      %mul3A_109 = arith.mulf %get3A_85, %get3A_61 : vector<16xf32>
      %add3A_110 = arith.addf %mul3A_108, %mul3A_109 : vector<16xf32>
      %mul3A_111 = arith.mulf %get3A_81, %get3A_65 : vector<16xf32>
      %mul3A_112 = arith.mulf %get3A_89, %get3A_73 : vector<16xf32>
      %sub3A_113 = arith.subf %mul3A_111, %mul3A_112 : vector<16xf32>
      %mul3A_114 = arith.mulf %get3A_81, %get3A_73 : vector<16xf32>
      %mul3A_115 = arith.mulf %get3A_89, %get3A_65 : vector<16xf32>
      %add3A_116 = arith.addf %mul3A_114, %mul3A_115 : vector<16xf32>
      %mul3A_117 = arith.mulf %sub3A, %get3A_93 : vector<16xf32>
      %mul3A_118 = arith.mulf %add3A_110, %get3A_101 : vector<16xf32>
      %add3A_119 = arith.addf %mul3A_117, %mul3A_118 : vector<16xf32>
      %mul3A_120 = arith.mulf %sub3A_113, %get3A_97 : vector<16xf32>
      %mul3A_121 = arith.mulf %add3A_116, %get3A_105 : vector<16xf32>
      %add3A_122 = arith.addf %mul3A_120, %mul3A_121 : vector<16xf32>
      %add3A_123 = arith.addf %add3A_119, %add3A_122 : vector<16xf32>
      %broadcast_in_dim3A_124 = vector.shape_cast %xor3A_38 : vector<16xi32> to vector<16x1xi32>
      %gather3A = vector.shape_cast %broadcast_in_dim3A_124 : vector<16x1xi32> to vector<16xi32>
      %gather3A_125 = tpu.dynamic_gather %add3A_123[%gather3A] in [0] : vector<16xf32>, vector<16xi32> -> vector<16xf32>
      %add3A_126 = arith.addf %add3A_123, %gather3A_125 : vector<16xf32>
      %broadcast_in_dim3A_127 = vector.shape_cast %xor3A_41 : vector<16xi32> to vector<16x1xi32>
      %gather3A_128 = vector.shape_cast %broadcast_in_dim3A_127 : vector<16x1xi32> to vector<16xi32>
      %gather3A_129 = tpu.dynamic_gather %add3A_126[%gather3A_128] in [0] : vector<16xf32>, vector<16xi32> -> vector<16xf32>
      %add3A_130 = arith.addf %add3A_126, %gather3A_129 : vector<16xf32>
      %broadcast_in_dim3A_131 = vector.shape_cast %xor3A_44 : vector<16xi32> to vector<16x1xi32>
      %gather3A_132 = vector.shape_cast %broadcast_in_dim3A_131 : vector<16x1xi32> to vector<16xi32>
      %gather3A_133 = tpu.dynamic_gather %add3A_130[%gather3A_132] in [0] : vector<16xf32>, vector<16xi32> -> vector<16xf32>
      %add3A_134 = arith.addf %add3A_130, %gather3A_133 : vector<16xf32>
      %broadcast_in_dim3A_135 = vector.shape_cast %xor3A_47 : vector<16xi32> to vector<16x1xi32>
      %gather3A_136 = vector.shape_cast %broadcast_in_dim3A_135 : vector<16x1xi32> to vector<16xi32>
      %gather3A_137 = tpu.dynamic_gather %add3A_134[%gather3A_136] in [0] : vector<16xf32>, vector<16xi32> -> vector<16xf32>
      %add3A_138 = arith.addf %add3A_134, %gather3A_137 : vector<16xf32>
      %eq3A = arith.constant 0 : i32
      %eq3A_139 = vector.broadcast %eq3A : i32 to vector<16xi32>
      %eq3A_140 = arith.cmpi eq, %iota3A, %eq3A_139 : vector<16xi32>
      %select_n3A = arith.select %eq3A_140, %add3A_138, %broadcast_in_dim3A_54 : vector<16xi1>, vector<16xf32>
      %mul3A_141 = arith.constant 16 : i32
      %mul3A_142 = arith.muli %scan3A_53, %mul3A_141 : i32
      %add3A_143 = arith.constant 1 : i32
      %add3A_144 = arith.addi %mul3A_142, %add3A_143 : i32
      %get3A_145 = arith.index_cast %add3A_144 : i32 to index
      %get3A_146 = arith.constant 0 : index
      %get3A_147 = tpu.vector_load %arg13[%get3A_145, %get3A_146] {strides = array<i32>} : memref<512x32xf32, #tpu.memory_space<vmem>>, vector<1x16xf32>,
      %get3A_148 = vector.shape_cast %get3A_147 : vector<1x16xf32> to vector<16xf32>
      %get3A_149 = arith.index_cast %add3A_144 : i32 to index
      %get3A_150 = arith.constant 16 : index
      %get3A_151 = tpu.vector_load %arg13[%get3A_149, %get3A_150] {strides = array<i32>} : memref<512x32xf32, #tpu.memory_space<vmem>>, vector<1x16xf32>,
      %get3A_152 = vector.shape_cast %get3A_151 : vector<1x16xf32> to vector<16xf32>
      %get3A_153 = arith.index_cast %add3A_144 : i32 to index
      %get3A_154 = arith.constant 0 : index
      %get3A_155 = tpu.vector_load %arg14[%get3A_153, %get3A_154] {strides = array<i32>} : memref<512x32xf32, #tpu.memory_space<vmem>>, vector<1x16xf32>,
      %get3A_156 = vector.shape_cast %get3A_155 : vector<1x16xf32> to vector<16xf32>
      %get3A_157 = arith.index_cast %add3A_144 : i32 to index
      %get3A_158 = arith.constant 16 : index
      %get3A_159 = tpu.vector_load %arg14[%get3A_157, %get3A_158] {strides = array<i32>} : memref<512x32xf32, #tpu.memory_space<vmem>>, vector<1x16xf32>,
      %get3A_160 = vector.shape_cast %get3A_159 : vector<1x16xf32> to vector<16xf32>
      %get3A_161 = arith.index_cast %add3A_144 : i32 to index
      %get3A_162 = arith.constant 0 : index
      %get3A_163 = tpu.vector_load %arg15[%get3A_161, %get3A_162] {strides = array<i32>} : memref<512x32xf32, #tpu.memory_space<vmem>>, vector<1x16xf32>,
      %get3A_164 = vector.shape_cast %get3A_163 : vector<1x16xf32> to vector<16xf32>
      %get3A_165 = arith.index_cast %add3A_144 : i32 to index
      %get3A_166 = arith.constant 16 : index
      %get3A_167 = tpu.vector_load %arg15[%get3A_165, %get3A_166] {strides = array<i32>} : memref<512x32xf32, #tpu.memory_space<vmem>>, vector<1x16xf32>,
      %get3A_168 = vector.shape_cast %get3A_167 : vector<1x16xf32> to vector<16xf32>
      %get3A_169 = arith.index_cast %add3A_144 : i32 to index
      %get3A_170 = arith.constant 0 : index
      %get3A_171 = tpu.vector_load %arg16[%get3A_169, %get3A_170] {strides = array<i32>} : memref<512x32xf32, #tpu.memory_space<vmem>>, vector<1x16xf32>,
      %get3A_172 = vector.shape_cast %get3A_171 : vector<1x16xf32> to vector<16xf32>
      %get3A_173 = arith.index_cast %add3A_144 : i32 to index
      %get3A_174 = arith.constant 16 : index
      %get3A_175 = tpu.vector_load %arg16[%get3A_173, %get3A_174] {strides = array<i32>} : memref<512x32xf32, #tpu.memory_space<vmem>>, vector<1x16xf32>,
      %get3A_176 = vector.shape_cast %get3A_175 : vector<1x16xf32> to vector<16xf32>
      %get3A_177 = arith.index_cast %add3A_144 : i32 to index
      %get3A_178 = arith.constant 0 : index
      %get3A_179 = tpu.vector_load %arg17[%get3A_177, %get3A_178] {strides = array<i32>} : memref<512x32xf32, #tpu.memory_space<vmem>>, vector<1x16xf32>,
      %get3A_180 = vector.shape_cast %get3A_179 : vector<1x16xf32> to vector<16xf32>
      %get3A_181 = arith.index_cast %add3A_144 : i32 to index
      %get3A_182 = arith.constant 16 : index
      %get3A_183 = tpu.vector_load %arg17[%get3A_181, %get3A_182] {strides = array<i32>} : memref<512x32xf32, #tpu.memory_space<vmem>>, vector<1x16xf32>,
      %get3A_184 = vector.shape_cast %get3A_183 : vector<1x16xf32> to vector<16xf32>
      %get3A_185 = arith.index_cast %add3A_144 : i32 to index
      %get3A_186 = arith.constant 0 : index
      %get3A_187 = tpu.vector_load %arg18[%get3A_185, %get3A_186] {strides = array<i32>} : memref<512x32xf32, #tpu.memory_space<vmem>>, vector<1x16xf32>,
      %get3A_188 = vector.shape_cast %get3A_187 : vector<1x16xf32> to vector<16xf32>
      %get3A_189 = arith.index_cast %add3A_144 : i32 to index
      %get3A_190 = arith.constant 16 : index
      %get3A_191 = tpu.vector_load %arg18[%get3A_189, %get3A_190] {strides = array<i32>} : memref<512x32xf32, #tpu.memory_space<vmem>>, vector<1x16xf32>,
      %get3A_192 = vector.shape_cast %get3A_191 : vector<1x16xf32> to vector<16xf32>
      %mul3A_193 = arith.mulf %get3A_164, %get3A_148 : vector<16xf32>
      %mul3A_194 = arith.mulf %get3A_172, %get3A_156 : vector<16xf32>
      %sub3A_195 = arith.subf %mul3A_193, %mul3A_194 : vector<16xf32>
      %mul3A_196 = arith.mulf %get3A_164, %get3A_156 : vector<16xf32>
      %mul3A_197 = arith.mulf %get3A_172, %get3A_148 : vector<16xf32>
      %add3A_198 = arith.addf %mul3A_196, %mul3A_197 : vector<16xf32>
      %mul3A_199 = arith.mulf %get3A_168, %get3A_152 : vector<16xf32>
      %mul3A_200 = arith.mulf %get3A_176, %get3A_160 : vector<16xf32>
      %sub3A_201 = arith.subf %mul3A_199, %mul3A_200 : vector<16xf32>
      %mul3A_202 = arith.mulf %get3A_168, %get3A_160 : vector<16xf32>
      %mul3A_203 = arith.mulf %get3A_176, %get3A_152 : vector<16xf32>
      %add3A_204 = arith.addf %mul3A_202, %mul3A_203 : vector<16xf32>
      %mul3A_205 = arith.mulf %sub3A_195, %get3A_180 : vector<16xf32>
      %mul3A_206 = arith.mulf %add3A_198, %get3A_188 : vector<16xf32>
      %add3A_207 = arith.addf %mul3A_205, %mul3A_206 : vector<16xf32>
      %mul3A_208 = arith.mulf %sub3A_201, %get3A_184 : vector<16xf32>
      %mul3A_209 = arith.mulf %add3A_204, %get3A_192 : vector<16xf32>
      %add3A_210 = arith.addf %mul3A_208, %mul3A_209 : vector<16xf32>
      %add3A_211 = arith.addf %add3A_207, %add3A_210 : vector<16xf32>
      %broadcast_in_dim3A_212 = vector.shape_cast %xor3A_38 : vector<16xi32> to vector<16x1xi32>
      %gather3A_213 = vector.shape_cast %broadcast_in_dim3A_212 : vector<16x1xi32> to vector<16xi32>
      %gather3A_214 = tpu.dynamic_gather %add3A_211[%gather3A_213] in [0] : vector<16xf32>, vector<16xi32> -> vector<16xf32>
      %add3A_215 = arith.addf %add3A_211, %gather3A_214 : vector<16xf32>
      %broadcast_in_dim3A_216 = vector.shape_cast %xor3A_41 : vector<16xi32> to vector<16x1xi32>
      %gather3A_217 = vector.shape_cast %broadcast_in_dim3A_216 : vector<16x1xi32> to vector<16xi32>
      %gather3A_218 = tpu.dynamic_gather %add3A_215[%gather3A_217] in [0] : vector<16xf32>, vector<16xi32> -> vector<16xf32>
      %add3A_219 = arith.addf %add3A_215, %gather3A_218 : vector<16xf32>
      %broadcast_in_dim3A_220 = vector.shape_cast %xor3A_44 : vector<16xi32> to vector<16x1xi32>
      %gather3A_221 = vector.shape_cast %broadcast_in_dim3A_220 : vector<16x1xi32> to vector<16xi32>
      %gather3A_222 = tpu.dynamic_gather %add3A_219[%gather3A_221] in [0] : vector<16xf32>, vector<16xi32> -> vector<16xf32>
      %add3A_223 = arith.addf %add3A_219, %gather3A_222 : vector<16xf32>
      %broadcast_in_dim3A_224 = vector.shape_cast %xor3A_47 : vector<16xi32> to vector<16x1xi32>
      %gather3A_225 = vector.shape_cast %broadcast_in_dim3A_224 : vector<16x1xi32> to vector<16xi32>
      %gather3A_226 = tpu.dynamic_gather %add3A_223[%gather3A_225] in [0] : vector<16xf32>, vector<16xi32> -> vector<16xf32>
      %add3A_227 = arith.addf %add3A_223, %gather3A_226 : vector<16xf32>
      %eq3A_228 = arith.constant 1 : i32
      %eq3A_229 = vector.broadcast %eq3A_228 : i32 to vector<16xi32>
      %eq3A_230 = arith.cmpi eq, %iota3A, %eq3A_229 : vector<16xi32>
      %select_n3A_231 = arith.select %eq3A_230, %add3A_227, %select_n3A : vector<16xi1>, vector<16xf32>
      %mul3A_232 = arith.constant 16 : i32
      %mul3A_233 = arith.muli %scan3A_53, %mul3A_232 : i32
      %add3A_234 = arith.constant 2 : i32
      %add3A_235 = arith.addi %mul3A_233, %add3A_234 : i32
      %get3A_236 = arith.index_cast %add3A_235 : i32 to index
      %get3A_237 = arith.constant 0 : index
      %get3A_238 = tpu.vector_load %arg13[%get3A_236, %get3A_237] {strides = array<i32>} : memref<512x32xf32, #tpu.memory_space<vmem>>, vector<1x16xf32>,
      %get3A_239 = vector.shape_cast %get3A_238 : vector<1x16xf32> to vector<16xf32>
      %get3A_240 = arith.index_cast %add3A_235 : i32 to index
      %get3A_241 = arith.constant 16 : index
      %get3A_242 = tpu.vector_load %arg13[%get3A_240, %get3A_241] {strides = array<i32>} : memref<512x32xf32, #tpu.memory_space<vmem>>, vector<1x16xf32>,
      %get3A_243 = vector.shape_cast %get3A_242 : vector<1x16xf32> to vector<16xf32>
      %get3A_244 = arith.index_cast %add3A_235 : i32 to index
      %get3A_245 = arith.constant 0 : index
      %get3A_246 = tpu.vector_load %arg14[%get3A_244, %get3A_245] {strides = array<i32>} : memref<512x32xf32, #tpu.memory_space<vmem>>, vector<1x16xf32>,
      %get3A_247 = vector.shape_cast %get3A_246 : vector<1x16xf32> to vector<16xf32>
      %get3A_248 = arith.index_cast %add3A_235 : i32 to index
      %get3A_249 = arith.constant 16 : index
      %get3A_250 = tpu.vector_load %arg14[%get3A_248, %get3A_249] {strides = array<i32>} : memref<512x32xf32, #tpu.memory_space<vmem>>, vector<1x16xf32>,
      %get3A_251 = vector.shape_cast %get3A_250 : vector<1x16xf32> to vector<16xf32>
      %get3A_252 = arith.index_cast %add3A_235 : i32 to index
      %get3A_253 = arith.constant 0 : index
      %get3A_254 = tpu.vector_load %arg15[%get3A_252, %get3A_253] {strides = array<i32>} : memref<512x32xf32, #tpu.memory_space<vmem>>, vector<1x16xf32>,
      %get3A_255 = vector.shape_cast %get3A_254 : vector<1x16xf32> to vector<16xf32>
      %get3A_256 = arith.index_cast %add3A_235 : i32 to index
      %get3A_257 = arith.constant 16 : index
      %get3A_258 = tpu.vector_load %arg15[%get3A_256, %get3A_257] {strides = array<i32>} : memref<512x32xf32, #tpu.memory_space<vmem>>, vector<1x16xf32>,
      %get3A_259 = vector.shape_cast %get3A_258 : vector<1x16xf32> to vector<16xf32>
      %get3A_260 = arith.index_cast %add3A_235 : i32 to index
      %get3A_261 = arith.constant 0 : index
      %get3A_262 = tpu.vector_load %arg16[%get3A_260, %get3A_261] {strides = array<i32>} : memref<512x32xf32, #tpu.memory_space<vmem>>, vector<1x16xf32>,
      %get3A_263 = vector.shape_cast %get3A_262 : vector<1x16xf32> to vector<16xf32>
      %get3A_264 = arith.index_cast %add3A_235 : i32 to index
      %get3A_265 = arith.constant 16 : index
      %get3A_266 = tpu.vector_load %arg16[%get3A_264, %get3A_265] {strides = array<i32>} : memref<512x32xf32, #tpu.memory_space<vmem>>, vector<1x16xf32>,
      %get3A_267 = vector.shape_cast %get3A_266 : vector<1x16xf32> to vector<16xf32>
      %get3A_268 = arith.index_cast %add3A_235 : i32 to index
      %get3A_269 = arith.constant 0 : index
      %get3A_270 = tpu.vector_load %arg17[%get3A_268, %get3A_269] {strides = array<i32>} : memref<512x32xf32, #tpu.memory_space<vmem>>, vector<1x16xf32>,
      %get3A_271 = vector.shape_cast %get3A_270 : vector<1x16xf32> to vector<16xf32>
      %get3A_272 = arith.index_cast %add3A_235 : i32 to index
      %get3A_273 = arith.constant 16 : index
      %get3A_274 = tpu.vector_load %arg17[%get3A_272, %get3A_273] {strides = array<i32>} : memref<512x32xf32, #tpu.memory_space<vmem>>, vector<1x16xf32>,
      %get3A_275 = vector.shape_cast %get3A_274 : vector<1x16xf32> to vector<16xf32>
      %get3A_276 = arith.index_cast %add3A_235 : i32 to index
      %get3A_277 = arith.constant 0 : index
      %get3A_278 = tpu.vector_load %arg18[%get3A_276, %get3A_277] {strides = array<i32>} : memref<512x32xf32, #tpu.memory_space<vmem>>, vector<1x16xf32>,
      %get3A_279 = vector.shape_cast %get3A_278 : vector<1x16xf32> to vector<16xf32>
      %get3A_280 = arith.index_cast %add3A_235 : i32 to index
      %get3A_281 = arith.constant 16 : index
      %get3A_282 = tpu.vector_load %arg18[%get3A_280, %get3A_281] {strides = array<i32>} : memref<512x32xf32, #tpu.memory_space<vmem>>, vector<1x16xf32>,
      %get3A_283 = vector.shape_cast %get3A_282 : vector<1x16xf32> to vector<16xf32>
      %mul3A_284 = arith.mulf %get3A_255, %get3A_239 : vector<16xf32>
      %mul3A_285 = arith.mulf %get3A_263, %get3A_247 : vector<16xf32>
      %sub3A_286 = arith.subf %mul3A_284, %mul3A_285 : vector<16xf32>
      %mul3A_287 = arith.mulf %get3A_255, %get3A_247 : vector<16xf32>
      %mul3A_288 = arith.mulf %get3A_263, %get3A_239 : vector<16xf32>
      %add3A_289 = arith.addf %mul3A_287, %mul3A_288 : vector<16xf32>
      %mul3A_290 = arith.mulf %get3A_259, %get3A_243 : vector<16xf32>
      %mul3A_291 = arith.mulf %get3A_267, %get3A_251 : vector<16xf32>
      %sub3A_292 = arith.subf %mul3A_290, %mul3A_291 : vector<16xf32>
      %mul3A_293 = arith.mulf %get3A_259, %get3A_251 : vector<16xf32>
      %mul3A_294 = arith.mulf %get3A_267, %get3A_243 : vector<16xf32>
      %add3A_295 = arith.addf %mul3A_293, %mul3A_294 : vector<16xf32>
      %mul3A_296 = arith.mulf %sub3A_286, %get3A_271 : vector<16xf32>
      %mul3A_297 = arith.mulf %add3A_289, %get3A_279 : vector<16xf32>
      %add3A_298 = arith.addf %mul3A_296, %mul3A_297 : vector<16xf32>
      %mul3A_299 = arith.mulf %sub3A_292, %get3A_275 : vector<16xf32>
      %mul3A_300 = arith.mulf %add3A_295, %get3A_283 : vector<16xf32>
      %add3A_301 = arith.addf %mul3A_299, %mul3A_300 : vector<16xf32>
      %add3A_302 = arith.addf %add3A_298, %add3A_301 : vector<16xf32>
      %broadcast_in_dim3A_303 = vector.shape_cast %xor3A_38 : vector<16xi32> to vector<16x1xi32>
      %gather3A_304 = vector.shape_cast %broadcast_in_dim3A_303 : vector<16x1xi32> to vector<16xi32>
      %gather3A_305 = tpu.dynamic_gather %add3A_302[%gather3A_304] in [0] : vector<16xf32>, vector<16xi32> -> vector<16xf32>
      %add3A_306 = arith.addf %add3A_302, %gather3A_305 : vector<16xf32>
      %broadcast_in_dim3A_307 = vector.shape_cast %xor3A_41 : vector<16xi32> to vector<16x1xi32>
      %gather3A_308 = vector.shape_cast %broadcast_in_dim3A_307 : vector<16x1xi32> to vector<16xi32>
      %gather3A_309 = tpu.dynamic_gather %add3A_306[%gather3A_308] in [0] : vector<16xf32>, vector<16xi32> -> vector<16xf32>
      %add3A_310 = arith.addf %add3A_306, %gather3A_309 : vector<16xf32>
      %broadcast_in_dim3A_311 = vector.shape_cast %xor3A_44 : vector<16xi32> to vector<16x1xi32>
      %gather3A_312 = vector.shape_cast %broadcast_in_dim3A_311 : vector<16x1xi32> to vector<16xi32>
      %gather3A_313 = tpu.dynamic_gather %add3A_310[%gather3A_312] in [0] : vector<16xf32>, vector<16xi32> -> vector<16xf32>
      %add3A_314 = arith.addf %add3A_310, %gather3A_313 : vector<16xf32>
      %broadcast_in_dim3A_315 = vector.shape_cast %xor3A_47 : vector<16xi32> to vector<16x1xi32>
      %gather3A_316 = vector.shape_cast %broadcast_in_dim3A_315 : vector<16x1xi32> to vector<16xi32>
      %gather3A_317 = tpu.dynamic_gather %add3A_314[%gather3A_316] in [0] : vector<16xf32>, vector<16xi32> -> vector<16xf32>
      %add3A_318 = arith.addf %add3A_314, %gather3A_317 : vector<16xf32>
      %eq3A_319 = arith.constant 2 : i32
      %eq3A_320 = vector.broadcast %eq3A_319 : i32 to vector<16xi32>
      %eq3A_321 = arith.cmpi eq, %iota3A, %eq3A_320 : vector<16xi32>
      %select_n3A_322 = arith.select %eq3A_321, %add3A_318, %select_n3A_231 : vector<16xi1>, vector<16xf32>
      %mul3A_323 = arith.constant 16 : i32
      %mul3A_324 = arith.muli %scan3A_53, %mul3A_323 : i32
      %add3A_325 = arith.constant 3 : i32
      %add3A_326 = arith.addi %mul3A_324, %add3A_325 : i32
      %get3A_327 = arith.index_cast %add3A_326 : i32 to index
      %get3A_328 = arith.constant 0 : index
      %get3A_329 = tpu.vector_load %arg13[%get3A_327, %get3A_328] {strides = array<i32>} : memref<512x32xf32, #tpu.memory_space<vmem>>, vector<1x16xf32>,
      %get3A_330 = vector.shape_cast %get3A_329 : vector<1x16xf32> to vector<16xf32>
      %get3A_331 = arith.index_cast %add3A_326 : i32 to index
      %get3A_332 = arith.constant 16 : index
      %get3A_333 = tpu.vector_load %arg13[%get3A_331, %get3A_332] {strides = array<i32>} : memref<512x32xf32, #tpu.memory_space<vmem>>, vector<1x16xf32>,
      %get3A_334 = vector.shape_cast %get3A_333 : vector<1x16xf32> to vector<16xf32>
      %get3A_335 = arith.index_cast %add3A_326 : i32 to index
      %get3A_336 = arith.constant 0 : index
      %get3A_337 = tpu.vector_load %arg14[%get3A_335, %get3A_336] {strides = array<i32>} : memref<512x32xf32, #tpu.memory_space<vmem>>, vector<1x16xf32>,
      %get3A_338 = vector.shape_cast %get3A_337 : vector<1x16xf32> to vector<16xf32>
      %get3A_339 = arith.index_cast %add3A_326 : i32 to index
      %get3A_340 = arith.constant 16 : index
      %get3A_341 = tpu.vector_load %arg14[%get3A_339, %get3A_340] {strides = array<i32>} : memref<512x32xf32, #tpu.memory_space<vmem>>, vector<1x16xf32>,
      %get3A_342 = vector.shape_cast %get3A_341 : vector<1x16xf32> to vector<16xf32>
      %get3A_343 = arith.index_cast %add3A_326 : i32 to index
      %get3A_344 = arith.constant 0 : index
      %get3A_345 = tpu.vector_load %arg15[%get3A_343, %get3A_344] {strides = array<i32>} : memref<512x32xf32, #tpu.memory_space<vmem>>, vector<1x16xf32>,
      %get3A_346 = vector.shape_cast %get3A_345 : vector<1x16xf32> to vector<16xf32>
      %get3A_347 = arith.index_cast %add3A_326 : i32 to index
      %get3A_348 = arith.constant 16 : index
      %get3A_349 = tpu.vector_load %arg15[%get3A_347, %get3A_348] {strides = array<i32>} : memref<512x32xf32, #tpu.memory_space<vmem>>, vector<1x16xf32>,
      %get3A_350 = vector.shape_cast %get3A_349 : vector<1x16xf32> to vector<16xf32>
      %get3A_351 = arith.index_cast %add3A_326 : i32 to index
      %get3A_352 = arith.constant 0 : index
      %get3A_353 = tpu.vector_load %arg16[%get3A_351, %get3A_352] {strides = array<i32>} : memref<512x32xf32, #tpu.memory_space<vmem>>, vector<1x16xf32>,
      %get3A_354 = vector.shape_cast %get3A_353 : vector<1x16xf32> to vector<16xf32>
      %get3A_355 = arith.index_cast %add3A_326 : i32 to index
      %get3A_356 = arith.constant 16 : index
      %get3A_357 = tpu.vector_load %arg16[%get3A_355, %get3A_356] {strides = array<i32>} : memref<512x32xf32, #tpu.memory_space<vmem>>, vector<1x16xf32>,
      %get3A_358 = vector.shape_cast %get3A_357 : vector<1x16xf32> to vector<16xf32>
      %get3A_359 = arith.index_cast %add3A_326 : i32 to index
      %get3A_360 = arith.constant 0 : index
      %get3A_361 = tpu.vector_load %arg17[%get3A_359, %get3A_360] {strides = array<i32>} : memref<512x32xf32, #tpu.memory_space<vmem>>, vector<1x16xf32>,
      %get3A_362 = vector.shape_cast %get3A_361 : vector<1x16xf32> to vector<16xf32>
      %get3A_363 = arith.index_cast %add3A_326 : i32 to index
      %get3A_364 = arith.constant 16 : index
      %get3A_365 = tpu.vector_load %arg17[%get3A_363, %get3A_364] {strides = array<i32>} : memref<512x32xf32, #tpu.memory_space<vmem>>, vector<1x16xf32>,
      %get3A_366 = vector.shape_cast %get3A_365 : vector<1x16xf32> to vector<16xf32>
      %get3A_367 = arith.index_cast %add3A_326 : i32 to index
      %get3A_368 = arith.constant 0 : index
      %get3A_369 = tpu.vector_load %arg18[%get3A_367, %get3A_368] {strides = array<i32>} : memref<512x32xf32, #tpu.memory_space<vmem>>, vector<1x16xf32>,
      %get3A_370 = vector.shape_cast %get3A_369 : vector<1x16xf32> to vector<16xf32>
      %get3A_371 = arith.index_cast %add3A_326 : i32 to index
      %get3A_372 = arith.constant 16 : index
      %get3A_373 = tpu.vector_load %arg18[%get3A_371, %get3A_372] {strides = array<i32>} : memref<512x32xf32, #tpu.memory_space<vmem>>, vector<1x16xf32>,
      %get3A_374 = vector.shape_cast %get3A_373 : vector<1x16xf32> to vector<16xf32>
      %mul3A_375 = arith.mulf %get3A_346, %get3A_330 : vector<16xf32>
      %mul3A_376 = arith.mulf %get3A_354, %get3A_338 : vector<16xf32>
      %sub3A_377 = arith.subf %mul3A_375, %mul3A_376 : vector<16xf32>
      %mul3A_378 = arith.mulf %get3A_346, %get3A_338 : vector<16xf32>
      %mul3A_379 = arith.mulf %get3A_354, %get3A_330 : vector<16xf32>
      %add3A_380 = arith.addf %mul3A_378, %mul3A_379 : vector<16xf32>
      %mul3A_381 = arith.mulf %get3A_350, %get3A_334 : vector<16xf32>
      %mul3A_382 = arith.mulf %get3A_358, %get3A_342 : vector<16xf32>
      %sub3A_383 = arith.subf %mul3A_381, %mul3A_382 : vector<16xf32>
      %mul3A_384 = arith.mulf %get3A_350, %get3A_342 : vector<16xf32>
      %mul3A_385 = arith.mulf %get3A_358, %get3A_334 : vector<16xf32>
      %add3A_386 = arith.addf %mul3A_384, %mul3A_385 : vector<16xf32>
      %mul3A_387 = arith.mulf %sub3A_377, %get3A_362 : vector<16xf32>
      %mul3A_388 = arith.mulf %add3A_380, %get3A_370 : vector<16xf32>
      %add3A_389 = arith.addf %mul3A_387, %mul3A_388 : vector<16xf32>
      %mul3A_390 = arith.mulf %sub3A_383, %get3A_366 : vector<16xf32>
      %mul3A_391 = arith.mulf %add3A_386, %get3A_374 : vector<16xf32>
      %add3A_392 = arith.addf %mul3A_390, %mul3A_391 : vector<16xf32>
      %add3A_393 = arith.addf %add3A_389, %add3A_392 : vector<16xf32>
      %broadcast_in_dim3A_394 = vector.shape_cast %xor3A_38 : vector<16xi32> to vector<16x1xi32>
      %gather3A_395 = vector.shape_cast %broadcast_in_dim3A_394 : vector<16x1xi32> to vector<16xi32>
      %gather3A_396 = tpu.dynamic_gather %add3A_393[%gather3A_395] in [0] : vector<16xf32>, vector<16xi32> -> vector<16xf32>
      %add3A_397 = arith.addf %add3A_393, %gather3A_396 : vector<16xf32>
      %broadcast_in_dim3A_398 = vector.shape_cast %xor3A_41 : vector<16xi32> to vector<16x1xi32>
      %gather3A_399 = vector.shape_cast %broadcast_in_dim3A_398 : vector<16x1xi32> to vector<16xi32>
      %gather3A_400 = tpu.dynamic_gather %add3A_397[%gather3A_399] in [0] : vector<16xf32>, vector<16xi32> -> vector<16xf32>
      %add3A_401 = arith.addf %add3A_397, %gather3A_400 : vector<16xf32>
      %broadcast_in_dim3A_402 = vector.shape_cast %xor3A_44 : vector<16xi32> to vector<16x1xi32>
      %gather3A_403 = vector.shape_cast %broadcast_in_dim3A_402 : vector<16x1xi32> to vector<16xi32>
      %gather3A_404 = tpu.dynamic_gather %add3A_401[%gather3A_403] in [0] : vector<16xf32>, vector<16xi32> -> vector<16xf32>
      %add3A_405 = arith.addf %add3A_401, %gather3A_404 : vector<16xf32>
      %broadcast_in_dim3A_406 = vector.shape_cast %xor3A_47 : vector<16xi32> to vector<16x1xi32>
      %gather3A_407 = vector.shape_cast %broadcast_in_dim3A_406 : vector<16x1xi32> to vector<16xi32>
      %gather3A_408 = tpu.dynamic_gather %add3A_405[%gather3A_407] in [0] : vector<16xf32>, vector<16xi32> -> vector<16xf32>
      %add3A_409 = arith.addf %add3A_405, %gather3A_408 : vector<16xf32>
      %eq3A_410 = arith.constant 3 : i32
      %eq3A_411 = vector.broadcast %eq3A_410 : i32 to vector<16xi32>
      %eq3A_412 = arith.cmpi eq, %iota3A, %eq3A_411 : vector<16xi32>
      %select_n3A_413 = arith.select %eq3A_412, %add3A_409, %select_n3A_322 : vector<16xi1>, vector<16xf32>
      %mul3A_414 = arith.constant 16 : i32
      %mul3A_415 = arith.muli %scan3A_53, %mul3A_414 : i32
      %add3A_416 = arith.constant 4 : i32
      %add3A_417 = arith.addi %mul3A_415, %add3A_416 : i32
      %get3A_418 = arith.index_cast %add3A_417 : i32 to index
      %get3A_419 = arith.constant 0 : index
      %get3A_420 = tpu.vector_load %arg13[%get3A_418, %get3A_419] {strides = array<i32>} : memref<512x32xf32, #tpu.memory_space<vmem>>, vector<1x16xf32>,
      %get3A_421 = vector.shape_cast %get3A_420 : vector<1x16xf32> to vector<16xf32>
      %get3A_422 = arith.index_cast %add3A_417 : i32 to index
      %get3A_423 = arith.constant 16 : index
      %get3A_424 = tpu.vector_load %arg13[%get3A_422, %get3A_423] {strides = array<i32>} : memref<512x32xf32, #tpu.memory_space<vmem>>, vector<1x16xf32>,
      %get3A_425 = vector.shape_cast %get3A_424 : vector<1x16xf32> to vector<16xf32>
      %get3A_426 = arith.index_cast %add3A_417 : i32 to index
      %get3A_427 = arith.constant 0 : index
      %get3A_428 = tpu.vector_load %arg14[%get3A_426, %get3A_427] {strides = array<i32>} : memref<512x32xf32, #tpu.memory_space<vmem>>, vector<1x16xf32>,
      %get3A_429 = vector.shape_cast %get3A_428 : vector<1x16xf32> to vector<16xf32>
      %get3A_430 = arith.index_cast %add3A_417 : i32 to index
      %get3A_431 = arith.constant 16 : index
      %get3A_432 = tpu.vector_load %arg14[%get3A_430, %get3A_431] {strides = array<i32>} : memref<512x32xf32, #tpu.memory_space<vmem>>, vector<1x16xf32>,
      %get3A_433 = vector.shape_cast %get3A_432 : vector<1x16xf32> to vector<16xf32>
      %get3A_434 = arith.index_cast %add3A_417 : i32 to index
      %get3A_435 = arith.constant 0 : index
      %get3A_436 = tpu.vector_load %arg15[%get3A_434, %get3A_435] {strides = array<i32>} : memref<512x32xf32, #tpu.memory_space<vmem>>, vector<1x16xf32>,
      %get3A_437 = vector.shape_cast %get3A_436 : vector<1x16xf32> to vector<16xf32>
      %get3A_438 = arith.index_cast %add3A_417 : i32 to index
      %get3A_439 = arith.constant 16 : index
      %get3A_440 = tpu.vector_load %arg15[%get3A_438, %get3A_439] {strides = array<i32>} : memref<512x32xf32, #tpu.memory_space<vmem>>, vector<1x16xf32>,
      %get3A_441 = vector.shape_cast %get3A_440 : vector<1x16xf32> to vector<16xf32>
      %get3A_442 = arith.index_cast %add3A_417 : i32 to index
      %get3A_443 = arith.constant 0 : index
      %get3A_444 = tpu.vector_load %arg16[%get3A_442, %get3A_443] {strides = array<i32>} : memref<512x32xf32, #tpu.memory_space<vmem>>, vector<1x16xf32>,
      %get3A_445 = vector.shape_cast %get3A_444 : vector<1x16xf32> to vector<16xf32>
      %get3A_446 = arith.index_cast %add3A_417 : i32 to index
      %get3A_447 = arith.constant 16 : index
      %get3A_448 = tpu.vector_load %arg16[%get3A_446, %get3A_447] {strides = array<i32>} : memref<512x32xf32, #tpu.memory_space<vmem>>, vector<1x16xf32>,
      %get3A_449 = vector.shape_cast %get3A_448 : vector<1x16xf32> to vector<16xf32>
      %get3A_450 = arith.index_cast %add3A_417 : i32 to index
      %get3A_451 = arith.constant 0 : index
      %get3A_452 = tpu.vector_load %arg17[%get3A_450, %get3A_451] {strides = array<i32>} : memref<512x32xf32, #tpu.memory_space<vmem>>, vector<1x16xf32>,
      %get3A_453 = vector.shape_cast %get3A_452 : vector<1x16xf32> to vector<16xf32>
      %get3A_454 = arith.index_cast %add3A_417 : i32 to index
      %get3A_455 = arith.constant 16 : index
      %get3A_456 = tpu.vector_load %arg17[%get3A_454, %get3A_455] {strides = array<i32>} : memref<512x32xf32, #tpu.memory_space<vmem>>, vector<1x16xf32>,
      %get3A_457 = vector.shape_cast %get3A_456 : vector<1x16xf32> to vector<16xf32>
      %get3A_458 = arith.index_cast %add3A_417 : i32 to index
      %get3A_459 = arith.constant 0 : index
      %get3A_460 = tpu.vector_load %arg18[%get3A_458, %get3A_459] {strides = array<i32>} : memref<512x32xf32, #tpu.memory_space<vmem>>, vector<1x16xf32>,
      %get3A_461 = vector.shape_cast %get3A_460 : vector<1x16xf32> to vector<16xf32>
      %get3A_462 = arith.index_cast %add3A_417 : i32 to index
      %get3A_463 = arith.constant 16 : index
      %get3A_464 = tpu.vector_load %arg18[%get3A_462, %get3A_463] {strides = array<i32>} : memref<512x32xf32, #tpu.memory_space<vmem>>, vector<1x16xf32>,
      %get3A_465 = vector.shape_cast %get3A_464 : vector<1x16xf32> to vector<16xf32>
      %mul3A_466 = arith.mulf %get3A_437, %get3A_421 : vector<16xf32>
      %mul3A_467 = arith.mulf %get3A_445, %get3A_429 : vector<16xf32>
      %sub3A_468 = arith.subf %mul3A_466, %mul3A_467 : vector<16xf32>
      %mul3A_469 = arith.mulf %get3A_437, %get3A_429 : vector<16xf32>
      %mul3A_470 = arith.mulf %get3A_445, %get3A_421 : vector<16xf32>
      %add3A_471 = arith.addf %mul3A_469, %mul3A_470 : vector<16xf32>
      %mul3A_472 = arith.mulf %get3A_441, %get3A_425 : vector<16xf32>
      %mul3A_473 = arith.mulf %get3A_449, %get3A_433 : vector<16xf32>
      %sub3A_474 = arith.subf %mul3A_472, %mul3A_473 : vector<16xf32>
      %mul3A_475 = arith.mulf %get3A_441, %get3A_433 : vector<16xf32>
      %mul3A_476 = arith.mulf %get3A_449, %get3A_425 : vector<16xf32>
      %add3A_477 = arith.addf %mul3A_475, %mul3A_476 : vector<16xf32>
      %mul3A_478 = arith.mulf %sub3A_468, %get3A_453 : vector<16xf32>
      %mul3A_479 = arith.mulf %add3A_471, %get3A_461 : vector<16xf32>
      %add3A_480 = arith.addf %mul3A_478, %mul3A_479 : vector<16xf32>
      %mul3A_481 = arith.mulf %sub3A_474, %get3A_457 : vector<16xf32>
      %mul3A_482 = arith.mulf %add3A_477, %get3A_465 : vector<16xf32>
      %add3A_483 = arith.addf %mul3A_481, %mul3A_482 : vector<16xf32>
      %add3A_484 = arith.addf %add3A_480, %add3A_483 : vector<16xf32>
      %broadcast_in_dim3A_485 = vector.shape_cast %xor3A_38 : vector<16xi32> to vector<16x1xi32>
      %gather3A_486 = vector.shape_cast %broadcast_in_dim3A_485 : vector<16x1xi32> to vector<16xi32>
      %gather3A_487 = tpu.dynamic_gather %add3A_484[%gather3A_486] in [0] : vector<16xf32>, vector<16xi32> -> vector<16xf32>
      %add3A_488 = arith.addf %add3A_484, %gather3A_487 : vector<16xf32>
      %broadcast_in_dim3A_489 = vector.shape_cast %xor3A_41 : vector<16xi32> to vector<16x1xi32>
      %gather3A_490 = vector.shape_cast %broadcast_in_dim3A_489 : vector<16x1xi32> to vector<16xi32>
      %gather3A_491 = tpu.dynamic_gather %add3A_488[%gather3A_490] in [0] : vector<16xf32>, vector<16xi32> -> vector<16xf32>
      %add3A_492 = arith.addf %add3A_488, %gather3A_491 : vector<16xf32>
      %broadcast_in_dim3A_493 = vector.shape_cast %xor3A_44 : vector<16xi32> to vector<16x1xi32>
      %gather3A_494 = vector.shape_cast %broadcast_in_dim3A_493 : vector<16x1xi32> to vector<16xi32>
      %gather3A_495 = tpu.dynamic_gather %add3A_492[%gather3A_494] in [0] : vector<16xf32>, vector<16xi32> -> vector<16xf32>
      %add3A_496 = arith.addf %add3A_492, %gather3A_495 : vector<16xf32>
      %broadcast_in_dim3A_497 = vector.shape_cast %xor3A_47 : vector<16xi32> to vector<16x1xi32>
      %gather3A_498 = vector.shape_cast %broadcast_in_dim3A_497 : vector<16x1xi32> to vector<16xi32>
      %gather3A_499 = tpu.dynamic_gather %add3A_496[%gather3A_498] in [0] : vector<16xf32>, vector<16xi32> -> vector<16xf32>
      %add3A_500 = arith.addf %add3A_496, %gather3A_499 : vector<16xf32>
      %eq3A_501 = arith.constant 4 : i32
      %eq3A_502 = vector.broadcast %eq3A_501 : i32 to vector<16xi32>
      %eq3A_503 = arith.cmpi eq, %iota3A, %eq3A_502 : vector<16xi32>
      %select_n3A_504 = arith.select %eq3A_503, %add3A_500, %select_n3A_413 : vector<16xi1>, vector<16xf32>
      %mul3A_505 = arith.constant 16 : i32
      %mul3A_506 = arith.muli %scan3A_53, %mul3A_505 : i32
      %add3A_507 = arith.constant 5 : i32
      %add3A_508 = arith.addi %mul3A_506, %add3A_507 : i32
      %get3A_509 = arith.index_cast %add3A_508 : i32 to index
      %get3A_510 = arith.constant 0 : index
      %get3A_511 = tpu.vector_load %arg13[%get3A_509, %get3A_510] {strides = array<i32>} : memref<512x32xf32, #tpu.memory_space<vmem>>, vector<1x16xf32>,
      %get3A_512 = vector.shape_cast %get3A_511 : vector<1x16xf32> to vector<16xf32>
      %get3A_513 = arith.index_cast %add3A_508 : i32 to index
      %get3A_514 = arith.constant 16 : index
      %get3A_515 = tpu.vector_load %arg13[%get3A_513, %get3A_514] {strides = array<i32>} : memref<512x32xf32, #tpu.memory_space<vmem>>, vector<1x16xf32>,
      %get3A_516 = vector.shape_cast %get3A_515 : vector<1x16xf32> to vector<16xf32>
      %get3A_517 = arith.index_cast %add3A_508 : i32 to index
      %get3A_518 = arith.constant 0 : index
      %get3A_519 = tpu.vector_load %arg14[%get3A_517, %get3A_518] {strides = array<i32>} : memref<512x32xf32, #tpu.memory_space<vmem>>, vector<1x16xf32>,
      %get3A_520 = vector.shape_cast %get3A_519 : vector<1x16xf32> to vector<16xf32>
      %get3A_521 = arith.index_cast %add3A_508 : i32 to index
      %get3A_522 = arith.constant 16 : index
      %get3A_523 = tpu.vector_load %arg14[%get3A_521, %get3A_522] {strides = array<i32>} : memref<512x32xf32, #tpu.memory_space<vmem>>, vector<1x16xf32>,
      %get3A_524 = vector.shape_cast %get3A_523 : vector<1x16xf32> to vector<16xf32>
      %get3A_525 = arith.index_cast %add3A_508 : i32 to index
      %get3A_526 = arith.constant 0 : index
      %get3A_527 = tpu.vector_load %arg15[%get3A_525, %get3A_526] {strides = array<i32>} : memref<512x32xf32, #tpu.memory_space<vmem>>, vector<1x16xf32>,
      %get3A_528 = vector.shape_cast %get3A_527 : vector<1x16xf32> to vector<16xf32>
      %get3A_529 = arith.index_cast %add3A_508 : i32 to index
      %get3A_530 = arith.constant 16 : index
      %get3A_531 = tpu.vector_load %arg15[%get3A_529, %get3A_530] {strides = array<i32>} : memref<512x32xf32, #tpu.memory_space<vmem>>, vector<1x16xf32>,
      %get3A_532 = vector.shape_cast %get3A_531 : vector<1x16xf32> to vector<16xf32>
      %get3A_533 = arith.index_cast %add3A_508 : i32 to index
      %get3A_534 = arith.constant 0 : index
      %get3A_535 = tpu.vector_load %arg16[%get3A_533, %get3A_534] {strides = array<i32>} : memref<512x32xf32, #tpu.memory_space<vmem>>, vector<1x16xf32>,
      %get3A_536 = vector.shape_cast %get3A_535 : vector<1x16xf32> to vector<16xf32>
      %get3A_537 = arith.index_cast %add3A_508 : i32 to index
      %get3A_538 = arith.constant 16 : index
      %get3A_539 = tpu.vector_load %arg16[%get3A_537, %get3A_538] {strides = array<i32>} : memref<512x32xf32, #tpu.memory_space<vmem>>, vector<1x16xf32>,
      %get3A_540 = vector.shape_cast %get3A_539 : vector<1x16xf32> to vector<16xf32>
      %get3A_541 = arith.index_cast %add3A_508 : i32 to index
      %get3A_542 = arith.constant 0 : index
      %get3A_543 = tpu.vector_load %arg17[%get3A_541, %get3A_542] {strides = array<i32>} : memref<512x32xf32, #tpu.memory_space<vmem>>, vector<1x16xf32>,
      %get3A_544 = vector.shape_cast %get3A_543 : vector<1x16xf32> to vector<16xf32>
      %get3A_545 = arith.index_cast %add3A_508 : i32 to index
      %get3A_546 = arith.constant 16 : index
      %get3A_547 = tpu.vector_load %arg17[%get3A_545, %get3A_546] {strides = array<i32>} : memref<512x32xf32, #tpu.memory_space<vmem>>, vector<1x16xf32>,
      %get3A_548 = vector.shape_cast %get3A_547 : vector<1x16xf32> to vector<16xf32>
      %get3A_549 = arith.index_cast %add3A_508 : i32 to index
      %get3A_550 = arith.constant 0 : index
      %get3A_551 = tpu.vector_load %arg18[%get3A_549, %get3A_550] {strides = array<i32>} : memref<512x32xf32, #tpu.memory_space<vmem>>, vector<1x16xf32>,
      %get3A_552 = vector.shape_cast %get3A_551 : vector<1x16xf32> to vector<16xf32>
      %get3A_553 = arith.index_cast %add3A_508 : i32 to index
      %get3A_554 = arith.constant 16 : index
      %get3A_555 = tpu.vector_load %arg18[%get3A_553, %get3A_554] {strides = array<i32>} : memref<512x32xf32, #tpu.memory_space<vmem>>, vector<1x16xf32>,
      %get3A_556 = vector.shape_cast %get3A_555 : vector<1x16xf32> to vector<16xf32>
      %mul3A_557 = arith.mulf %get3A_528, %get3A_512 : vector<16xf32>
      %mul3A_558 = arith.mulf %get3A_536, %get3A_520 : vector<16xf32>
      %sub3A_559 = arith.subf %mul3A_557, %mul3A_558 : vector<16xf32>
      %mul3A_560 = arith.mulf %get3A_528, %get3A_520 : vector<16xf32>
      %mul3A_561 = arith.mulf %get3A_536, %get3A_512 : vector<16xf32>
      %add3A_562 = arith.addf %mul3A_560, %mul3A_561 : vector<16xf32>
      %mul3A_563 = arith.mulf %get3A_532, %get3A_516 : vector<16xf32>
      %mul3A_564 = arith.mulf %get3A_540, %get3A_524 : vector<16xf32>
      %sub3A_565 = arith.subf %mul3A_563, %mul3A_564 : vector<16xf32>
      %mul3A_566 = arith.mulf %get3A_532, %get3A_524 : vector<16xf32>
      %mul3A_567 = arith.mulf %get3A_540, %get3A_516 : vector<16xf32>
      %add3A_568 = arith.addf %mul3A_566, %mul3A_567 : vector<16xf32>
      %mul3A_569 = arith.mulf %sub3A_559, %get3A_544 : vector<16xf32>
      %mul3A_570 = arith.mulf %add3A_562, %get3A_552 : vector<16xf32>
      %add3A_571 = arith.addf %mul3A_569, %mul3A_570 : vector<16xf32>
      %mul3A_572 = arith.mulf %sub3A_565, %get3A_548 : vector<16xf32>
      %mul3A_573 = arith.mulf %add3A_568, %get3A_556 : vector<16xf32>
      %add3A_574 = arith.addf %mul3A_572, %mul3A_573 : vector<16xf32>
      %add3A_575 = arith.addf %add3A_571, %add3A_574 : vector<16xf32>
      %broadcast_in_dim3A_576 = vector.shape_cast %xor3A_38 : vector<16xi32> to vector<16x1xi32>
      %gather3A_577 = vector.shape_cast %broadcast_in_dim3A_576 : vector<16x1xi32> to vector<16xi32>
      %gather3A_578 = tpu.dynamic_gather %add3A_575[%gather3A_577] in [0] : vector<16xf32>, vector<16xi32> -> vector<16xf32>
      %add3A_579 = arith.addf %add3A_575, %gather3A_578 : vector<16xf32>
      %broadcast_in_dim3A_580 = vector.shape_cast %xor3A_41 : vector<16xi32> to vector<16x1xi32>
      %gather3A_581 = vector.shape_cast %broadcast_in_dim3A_580 : vector<16x1xi32> to vector<16xi32>
      %gather3A_582 = tpu.dynamic_gather %add3A_579[%gather3A_581] in [0] : vector<16xf32>, vector<16xi32> -> vector<16xf32>
      %add3A_583 = arith.addf %add3A_579, %gather3A_582 : vector<16xf32>
      %broadcast_in_dim3A_584 = vector.shape_cast %xor3A_44 : vector<16xi32> to vector<16x1xi32>
      %gather3A_585 = vector.shape_cast %broadcast_in_dim3A_584 : vector<16x1xi32> to vector<16xi32>
      %gather3A_586 = tpu.dynamic_gather %add3A_583[%gather3A_585] in [0] : vector<16xf32>, vector<16xi32> -> vector<16xf32>
      %add3A_587 = arith.addf %add3A_583, %gather3A_586 : vector<16xf32>
      %broadcast_in_dim3A_588 = vector.shape_cast %xor3A_47 : vector<16xi32> to vector<16x1xi32>
      %gather3A_589 = vector.shape_cast %broadcast_in_dim3A_588 : vector<16x1xi32> to vector<16xi32>
      %gather3A_590 = tpu.dynamic_gather %add3A_587[%gather3A_589] in [0] : vector<16xf32>, vector<16xi32> -> vector<16xf32>
      %add3A_591 = arith.addf %add3A_587, %gather3A_590 : vector<16xf32>
      %eq3A_592 = arith.constant 5 : i32
      %eq3A_593 = vector.broadcast %eq3A_592 : i32 to vector<16xi32>
      %eq3A_594 = arith.cmpi eq, %iota3A, %eq3A_593 : vector<16xi32>
      %select_n3A_595 = arith.select %eq3A_594, %add3A_591, %select_n3A_504 : vector<16xi1>, vector<16xf32>
      %mul3A_596 = arith.constant 16 : i32
      %mul3A_597 = arith.muli %scan3A_53, %mul3A_596 : i32
      %add3A_598 = arith.constant 6 : i32
      %add3A_599 = arith.addi %mul3A_597, %add3A_598 : i32
      %get3A_600 = arith.index_cast %add3A_599 : i32 to index
      %get3A_601 = arith.constant 0 : index
      %get3A_602 = tpu.vector_load %arg13[%get3A_600, %get3A_601] {strides = array<i32>} : memref<512x32xf32, #tpu.memory_space<vmem>>, vector<1x16xf32>,
      %get3A_603 = vector.shape_cast %get3A_602 : vector<1x16xf32> to vector<16xf32>
      %get3A_604 = arith.index_cast %add3A_599 : i32 to index
      %get3A_605 = arith.constant 16 : index
      %get3A_606 = tpu.vector_load %arg13[%get3A_604, %get3A_605] {strides = array<i32>} : memref<512x32xf32, #tpu.memory_space<vmem>>, vector<1x16xf32>,
      %get3A_607 = vector.shape_cast %get3A_606 : vector<1x16xf32> to vector<16xf32>
      %get3A_608 = arith.index_cast %add3A_599 : i32 to index
      %get3A_609 = arith.constant 0 : index
      %get3A_610 = tpu.vector_load %arg14[%get3A_608, %get3A_609] {strides = array<i32>} : memref<512x32xf32, #tpu.memory_space<vmem>>, vector<1x16xf32>,
      %get3A_611 = vector.shape_cast %get3A_610 : vector<1x16xf32> to vector<16xf32>
      %get3A_612 = arith.index_cast %add3A_599 : i32 to index
      %get3A_613 = arith.constant 16 : index
      %get3A_614 = tpu.vector_load %arg14[%get3A_612, %get3A_613] {strides = array<i32>} : memref<512x32xf32, #tpu.memory_space<vmem>>, vector<1x16xf32>,
      %get3A_615 = vector.shape_cast %get3A_614 : vector<1x16xf32> to vector<16xf32>
      %get3A_616 = arith.index_cast %add3A_599 : i32 to index
      %get3A_617 = arith.constant 0 : index
      %get3A_618 = tpu.vector_load %arg15[%get3A_616, %get3A_617] {strides = array<i32>} : memref<512x32xf32, #tpu.memory_space<vmem>>, vector<1x16xf32>,
      %get3A_619 = vector.shape_cast %get3A_618 : vector<1x16xf32> to vector<16xf32>
      %get3A_620 = arith.index_cast %add3A_599 : i32 to index
      %get3A_621 = arith.constant 16 : index
      %get3A_622 = tpu.vector_load %arg15[%get3A_620, %get3A_621] {strides = array<i32>} : memref<512x32xf32, #tpu.memory_space<vmem>>, vector<1x16xf32>,
      %get3A_623 = vector.shape_cast %get3A_622 : vector<1x16xf32> to vector<16xf32>
      %get3A_624 = arith.index_cast %add3A_599 : i32 to index
      %get3A_625 = arith.constant 0 : index
      %get3A_626 = tpu.vector_load %arg16[%get3A_624, %get3A_625] {strides = array<i32>} : memref<512x32xf32, #tpu.memory_space<vmem>>, vector<1x16xf32>,
      %get3A_627 = vector.shape_cast %get3A_626 : vector<1x16xf32> to vector<16xf32>
      %get3A_628 = arith.index_cast %add3A_599 : i32 to index
      %get3A_629 = arith.constant 16 : index
      %get3A_630 = tpu.vector_load %arg16[%get3A_628, %get3A_629] {strides = array<i32>} : memref<512x32xf32, #tpu.memory_space<vmem>>, vector<1x16xf32>,
      %get3A_631 = vector.shape_cast %get3A_630 : vector<1x16xf32> to vector<16xf32>
      %get3A_632 = arith.index_cast %add3A_599 : i32 to index
      %get3A_633 = arith.constant 0 : index
      %get3A_634 = tpu.vector_load %arg17[%get3A_632, %get3A_633] {strides = array<i32>} : memref<512x32xf32, #tpu.memory_space<vmem>>, vector<1x16xf32>,
      %get3A_635 = vector.shape_cast %get3A_634 : vector<1x16xf32> to vector<16xf32>
      %get3A_636 = arith.index_cast %add3A_599 : i32 to index
      %get3A_637 = arith.constant 16 : index
      %get3A_638 = tpu.vector_load %arg17[%get3A_636, %get3A_637] {strides = array<i32>} : memref<512x32xf32, #tpu.memory_space<vmem>>, vector<1x16xf32>,
      %get3A_639 = vector.shape_cast %get3A_638 : vector<1x16xf32> to vector<16xf32>
      %get3A_640 = arith.index_cast %add3A_599 : i32 to index
      %get3A_641 = arith.constant 0 : index
      %get3A_642 = tpu.vector_load %arg18[%get3A_640, %get3A_641] {strides = array<i32>} : memref<512x32xf32, #tpu.memory_space<vmem>>, vector<1x16xf32>,
      %get3A_643 = vector.shape_cast %get3A_642 : vector<1x16xf32> to vector<16xf32>
      %get3A_644 = arith.index_cast %add3A_599 : i32 to index
      %get3A_645 = arith.constant 16 : index
      %get3A_646 = tpu.vector_load %arg18[%get3A_644, %get3A_645] {strides = array<i32>} : memref<512x32xf32, #tpu.memory_space<vmem>>, vector<1x16xf32>,
      %get3A_647 = vector.shape_cast %get3A_646 : vector<1x16xf32> to vector<16xf32>
      %mul3A_648 = arith.mulf %get3A_619, %get3A_603 : vector<16xf32>
      %mul3A_649 = arith.mulf %get3A_627, %get3A_611 : vector<16xf32>
      %sub3A_650 = arith.subf %mul3A_648, %mul3A_649 : vector<16xf32>
      %mul3A_651 = arith.mulf %get3A_619, %get3A_611 : vector<16xf32>
      %mul3A_652 = arith.mulf %get3A_627, %get3A_603 : vector<16xf32>
      %add3A_653 = arith.addf %mul3A_651, %mul3A_652 : vector<16xf32>
      %mul3A_654 = arith.mulf %get3A_623, %get3A_607 : vector<16xf32>
      %mul3A_655 = arith.mulf %get3A_631, %get3A_615 : vector<16xf32>
      %sub3A_656 = arith.subf %mul3A_654, %mul3A_655 : vector<16xf32>
      %mul3A_657 = arith.mulf %get3A_623, %get3A_615 : vector<16xf32>
      %mul3A_658 = arith.mulf %get3A_631, %get3A_607 : vector<16xf32>
      %add3A_659 = arith.addf %mul3A_657, %mul3A_658 : vector<16xf32>
      %mul3A_660 = arith.mulf %sub3A_650, %get3A_635 : vector<16xf32>
      %mul3A_661 = arith.mulf %add3A_653, %get3A_643 : vector<16xf32>
      %add3A_662 = arith.addf %mul3A_660, %mul3A_661 : vector<16xf32>
      %mul3A_663 = arith.mulf %sub3A_656, %get3A_639 : vector<16xf32>
      %mul3A_664 = arith.mulf %add3A_659, %get3A_647 : vector<16xf32>
      %add3A_665 = arith.addf %mul3A_663, %mul3A_664 : vector<16xf32>
      %add3A_666 = arith.addf %add3A_662, %add3A_665 : vector<16xf32>
      %broadcast_in_dim3A_667 = vector.shape_cast %xor3A_38 : vector<16xi32> to vector<16x1xi32>
      %gather3A_668 = vector.shape_cast %broadcast_in_dim3A_667 : vector<16x1xi32> to vector<16xi32>
      %gather3A_669 = tpu.dynamic_gather %add3A_666[%gather3A_668] in [0] : vector<16xf32>, vector<16xi32> -> vector<16xf32>
      %add3A_670 = arith.addf %add3A_666, %gather3A_669 : vector<16xf32>
      %broadcast_in_dim3A_671 = vector.shape_cast %xor3A_41 : vector<16xi32> to vector<16x1xi32>
      %gather3A_672 = vector.shape_cast %broadcast_in_dim3A_671 : vector<16x1xi32> to vector<16xi32>
      %gather3A_673 = tpu.dynamic_gather %add3A_670[%gather3A_672] in [0] : vector<16xf32>, vector<16xi32> -> vector<16xf32>
      %add3A_674 = arith.addf %add3A_670, %gather3A_673 : vector<16xf32>
      %broadcast_in_dim3A_675 = vector.shape_cast %xor3A_44 : vector<16xi32> to vector<16x1xi32>
      %gather3A_676 = vector.shape_cast %broadcast_in_dim3A_675 : vector<16x1xi32> to vector<16xi32>
      %gather3A_677 = tpu.dynamic_gather %add3A_674[%gather3A_676] in [0] : vector<16xf32>, vector<16xi32> -> vector<16xf32>
      %add3A_678 = arith.addf %add3A_674, %gather3A_677 : vector<16xf32>
      %broadcast_in_dim3A_679 = vector.shape_cast %xor3A_47 : vector<16xi32> to vector<16x1xi32>
      %gather3A_680 = vector.shape_cast %broadcast_in_dim3A_679 : vector<16x1xi32> to vector<16xi32>
      %gather3A_681 = tpu.dynamic_gather %add3A_678[%gather3A_680] in [0] : vector<16xf32>, vector<16xi32> -> vector<16xf32>
      %add3A_682 = arith.addf %add3A_678, %gather3A_681 : vector<16xf32>
      %eq3A_683 = arith.constant 6 : i32
      %eq3A_684 = vector.broadcast %eq3A_683 : i32 to vector<16xi32>
      %eq3A_685 = arith.cmpi eq, %iota3A, %eq3A_684 : vector<16xi32>
      %select_n3A_686 = arith.select %eq3A_685, %add3A_682, %select_n3A_595 : vector<16xi1>, vector<16xf32>
      %mul3A_687 = arith.constant 16 : i32
      %mul3A_688 = arith.muli %scan3A_53, %mul3A_687 : i32
      %add3A_689 = arith.constant 7 : i32
      %add3A_690 = arith.addi %mul3A_688, %add3A_689 : i32
      %get3A_691 = arith.index_cast %add3A_690 : i32 to index
      %get3A_692 = arith.constant 0 : index
      %get3A_693 = tpu.vector_load %arg13[%get3A_691, %get3A_692] {strides = array<i32>} : memref<512x32xf32, #tpu.memory_space<vmem>>, vector<1x16xf32>,
      %get3A_694 = vector.shape_cast %get3A_693 : vector<1x16xf32> to vector<16xf32>
      %get3A_695 = arith.index_cast %add3A_690 : i32 to index
      %get3A_696 = arith.constant 16 : index
      %get3A_697 = tpu.vector_load %arg13[%get3A_695, %get3A_696] {strides = array<i32>} : memref<512x32xf32, #tpu.memory_space<vmem>>, vector<1x16xf32>,
      %get3A_698 = vector.shape_cast %get3A_697 : vector<1x16xf32> to vector<16xf32>
      %get3A_699 = arith.index_cast %add3A_690 : i32 to index
      %get3A_700 = arith.constant 0 : index
      %get3A_701 = tpu.vector_load %arg14[%get3A_699, %get3A_700] {strides = array<i32>} : memref<512x32xf32, #tpu.memory_space<vmem>>, vector<1x16xf32>,
      %get3A_702 = vector.shape_cast %get3A_701 : vector<1x16xf32> to vector<16xf32>
      %get3A_703 = arith.index_cast %add3A_690 : i32 to index
      %get3A_704 = arith.constant 16 : index
      %get3A_705 = tpu.vector_load %arg14[%get3A_703, %get3A_704] {strides = array<i32>} : memref<512x32xf32, #tpu.memory_space<vmem>>, vector<1x16xf32>,
      %get3A_706 = vector.shape_cast %get3A_705 : vector<1x16xf32> to vector<16xf32>
      %get3A_707 = arith.index_cast %add3A_690 : i32 to index
      %get3A_708 = arith.constant 0 : index
      %get3A_709 = tpu.vector_load %arg15[%get3A_707, %get3A_708] {strides = array<i32>} : memref<512x32xf32, #tpu.memory_space<vmem>>, vector<1x16xf32>,
      %get3A_710 = vector.shape_cast %get3A_709 : vector<1x16xf32> to vector<16xf32>
      %get3A_711 = arith.index_cast %add3A_690 : i32 to index
      %get3A_712 = arith.constant 16 : index
      %get3A_713 = tpu.vector_load %arg15[%get3A_711, %get3A_712] {strides = array<i32>} : memref<512x32xf32, #tpu.memory_space<vmem>>, vector<1x16xf32>,
      %get3A_714 = vector.shape_cast %get3A_713 : vector<1x16xf32> to vector<16xf32>
      %get3A_715 = arith.index_cast %add3A_690 : i32 to index
      %get3A_716 = arith.constant 0 : index
      %get3A_717 = tpu.vector_load %arg16[%get3A_715, %get3A_716] {strides = array<i32>} : memref<512x32xf32, #tpu.memory_space<vmem>>, vector<1x16xf32>,
      %get3A_718 = vector.shape_cast %get3A_717 : vector<1x16xf32> to vector<16xf32>
      %get3A_719 = arith.index_cast %add3A_690 : i32 to index
      %get3A_720 = arith.constant 16 : index
      %get3A_721 = tpu.vector_load %arg16[%get3A_719, %get3A_720] {strides = array<i32>} : memref<512x32xf32, #tpu.memory_space<vmem>>, vector<1x16xf32>,
      %get3A_722 = vector.shape_cast %get3A_721 : vector<1x16xf32> to vector<16xf32>
      %get3A_723 = arith.index_cast %add3A_690 : i32 to index
      %get3A_724 = arith.constant 0 : index
      %get3A_725 = tpu.vector_load %arg17[%get3A_723, %get3A_724] {strides = array<i32>} : memref<512x32xf32, #tpu.memory_space<vmem>>, vector<1x16xf32>,
      %get3A_726 = vector.shape_cast %get3A_725 : vector<1x16xf32> to vector<16xf32>
      %get3A_727 = arith.index_cast %add3A_690 : i32 to index
      %get3A_728 = arith.constant 16 : index
      %get3A_729 = tpu.vector_load %arg17[%get3A_727, %get3A_728] {strides = array<i32>} : memref<512x32xf32, #tpu.memory_space<vmem>>, vector<1x16xf32>,
      %get3A_730 = vector.shape_cast %get3A_729 : vector<1x16xf32> to vector<16xf32>
      %get3A_731 = arith.index_cast %add3A_690 : i32 to index
      %get3A_732 = arith.constant 0 : index
      %get3A_733 = tpu.vector_load %arg18[%get3A_731, %get3A_732] {strides = array<i32>} : memref<512x32xf32, #tpu.memory_space<vmem>>, vector<1x16xf32>,
      %get3A_734 = vector.shape_cast %get3A_733 : vector<1x16xf32> to vector<16xf32>
      %get3A_735 = arith.index_cast %add3A_690 : i32 to index
      %get3A_736 = arith.constant 16 : index
      %get3A_737 = tpu.vector_load %arg18[%get3A_735, %get3A_736] {strides = array<i32>} : memref<512x32xf32, #tpu.memory_space<vmem>>, vector<1x16xf32>,
      %get3A_738 = vector.shape_cast %get3A_737 : vector<1x16xf32> to vector<16xf32>
      %mul3A_739 = arith.mulf %get3A_710, %get3A_694 : vector<16xf32>
      %mul3A_740 = arith.mulf %get3A_718, %get3A_702 : vector<16xf32>
      %sub3A_741 = arith.subf %mul3A_739, %mul3A_740 : vector<16xf32>
      %mul3A_742 = arith.mulf %get3A_710, %get3A_702 : vector<16xf32>
      %mul3A_743 = arith.mulf %get3A_718, %get3A_694 : vector<16xf32>
      %add3A_744 = arith.addf %mul3A_742, %mul3A_743 : vector<16xf32>
      %mul3A_745 = arith.mulf %get3A_714, %get3A_698 : vector<16xf32>
      %mul3A_746 = arith.mulf %get3A_722, %get3A_706 : vector<16xf32>
      %sub3A_747 = arith.subf %mul3A_745, %mul3A_746 : vector<16xf32>
      %mul3A_748 = arith.mulf %get3A_714, %get3A_706 : vector<16xf32>
      %mul3A_749 = arith.mulf %get3A_722, %get3A_698 : vector<16xf32>
      %add3A_750 = arith.addf %mul3A_748, %mul3A_749 : vector<16xf32>
      %mul3A_751 = arith.mulf %sub3A_741, %get3A_726 : vector<16xf32>
      %mul3A_752 = arith.mulf %add3A_744, %get3A_734 : vector<16xf32>
      %add3A_753 = arith.addf %mul3A_751, %mul3A_752 : vector<16xf32>
      %mul3A_754 = arith.mulf %sub3A_747, %get3A_730 : vector<16xf32>
      %mul3A_755 = arith.mulf %add3A_750, %get3A_738 : vector<16xf32>
      %add3A_756 = arith.addf %mul3A_754, %mul3A_755 : vector<16xf32>
      %add3A_757 = arith.addf %add3A_753, %add3A_756 : vector<16xf32>
      %broadcast_in_dim3A_758 = vector.shape_cast %xor3A_38 : vector<16xi32> to vector<16x1xi32>
      %gather3A_759 = vector.shape_cast %broadcast_in_dim3A_758 : vector<16x1xi32> to vector<16xi32>
      %gather3A_760 = tpu.dynamic_gather %add3A_757[%gather3A_759] in [0] : vector<16xf32>, vector<16xi32> -> vector<16xf32>
      %add3A_761 = arith.addf %add3A_757, %gather3A_760 : vector<16xf32>
      %broadcast_in_dim3A_762 = vector.shape_cast %xor3A_41 : vector<16xi32> to vector<16x1xi32>
      %gather3A_763 = vector.shape_cast %broadcast_in_dim3A_762 : vector<16x1xi32> to vector<16xi32>
      %gather3A_764 = tpu.dynamic_gather %add3A_761[%gather3A_763] in [0] : vector<16xf32>, vector<16xi32> -> vector<16xf32>
      %add3A_765 = arith.addf %add3A_761, %gather3A_764 : vector<16xf32>
      %broadcast_in_dim3A_766 = vector.shape_cast %xor3A_44 : vector<16xi32> to vector<16x1xi32>
      %gather3A_767 = vector.shape_cast %broadcast_in_dim3A_766 : vector<16x1xi32> to vector<16xi32>
      %gather3A_768 = tpu.dynamic_gather %add3A_765[%gather3A_767] in [0] : vector<16xf32>, vector<16xi32> -> vector<16xf32>
      %add3A_769 = arith.addf %add3A_765, %gather3A_768 : vector<16xf32>
      %broadcast_in_dim3A_770 = vector.shape_cast %xor3A_47 : vector<16xi32> to vector<16x1xi32>
      %gather3A_771 = vector.shape_cast %broadcast_in_dim3A_770 : vector<16x1xi32> to vector<16xi32>
      %gather3A_772 = tpu.dynamic_gather %add3A_769[%gather3A_771] in [0] : vector<16xf32>, vector<16xi32> -> vector<16xf32>
      %add3A_773 = arith.addf %add3A_769, %gather3A_772 : vector<16xf32>
      %eq3A_774 = arith.constant 7 : i32
      %eq3A_775 = vector.broadcast %eq3A_774 : i32 to vector<16xi32>
      %eq3A_776 = arith.cmpi eq, %iota3A, %eq3A_775 : vector<16xi32>
      %select_n3A_777 = arith.select %eq3A_776, %add3A_773, %select_n3A_686 : vector<16xi1>, vector<16xf32>
      %mul3A_778 = arith.constant 16 : i32
      %mul3A_779 = arith.muli %scan3A_53, %mul3A_778 : i32
      %add3A_780 = arith.constant 8 : i32
      %add3A_781 = arith.addi %mul3A_779, %add3A_780 : i32
      %get3A_782 = arith.index_cast %add3A_781 : i32 to index
      %get3A_783 = arith.constant 0 : index
      %get3A_784 = tpu.vector_load %arg13[%get3A_782, %get3A_783] {strides = array<i32>} : memref<512x32xf32, #tpu.memory_space<vmem>>, vector<1x16xf32>,
      %get3A_785 = vector.shape_cast %get3A_784 : vector<1x16xf32> to vector<16xf32>
      %get3A_786 = arith.index_cast %add3A_781 : i32 to index
      %get3A_787 = arith.constant 16 : index
      %get3A_788 = tpu.vector_load %arg13[%get3A_786, %get3A_787] {strides = array<i32>} : memref<512x32xf32, #tpu.memory_space<vmem>>, vector<1x16xf32>,
      %get3A_789 = vector.shape_cast %get3A_788 : vector<1x16xf32> to vector<16xf32>
      %get3A_790 = arith.index_cast %add3A_781 : i32 to index
      %get3A_791 = arith.constant 0 : index
      %get3A_792 = tpu.vector_load %arg14[%get3A_790, %get3A_791] {strides = array<i32>} : memref<512x32xf32, #tpu.memory_space<vmem>>, vector<1x16xf32>,
      %get3A_793 = vector.shape_cast %get3A_792 : vector<1x16xf32> to vector<16xf32>
      %get3A_794 = arith.index_cast %add3A_781 : i32 to index
      %get3A_795 = arith.constant 16 : index
      %get3A_796 = tpu.vector_load %arg14[%get3A_794, %get3A_795] {strides = array<i32>} : memref<512x32xf32, #tpu.memory_space<vmem>>, vector<1x16xf32>,
      %get3A_797 = vector.shape_cast %get3A_796 : vector<1x16xf32> to vector<16xf32>
      %get3A_798 = arith.index_cast %add3A_781 : i32 to index
      %get3A_799 = arith.constant 0 : index
      %get3A_800 = tpu.vector_load %arg15[%get3A_798, %get3A_799] {strides = array<i32>} : memref<512x32xf32, #tpu.memory_space<vmem>>, vector<1x16xf32>,
      %get3A_801 = vector.shape_cast %get3A_800 : vector<1x16xf32> to vector<16xf32>
      %get3A_802 = arith.index_cast %add3A_781 : i32 to index
      %get3A_803 = arith.constant 16 : index
      %get3A_804 = tpu.vector_load %arg15[%get3A_802, %get3A_803] {strides = array<i32>} : memref<512x32xf32, #tpu.memory_space<vmem>>, vector<1x16xf32>,
      %get3A_805 = vector.shape_cast %get3A_804 : vector<1x16xf32> to vector<16xf32>
      %get3A_806 = arith.index_cast %add3A_781 : i32 to index
      %get3A_807 = arith.constant 0 : index
      %get3A_808 = tpu.vector_load %arg16[%get3A_806, %get3A_807] {strides = array<i32>} : memref<512x32xf32, #tpu.memory_space<vmem>>, vector<1x16xf32>,
      %get3A_809 = vector.shape_cast %get3A_808 : vector<1x16xf32> to vector<16xf32>
      %get3A_810 = arith.index_cast %add3A_781 : i32 to index
      %get3A_811 = arith.constant 16 : index
      %get3A_812 = tpu.vector_load %arg16[%get3A_810, %get3A_811] {strides = array<i32>} : memref<512x32xf32, #tpu.memory_space<vmem>>, vector<1x16xf32>,
      %get3A_813 = vector.shape_cast %get3A_812 : vector<1x16xf32> to vector<16xf32>
      %get3A_814 = arith.index_cast %add3A_781 : i32 to index
      %get3A_815 = arith.constant 0 : index
      %get3A_816 = tpu.vector_load %arg17[%get3A_814, %get3A_815] {strides = array<i32>} : memref<512x32xf32, #tpu.memory_space<vmem>>, vector<1x16xf32>,
      %get3A_817 = vector.shape_cast %get3A_816 : vector<1x16xf32> to vector<16xf32>
      %get3A_818 = arith.index_cast %add3A_781 : i32 to index
      %get3A_819 = arith.constant 16 : index
      %get3A_820 = tpu.vector_load %arg17[%get3A_818, %get3A_819] {strides = array<i32>} : memref<512x32xf32, #tpu.memory_space<vmem>>, vector<1x16xf32>,
      %get3A_821 = vector.shape_cast %get3A_820 : vector<1x16xf32> to vector<16xf32>
      %get3A_822 = arith.index_cast %add3A_781 : i32 to index
      %get3A_823 = arith.constant 0 : index
      %get3A_824 = tpu.vector_load %arg18[%get3A_822, %get3A_823] {strides = array<i32>} : memref<512x32xf32, #tpu.memory_space<vmem>>, vector<1x16xf32>,
      %get3A_825 = vector.shape_cast %get3A_824 : vector<1x16xf32> to vector<16xf32>
      %get3A_826 = arith.index_cast %add3A_781 : i32 to index
      %get3A_827 = arith.constant 16 : index
      %get3A_828 = tpu.vector_load %arg18[%get3A_826, %get3A_827] {strides = array<i32>} : memref<512x32xf32, #tpu.memory_space<vmem>>, vector<1x16xf32>,
      %get3A_829 = vector.shape_cast %get3A_828 : vector<1x16xf32> to vector<16xf32>
      %mul3A_830 = arith.mulf %get3A_801, %get3A_785 : vector<16xf32>
      %mul3A_831 = arith.mulf %get3A_809, %get3A_793 : vector<16xf32>
      %sub3A_832 = arith.subf %mul3A_830, %mul3A_831 : vector<16xf32>
      %mul3A_833 = arith.mulf %get3A_801, %get3A_793 : vector<16xf32>
      %mul3A_834 = arith.mulf %get3A_809, %get3A_785 : vector<16xf32>
      %add3A_835 = arith.addf %mul3A_833, %mul3A_834 : vector<16xf32>
      %mul3A_836 = arith.mulf %get3A_805, %get3A_789 : vector<16xf32>
      %mul3A_837 = arith.mulf %get3A_813, %get3A_797 : vector<16xf32>
      %sub3A_838 = arith.subf %mul3A_836, %mul3A_837 : vector<16xf32>
      %mul3A_839 = arith.mulf %get3A_805, %get3A_797 : vector<16xf32>
      %mul3A_840 = arith.mulf %get3A_813, %get3A_789 : vector<16xf32>
      %add3A_841 = arith.addf %mul3A_839, %mul3A_840 : vector<16xf32>
      %mul3A_842 = arith.mulf %sub3A_832, %get3A_817 : vector<16xf32>
      %mul3A_843 = arith.mulf %add3A_835, %get3A_825 : vector<16xf32>
      %add3A_844 = arith.addf %mul3A_842, %mul3A_843 : vector<16xf32>
      %mul3A_845 = arith.mulf %sub3A_838, %get3A_821 : vector<16xf32>
      %mul3A_846 = arith.mulf %add3A_841, %get3A_829 : vector<16xf32>
      %add3A_847 = arith.addf %mul3A_845, %mul3A_846 : vector<16xf32>
      %add3A_848 = arith.addf %add3A_844, %add3A_847 : vector<16xf32>
      %broadcast_in_dim3A_849 = vector.shape_cast %xor3A_38 : vector<16xi32> to vector<16x1xi32>
      %gather3A_850 = vector.shape_cast %broadcast_in_dim3A_849 : vector<16x1xi32> to vector<16xi32>
      %gather3A_851 = tpu.dynamic_gather %add3A_848[%gather3A_850] in [0] : vector<16xf32>, vector<16xi32> -> vector<16xf32>
      %add3A_852 = arith.addf %add3A_848, %gather3A_851 : vector<16xf32>
      %broadcast_in_dim3A_853 = vector.shape_cast %xor3A_41 : vector<16xi32> to vector<16x1xi32>
      %gather3A_854 = vector.shape_cast %broadcast_in_dim3A_853 : vector<16x1xi32> to vector<16xi32>
      %gather3A_855 = tpu.dynamic_gather %add3A_852[%gather3A_854] in [0] : vector<16xf32>, vector<16xi32> -> vector<16xf32>
      %add3A_856 = arith.addf %add3A_852, %gather3A_855 : vector<16xf32>
      %broadcast_in_dim3A_857 = vector.shape_cast %xor3A_44 : vector<16xi32> to vector<16x1xi32>
      %gather3A_858 = vector.shape_cast %broadcast_in_dim3A_857 : vector<16x1xi32> to vector<16xi32>
      %gather3A_859 = tpu.dynamic_gather %add3A_856[%gather3A_858] in [0] : vector<16xf32>, vector<16xi32> -> vector<16xf32>
      %add3A_860 = arith.addf %add3A_856, %gather3A_859 : vector<16xf32>
      %broadcast_in_dim3A_861 = vector.shape_cast %xor3A_47 : vector<16xi32> to vector<16x1xi32>
      %gather3A_862 = vector.shape_cast %broadcast_in_dim3A_861 : vector<16x1xi32> to vector<16xi32>
      %gather3A_863 = tpu.dynamic_gather %add3A_860[%gather3A_862] in [0] : vector<16xf32>, vector<16xi32> -> vector<16xf32>
      %add3A_864 = arith.addf %add3A_860, %gather3A_863 : vector<16xf32>
      %eq3A_865 = arith.constant 8 : i32
      %eq3A_866 = vector.broadcast %eq3A_865 : i32 to vector<16xi32>
      %eq3A_867 = arith.cmpi eq, %iota3A, %eq3A_866 : vector<16xi32>
      %select_n3A_868 = arith.select %eq3A_867, %add3A_864, %select_n3A_777 : vector<16xi1>, vector<16xf32>
      %mul3A_869 = arith.constant 16 : i32
      %mul3A_870 = arith.muli %scan3A_53, %mul3A_869 : i32
      %add3A_871 = arith.constant 9 : i32
      %add3A_872 = arith.addi %mul3A_870, %add3A_871 : i32
      %get3A_873 = arith.index_cast %add3A_872 : i32 to index
      %get3A_874 = arith.constant 0 : index
      %get3A_875 = tpu.vector_load %arg13[%get3A_873, %get3A_874] {strides = array<i32>} : memref<512x32xf32, #tpu.memory_space<vmem>>, vector<1x16xf32>,
      %get3A_876 = vector.shape_cast %get3A_875 : vector<1x16xf32> to vector<16xf32>
      %get3A_877 = arith.index_cast %add3A_872 : i32 to index
      %get3A_878 = arith.constant 16 : index
      %get3A_879 = tpu.vector_load %arg13[%get3A_877, %get3A_878] {strides = array<i32>} : memref<512x32xf32, #tpu.memory_space<vmem>>, vector<1x16xf32>,
      %get3A_880 = vector.shape_cast %get3A_879 : vector<1x16xf32> to vector<16xf32>
      %get3A_881 = arith.index_cast %add3A_872 : i32 to index
      %get3A_882 = arith.constant 0 : index
      %get3A_883 = tpu.vector_load %arg14[%get3A_881, %get3A_882] {strides = array<i32>} : memref<512x32xf32, #tpu.memory_space<vmem>>, vector<1x16xf32>,
      %get3A_884 = vector.shape_cast %get3A_883 : vector<1x16xf32> to vector<16xf32>
      %get3A_885 = arith.index_cast %add3A_872 : i32 to index
      %get3A_886 = arith.constant 16 : index
      %get3A_887 = tpu.vector_load %arg14[%get3A_885, %get3A_886] {strides = array<i32>} : memref<512x32xf32, #tpu.memory_space<vmem>>, vector<1x16xf32>,
      %get3A_888 = vector.shape_cast %get3A_887 : vector<1x16xf32> to vector<16xf32>
      %get3A_889 = arith.index_cast %add3A_872 : i32 to index
      %get3A_890 = arith.constant 0 : index
      %get3A_891 = tpu.vector_load %arg15[%get3A_889, %get3A_890] {strides = array<i32>} : memref<512x32xf32, #tpu.memory_space<vmem>>, vector<1x16xf32>,
      %get3A_892 = vector.shape_cast %get3A_891 : vector<1x16xf32> to vector<16xf32>
      %get3A_893 = arith.index_cast %add3A_872 : i32 to index
      %get3A_894 = arith.constant 16 : index
      %get3A_895 = tpu.vector_load %arg15[%get3A_893, %get3A_894] {strides = array<i32>} : memref<512x32xf32, #tpu.memory_space<vmem>>, vector<1x16xf32>,
      %get3A_896 = vector.shape_cast %get3A_895 : vector<1x16xf32> to vector<16xf32>
      %get3A_897 = arith.index_cast %add3A_872 : i32 to index
      %get3A_898 = arith.constant 0 : index
      %get3A_899 = tpu.vector_load %arg16[%get3A_897, %get3A_898] {strides = array<i32>} : memref<512x32xf32, #tpu.memory_space<vmem>>, vector<1x16xf32>,
      %get3A_900 = vector.shape_cast %get3A_899 : vector<1x16xf32> to vector<16xf32>
      %get3A_901 = arith.index_cast %add3A_872 : i32 to index
      %get3A_902 = arith.constant 16 : index
      %get3A_903 = tpu.vector_load %arg16[%get3A_901, %get3A_902] {strides = array<i32>} : memref<512x32xf32, #tpu.memory_space<vmem>>, vector<1x16xf32>,
      %get3A_904 = vector.shape_cast %get3A_903 : vector<1x16xf32> to vector<16xf32>
      %get3A_905 = arith.index_cast %add3A_872 : i32 to index
      %get3A_906 = arith.constant 0 : index
      %get3A_907 = tpu.vector_load %arg17[%get3A_905, %get3A_906] {strides = array<i32>} : memref<512x32xf32, #tpu.memory_space<vmem>>, vector<1x16xf32>,
      %get3A_908 = vector.shape_cast %get3A_907 : vector<1x16xf32> to vector<16xf32>
      %get3A_909 = arith.index_cast %add3A_872 : i32 to index
      %get3A_910 = arith.constant 16 : index
      %get3A_911 = tpu.vector_load %arg17[%get3A_909, %get3A_910] {strides = array<i32>} : memref<512x32xf32, #tpu.memory_space<vmem>>, vector<1x16xf32>,
      %get3A_912 = vector.shape_cast %get3A_911 : vector<1x16xf32> to vector<16xf32>
      %get3A_913 = arith.index_cast %add3A_872 : i32 to index
      %get3A_914 = arith.constant 0 : index
      %get3A_915 = tpu.vector_load %arg18[%get3A_913, %get3A_914] {strides = array<i32>} : memref<512x32xf32, #tpu.memory_space<vmem>>, vector<1x16xf32>,
      %get3A_916 = vector.shape_cast %get3A_915 : vector<1x16xf32> to vector<16xf32>
      %get3A_917 = arith.index_cast %add3A_872 : i32 to index
      %get3A_918 = arith.constant 16 : index
      %get3A_919 = tpu.vector_load %arg18[%get3A_917, %get3A_918] {strides = array<i32>} : memref<512x32xf32, #tpu.memory_space<vmem>>, vector<1x16xf32>,
      %get3A_920 = vector.shape_cast %get3A_919 : vector<1x16xf32> to vector<16xf32>
      %mul3A_921 = arith.mulf %get3A_892, %get3A_876 : vector<16xf32>
      %mul3A_922 = arith.mulf %get3A_900, %get3A_884 : vector<16xf32>
      %sub3A_923 = arith.subf %mul3A_921, %mul3A_922 : vector<16xf32>
      %mul3A_924 = arith.mulf %get3A_892, %get3A_884 : vector<16xf32>
      %mul3A_925 = arith.mulf %get3A_900, %get3A_876 : vector<16xf32>
      %add3A_926 = arith.addf %mul3A_924, %mul3A_925 : vector<16xf32>
      %mul3A_927 = arith.mulf %get3A_896, %get3A_880 : vector<16xf32>
      %mul3A_928 = arith.mulf %get3A_904, %get3A_888 : vector<16xf32>
      %sub3A_929 = arith.subf %mul3A_927, %mul3A_928 : vector<16xf32>
      %mul3A_930 = arith.mulf %get3A_896, %get3A_888 : vector<16xf32>
      %mul3A_931 = arith.mulf %get3A_904, %get3A_880 : vector<16xf32>
      %add3A_932 = arith.addf %mul3A_930, %mul3A_931 : vector<16xf32>
      %mul3A_933 = arith.mulf %sub3A_923, %get3A_908 : vector<16xf32>
      %mul3A_934 = arith.mulf %add3A_926, %get3A_916 : vector<16xf32>
      %add3A_935 = arith.addf %mul3A_933, %mul3A_934 : vector<16xf32>
      %mul3A_936 = arith.mulf %sub3A_929, %get3A_912 : vector<16xf32>
      %mul3A_937 = arith.mulf %add3A_932, %get3A_920 : vector<16xf32>
      %add3A_938 = arith.addf %mul3A_936, %mul3A_937 : vector<16xf32>
      %add3A_939 = arith.addf %add3A_935, %add3A_938 : vector<16xf32>
      %broadcast_in_dim3A_940 = vector.shape_cast %xor3A_38 : vector<16xi32> to vector<16x1xi32>
      %gather3A_941 = vector.shape_cast %broadcast_in_dim3A_940 : vector<16x1xi32> to vector<16xi32>
      %gather3A_942 = tpu.dynamic_gather %add3A_939[%gather3A_941] in [0] : vector<16xf32>, vector<16xi32> -> vector<16xf32>
      %add3A_943 = arith.addf %add3A_939, %gather3A_942 : vector<16xf32>
      %broadcast_in_dim3A_944 = vector.shape_cast %xor3A_41 : vector<16xi32> to vector<16x1xi32>
      %gather3A_945 = vector.shape_cast %broadcast_in_dim3A_944 : vector<16x1xi32> to vector<16xi32>
      %gather3A_946 = tpu.dynamic_gather %add3A_943[%gather3A_945] in [0] : vector<16xf32>, vector<16xi32> -> vector<16xf32>
      %add3A_947 = arith.addf %add3A_943, %gather3A_946 : vector<16xf32>
      %broadcast_in_dim3A_948 = vector.shape_cast %xor3A_44 : vector<16xi32> to vector<16x1xi32>
      %gather3A_949 = vector.shape_cast %broadcast_in_dim3A_948 : vector<16x1xi32> to vector<16xi32>
      %gather3A_950 = tpu.dynamic_gather %add3A_947[%gather3A_949] in [0] : vector<16xf32>, vector<16xi32> -> vector<16xf32>
      %add3A_951 = arith.addf %add3A_947, %gather3A_950 : vector<16xf32>
      %broadcast_in_dim3A_952 = vector.shape_cast %xor3A_47 : vector<16xi32> to vector<16x1xi32>
      %gather3A_953 = vector.shape_cast %broadcast_in_dim3A_952 : vector<16x1xi32> to vector<16xi32>
      %gather3A_954 = tpu.dynamic_gather %add3A_951[%gather3A_953] in [0] : vector<16xf32>, vector<16xi32> -> vector<16xf32>
      %add3A_955 = arith.addf %add3A_951, %gather3A_954 : vector<16xf32>
      %eq3A_956 = arith.constant 9 : i32
      %eq3A_957 = vector.broadcast %eq3A_956 : i32 to vector<16xi32>
      %eq3A_958 = arith.cmpi eq, %iota3A, %eq3A_957 : vector<16xi32>
      %select_n3A_959 = arith.select %eq3A_958, %add3A_955, %select_n3A_868 : vector<16xi1>, vector<16xf32>
      %mul3A_960 = arith.constant 16 : i32
      %mul3A_961 = arith.muli %scan3A_53, %mul3A_960 : i32
      %add3A_962 = arith.constant 10 : i32
      %add3A_963 = arith.addi %mul3A_961, %add3A_962 : i32
      %get3A_964 = arith.index_cast %add3A_963 : i32 to index
      %get3A_965 = arith.constant 0 : index
      %get3A_966 = tpu.vector_load %arg13[%get3A_964, %get3A_965] {strides = array<i32>} : memref<512x32xf32, #tpu.memory_space<vmem>>, vector<1x16xf32>,
      %get3A_967 = vector.shape_cast %get3A_966 : vector<1x16xf32> to vector<16xf32>
      %get3A_968 = arith.index_cast %add3A_963 : i32 to index
      %get3A_969 = arith.constant 16 : index
      %get3A_970 = tpu.vector_load %arg13[%get3A_968, %get3A_969] {strides = array<i32>} : memref<512x32xf32, #tpu.memory_space<vmem>>, vector<1x16xf32>,
      %get3A_971 = vector.shape_cast %get3A_970 : vector<1x16xf32> to vector<16xf32>
      %get3A_972 = arith.index_cast %add3A_963 : i32 to index
      %get3A_973 = arith.constant 0 : index
      %get3A_974 = tpu.vector_load %arg14[%get3A_972, %get3A_973] {strides = array<i32>} : memref<512x32xf32, #tpu.memory_space<vmem>>, vector<1x16xf32>,
      %get3A_975 = vector.shape_cast %get3A_974 : vector<1x16xf32> to vector<16xf32>
      %get3A_976 = arith.index_cast %add3A_963 : i32 to index
      %get3A_977 = arith.constant 16 : index
      %get3A_978 = tpu.vector_load %arg14[%get3A_976, %get3A_977] {strides = array<i32>} : memref<512x32xf32, #tpu.memory_space<vmem>>, vector<1x16xf32>,
      %get3A_979 = vector.shape_cast %get3A_978 : vector<1x16xf32> to vector<16xf32>
      %get3A_980 = arith.index_cast %add3A_963 : i32 to index
      %get3A_981 = arith.constant 0 : index
      %get3A_982 = tpu.vector_load %arg15[%get3A_980, %get3A_981] {strides = array<i32>} : memref<512x32xf32, #tpu.memory_space<vmem>>, vector<1x16xf32>,
      %get3A_983 = vector.shape_cast %get3A_982 : vector<1x16xf32> to vector<16xf32>
      %get3A_984 = arith.index_cast %add3A_963 : i32 to index
      %get3A_985 = arith.constant 16 : index
      %get3A_986 = tpu.vector_load %arg15[%get3A_984, %get3A_985] {strides = array<i32>} : memref<512x32xf32, #tpu.memory_space<vmem>>, vector<1x16xf32>,
      %get3A_987 = vector.shape_cast %get3A_986 : vector<1x16xf32> to vector<16xf32>
      %get3A_988 = arith.index_cast %add3A_963 : i32 to index
      %get3A_989 = arith.constant 0 : index
      %get3A_990 = tpu.vector_load %arg16[%get3A_988, %get3A_989] {strides = array<i32>} : memref<512x32xf32, #tpu.memory_space<vmem>>, vector<1x16xf32>,
      %get3A_991 = vector.shape_cast %get3A_990 : vector<1x16xf32> to vector<16xf32>
      %get3A_992 = arith.index_cast %add3A_963 : i32 to index
      %get3A_993 = arith.constant 16 : index
      %get3A_994 = tpu.vector_load %arg16[%get3A_992, %get3A_993] {strides = array<i32>} : memref<512x32xf32, #tpu.memory_space<vmem>>, vector<1x16xf32>,
      %get3A_995 = vector.shape_cast %get3A_994 : vector<1x16xf32> to vector<16xf32>
      %get3A_996 = arith.index_cast %add3A_963 : i32 to index
      %get3A_997 = arith.constant 0 : index
      %get3A_998 = tpu.vector_load %arg17[%get3A_996, %get3A_997] {strides = array<i32>} : memref<512x32xf32, #tpu.memory_space<vmem>>, vector<1x16xf32>,
      %get3A_999 = vector.shape_cast %get3A_998 : vector<1x16xf32> to vector<16xf32>
      %get3A_1000 = arith.index_cast %add3A_963 : i32 to index
      %get3A_1001 = arith.constant 16 : index
      %get3A_1002 = tpu.vector_load %arg17[%get3A_1000, %get3A_1001] {strides = array<i32>} : memref<512x32xf32, #tpu.memory_space<vmem>>, vector<1x16xf32>,
      %get3A_1003 = vector.shape_cast %get3A_1002 : vector<1x16xf32> to vector<16xf32>
      %get3A_1004 = arith.index_cast %add3A_963 : i32 to index
      %get3A_1005 = arith.constant 0 : index
      %get3A_1006 = tpu.vector_load %arg18[%get3A_1004, %get3A_1005] {strides = array<i32>} : memref<512x32xf32, #tpu.memory_space<vmem>>, vector<1x16xf32>,
      %get3A_1007 = vector.shape_cast %get3A_1006 : vector<1x16xf32> to vector<16xf32>
      %get3A_1008 = arith.index_cast %add3A_963 : i32 to index
      %get3A_1009 = arith.constant 16 : index
      %get3A_1010 = tpu.vector_load %arg18[%get3A_1008, %get3A_1009] {strides = array<i32>} : memref<512x32xf32, #tpu.memory_space<vmem>>, vector<1x16xf32>,
      %get3A_1011 = vector.shape_cast %get3A_1010 : vector<1x16xf32> to vector<16xf32>
      %mul3A_1012 = arith.mulf %get3A_983, %get3A_967 : vector<16xf32>
      %mul3A_1013 = arith.mulf %get3A_991, %get3A_975 : vector<16xf32>
      %sub3A_1014 = arith.subf %mul3A_1012, %mul3A_1013 : vector<16xf32>
      %mul3A_1015 = arith.mulf %get3A_983, %get3A_975 : vector<16xf32>
      %mul3A_1016 = arith.mulf %get3A_991, %get3A_967 : vector<16xf32>
      %add3A_1017 = arith.addf %mul3A_1015, %mul3A_1016 : vector<16xf32>
      %mul3A_1018 = arith.mulf %get3A_987, %get3A_971 : vector<16xf32>
      %mul3A_1019 = arith.mulf %get3A_995, %get3A_979 : vector<16xf32>
      %sub3A_1020 = arith.subf %mul3A_1018, %mul3A_1019 : vector<16xf32>
      %mul3A_1021 = arith.mulf %get3A_987, %get3A_979 : vector<16xf32>
      %mul3A_1022 = arith.mulf %get3A_995, %get3A_971 : vector<16xf32>
      %add3A_1023 = arith.addf %mul3A_1021, %mul3A_1022 : vector<16xf32>
      %mul3A_1024 = arith.mulf %sub3A_1014, %get3A_999 : vector<16xf32>
      %mul3A_1025 = arith.mulf %add3A_1017, %get3A_1007 : vector<16xf32>
      %add3A_1026 = arith.addf %mul3A_1024, %mul3A_1025 : vector<16xf32>
      %mul3A_1027 = arith.mulf %sub3A_1020, %get3A_1003 : vector<16xf32>
      %mul3A_1028 = arith.mulf %add3A_1023, %get3A_1011 : vector<16xf32>
      %add3A_1029 = arith.addf %mul3A_1027, %mul3A_1028 : vector<16xf32>
      %add3A_1030 = arith.addf %add3A_1026, %add3A_1029 : vector<16xf32>
      %broadcast_in_dim3A_1031 = vector.shape_cast %xor3A_38 : vector<16xi32> to vector<16x1xi32>
      %gather3A_1032 = vector.shape_cast %broadcast_in_dim3A_1031 : vector<16x1xi32> to vector<16xi32>
      %gather3A_1033 = tpu.dynamic_gather %add3A_1030[%gather3A_1032] in [0] : vector<16xf32>, vector<16xi32> -> vector<16xf32>
      %add3A_1034 = arith.addf %add3A_1030, %gather3A_1033 : vector<16xf32>
      %broadcast_in_dim3A_1035 = vector.shape_cast %xor3A_41 : vector<16xi32> to vector<16x1xi32>
      %gather3A_1036 = vector.shape_cast %broadcast_in_dim3A_1035 : vector<16x1xi32> to vector<16xi32>
      %gather3A_1037 = tpu.dynamic_gather %add3A_1034[%gather3A_1036] in [0] : vector<16xf32>, vector<16xi32> -> vector<16xf32>
      %add3A_1038 = arith.addf %add3A_1034, %gather3A_1037 : vector<16xf32>
      %broadcast_in_dim3A_1039 = vector.shape_cast %xor3A_44 : vector<16xi32> to vector<16x1xi32>
      %gather3A_1040 = vector.shape_cast %broadcast_in_dim3A_1039 : vector<16x1xi32> to vector<16xi32>
      %gather3A_1041 = tpu.dynamic_gather %add3A_1038[%gather3A_1040] in [0] : vector<16xf32>, vector<16xi32> -> vector<16xf32>
      %add3A_1042 = arith.addf %add3A_1038, %gather3A_1041 : vector<16xf32>
      %broadcast_in_dim3A_1043 = vector.shape_cast %xor3A_47 : vector<16xi32> to vector<16x1xi32>
      %gather3A_1044 = vector.shape_cast %broadcast_in_dim3A_1043 : vector<16x1xi32> to vector<16xi32>
      %gather3A_1045 = tpu.dynamic_gather %add3A_1042[%gather3A_1044] in [0] : vector<16xf32>, vector<16xi32> -> vector<16xf32>
      %add3A_1046 = arith.addf %add3A_1042, %gather3A_1045 : vector<16xf32>
      %eq3A_1047 = arith.constant 10 : i32
      %eq3A_1048 = vector.broadcast %eq3A_1047 : i32 to vector<16xi32>
      %eq3A_1049 = arith.cmpi eq, %iota3A, %eq3A_1048 : vector<16xi32>
      %select_n3A_1050 = arith.select %eq3A_1049, %add3A_1046, %select_n3A_959 : vector<16xi1>, vector<16xf32>
      %mul3A_1051 = arith.constant 16 : i32
      %mul3A_1052 = arith.muli %scan3A_53, %mul3A_1051 : i32
      %add3A_1053 = arith.constant 11 : i32
      %add3A_1054 = arith.addi %mul3A_1052, %add3A_1053 : i32
      %get3A_1055 = arith.index_cast %add3A_1054 : i32 to index
      %get3A_1056 = arith.constant 0 : index
      %get3A_1057 = tpu.vector_load %arg13[%get3A_1055, %get3A_1056] {strides = array<i32>} : memref<512x32xf32, #tpu.memory_space<vmem>>, vector<1x16xf32>,
      %get3A_1058 = vector.shape_cast %get3A_1057 : vector<1x16xf32> to vector<16xf32>
      %get3A_1059 = arith.index_cast %add3A_1054 : i32 to index
      %get3A_1060 = arith.constant 16 : index
      %get3A_1061 = tpu.vector_load %arg13[%get3A_1059, %get3A_1060] {strides = array<i32>} : memref<512x32xf32, #tpu.memory_space<vmem>>, vector<1x16xf32>,
      %get3A_1062 = vector.shape_cast %get3A_1061 : vector<1x16xf32> to vector<16xf32>
      %get3A_1063 = arith.index_cast %add3A_1054 : i32 to index
      %get3A_1064 = arith.constant 0 : index
      %get3A_1065 = tpu.vector_load %arg14[%get3A_1063, %get3A_1064] {strides = array<i32>} : memref<512x32xf32, #tpu.memory_space<vmem>>, vector<1x16xf32>,
      %get3A_1066 = vector.shape_cast %get3A_1065 : vector<1x16xf32> to vector<16xf32>
      %get3A_1067 = arith.index_cast %add3A_1054 : i32 to index
      %get3A_1068 = arith.constant 16 : index
      %get3A_1069 = tpu.vector_load %arg14[%get3A_1067, %get3A_1068] {strides = array<i32>} : memref<512x32xf32, #tpu.memory_space<vmem>>, vector<1x16xf32>,
      %get3A_1070 = vector.shape_cast %get3A_1069 : vector<1x16xf32> to vector<16xf32>
      %get3A_1071 = arith.index_cast %add3A_1054 : i32 to index
      %get3A_1072 = arith.constant 0 : index
      %get3A_1073 = tpu.vector_load %arg15[%get3A_1071, %get3A_1072] {strides = array<i32>} : memref<512x32xf32, #tpu.memory_space<vmem>>, vector<1x16xf32>,
      %get3A_1074 = vector.shape_cast %get3A_1073 : vector<1x16xf32> to vector<16xf32>
      %get3A_1075 = arith.index_cast %add3A_1054 : i32 to index
      %get3A_1076 = arith.constant 16 : index
      %get3A_1077 = tpu.vector_load %arg15[%get3A_1075, %get3A_1076] {strides = array<i32>} : memref<512x32xf32, #tpu.memory_space<vmem>>, vector<1x16xf32>,
      %get3A_1078 = vector.shape_cast %get3A_1077 : vector<1x16xf32> to vector<16xf32>
      %get3A_1079 = arith.index_cast %add3A_1054 : i32 to index
      %get3A_1080 = arith.constant 0 : index
      %get3A_1081 = tpu.vector_load %arg16[%get3A_1079, %get3A_1080] {strides = array<i32>} : memref<512x32xf32, #tpu.memory_space<vmem>>, vector<1x16xf32>,
      %get3A_1082 = vector.shape_cast %get3A_1081 : vector<1x16xf32> to vector<16xf32>
      %get3A_1083 = arith.index_cast %add3A_1054 : i32 to index
      %get3A_1084 = arith.constant 16 : index
      %get3A_1085 = tpu.vector_load %arg16[%get3A_1083, %get3A_1084] {strides = array<i32>} : memref<512x32xf32, #tpu.memory_space<vmem>>, vector<1x16xf32>,
      %get3A_1086 = vector.shape_cast %get3A_1085 : vector<1x16xf32> to vector<16xf32>
      %get3A_1087 = arith.index_cast %add3A_1054 : i32 to index
      %get3A_1088 = arith.constant 0 : index
      %get3A_1089 = tpu.vector_load %arg17[%get3A_1087, %get3A_1088] {strides = array<i32>} : memref<512x32xf32, #tpu.memory_space<vmem>>, vector<1x16xf32>,
      %get3A_1090 = vector.shape_cast %get3A_1089 : vector<1x16xf32> to vector<16xf32>
      %get3A_1091 = arith.index_cast %add3A_1054 : i32 to index
      %get3A_1092 = arith.constant 16 : index
      %get3A_1093 = tpu.vector_load %arg17[%get3A_1091, %get3A_1092] {strides = array<i32>} : memref<512x32xf32, #tpu.memory_space<vmem>>, vector<1x16xf32>,
      %get3A_1094 = vector.shape_cast %get3A_1093 : vector<1x16xf32> to vector<16xf32>
      %get3A_1095 = arith.index_cast %add3A_1054 : i32 to index
      %get3A_1096 = arith.constant 0 : index
      %get3A_1097 = tpu.vector_load %arg18[%get3A_1095, %get3A_1096] {strides = array<i32>} : memref<512x32xf32, #tpu.memory_space<vmem>>, vector<1x16xf32>,
      %get3A_1098 = vector.shape_cast %get3A_1097 : vector<1x16xf32> to vector<16xf32>
      %get3A_1099 = arith.index_cast %add3A_1054 : i32 to index
      %get3A_1100 = arith.constant 16 : index
      %get3A_1101 = tpu.vector_load %arg18[%get3A_1099, %get3A_1100] {strides = array<i32>} : memref<512x32xf32, #tpu.memory_space<vmem>>, vector<1x16xf32>,
      %get3A_1102 = vector.shape_cast %get3A_1101 : vector<1x16xf32> to vector<16xf32>
      %mul3A_1103 = arith.mulf %get3A_1074, %get3A_1058 : vector<16xf32>
      %mul3A_1104 = arith.mulf %get3A_1082, %get3A_1066 : vector<16xf32>
      %sub3A_1105 = arith.subf %mul3A_1103, %mul3A_1104 : vector<16xf32>
      %mul3A_1106 = arith.mulf %get3A_1074, %get3A_1066 : vector<16xf32>
      %mul3A_1107 = arith.mulf %get3A_1082, %get3A_1058 : vector<16xf32>
      %add3A_1108 = arith.addf %mul3A_1106, %mul3A_1107 : vector<16xf32>
      %mul3A_1109 = arith.mulf %get3A_1078, %get3A_1062 : vector<16xf32>
      %mul3A_1110 = arith.mulf %get3A_1086, %get3A_1070 : vector<16xf32>
      %sub3A_1111 = arith.subf %mul3A_1109, %mul3A_1110 : vector<16xf32>
      %mul3A_1112 = arith.mulf %get3A_1078, %get3A_1070 : vector<16xf32>
      %mul3A_1113 = arith.mulf %get3A_1086, %get3A_1062 : vector<16xf32>
      %add3A_1114 = arith.addf %mul3A_1112, %mul3A_1113 : vector<16xf32>
      %mul3A_1115 = arith.mulf %sub3A_1105, %get3A_1090 : vector<16xf32>
      %mul3A_1116 = arith.mulf %add3A_1108, %get3A_1098 : vector<16xf32>
      %add3A_1117 = arith.addf %mul3A_1115, %mul3A_1116 : vector<16xf32>
      %mul3A_1118 = arith.mulf %sub3A_1111, %get3A_1094 : vector<16xf32>
      %mul3A_1119 = arith.mulf %add3A_1114, %get3A_1102 : vector<16xf32>
      %add3A_1120 = arith.addf %mul3A_1118, %mul3A_1119 : vector<16xf32>
      %add3A_1121 = arith.addf %add3A_1117, %add3A_1120 : vector<16xf32>
      %broadcast_in_dim3A_1122 = vector.shape_cast %xor3A_38 : vector<16xi32> to vector<16x1xi32>
      %gather3A_1123 = vector.shape_cast %broadcast_in_dim3A_1122 : vector<16x1xi32> to vector<16xi32>
      %gather3A_1124 = tpu.dynamic_gather %add3A_1121[%gather3A_1123] in [0] : vector<16xf32>, vector<16xi32> -> vector<16xf32>
      %add3A_1125 = arith.addf %add3A_1121, %gather3A_1124 : vector<16xf32>
      %broadcast_in_dim3A_1126 = vector.shape_cast %xor3A_41 : vector<16xi32> to vector<16x1xi32>
      %gather3A_1127 = vector.shape_cast %broadcast_in_dim3A_1126 : vector<16x1xi32> to vector<16xi32>
      %gather3A_1128 = tpu.dynamic_gather %add3A_1125[%gather3A_1127] in [0] : vector<16xf32>, vector<16xi32> -> vector<16xf32>
      %add3A_1129 = arith.addf %add3A_1125, %gather3A_1128 : vector<16xf32>
      %broadcast_in_dim3A_1130 = vector.shape_cast %xor3A_44 : vector<16xi32> to vector<16x1xi32>
      %gather3A_1131 = vector.shape_cast %broadcast_in_dim3A_1130 : vector<16x1xi32> to vector<16xi32>
      %gather3A_1132 = tpu.dynamic_gather %add3A_1129[%gather3A_1131] in [0] : vector<16xf32>, vector<16xi32> -> vector<16xf32>
      %add3A_1133 = arith.addf %add3A_1129, %gather3A_1132 : vector<16xf32>
      %broadcast_in_dim3A_1134 = vector.shape_cast %xor3A_47 : vector<16xi32> to vector<16x1xi32>
      %gather3A_1135 = vector.shape_cast %broadcast_in_dim3A_1134 : vector<16x1xi32> to vector<16xi32>
      %gather3A_1136 = tpu.dynamic_gather %add3A_1133[%gather3A_1135] in [0] : vector<16xf32>, vector<16xi32> -> vector<16xf32>
      %add3A_1137 = arith.addf %add3A_1133, %gather3A_1136 : vector<16xf32>
      %eq3A_1138 = arith.constant 11 : i32
      %eq3A_1139 = vector.broadcast %eq3A_1138 : i32 to vector<16xi32>
      %eq3A_1140 = arith.cmpi eq, %iota3A, %eq3A_1139 : vector<16xi32>
      %select_n3A_1141 = arith.select %eq3A_1140, %add3A_1137, %select_n3A_1050 : vector<16xi1>, vector<16xf32>
      %mul3A_1142 = arith.constant 16 : i32
      %mul3A_1143 = arith.muli %scan3A_53, %mul3A_1142 : i32
      %add3A_1144 = arith.constant 12 : i32
      %add3A_1145 = arith.addi %mul3A_1143, %add3A_1144 : i32
      %get3A_1146 = arith.index_cast %add3A_1145 : i32 to index
      %get3A_1147 = arith.constant 0 : index
      %get3A_1148 = tpu.vector_load %arg13[%get3A_1146, %get3A_1147] {strides = array<i32>} : memref<512x32xf32, #tpu.memory_space<vmem>>, vector<1x16xf32>,
      %get3A_1149 = vector.shape_cast %get3A_1148 : vector<1x16xf32> to vector<16xf32>
      %get3A_1150 = arith.index_cast %add3A_1145 : i32 to index
      %get3A_1151 = arith.constant 16 : index
      %get3A_1152 = tpu.vector_load %arg13[%get3A_1150, %get3A_1151] {strides = array<i32>} : memref<512x32xf32, #tpu.memory_space<vmem>>, vector<1x16xf32>,
      %get3A_1153 = vector.shape_cast %get3A_1152 : vector<1x16xf32> to vector<16xf32>
      %get3A_1154 = arith.index_cast %add3A_1145 : i32 to index
      %get3A_1155 = arith.constant 0 : index
      %get3A_1156 = tpu.vector_load %arg14[%get3A_1154, %get3A_1155] {strides = array<i32>} : memref<512x32xf32, #tpu.memory_space<vmem>>, vector<1x16xf32>,
      %get3A_1157 = vector.shape_cast %get3A_1156 : vector<1x16xf32> to vector<16xf32>
      %get3A_1158 = arith.index_cast %add3A_1145 : i32 to index
      %get3A_1159 = arith.constant 16 : index
      %get3A_1160 = tpu.vector_load %arg14[%get3A_1158, %get3A_1159] {strides = array<i32>} : memref<512x32xf32, #tpu.memory_space<vmem>>, vector<1x16xf32>,
      %get3A_1161 = vector.shape_cast %get3A_1160 : vector<1x16xf32> to vector<16xf32>
      %get3A_1162 = arith.index_cast %add3A_1145 : i32 to index
      %get3A_1163 = arith.constant 0 : index
      %get3A_1164 = tpu.vector_load %arg15[%get3A_1162, %get3A_1163] {strides = array<i32>} : memref<512x32xf32, #tpu.memory_space<vmem>>, vector<1x16xf32>,
      %get3A_1165 = vector.shape_cast %get3A_1164 : vector<1x16xf32> to vector<16xf32>
      %get3A_1166 = arith.index_cast %add3A_1145 : i32 to index
      %get3A_1167 = arith.constant 16 : index
      %get3A_1168 = tpu.vector_load %arg15[%get3A_1166, %get3A_1167] {strides = array<i32>} : memref<512x32xf32, #tpu.memory_space<vmem>>, vector<1x16xf32>,
      %get3A_1169 = vector.shape_cast %get3A_1168 : vector<1x16xf32> to vector<16xf32>
      %get3A_1170 = arith.index_cast %add3A_1145 : i32 to index
      %get3A_1171 = arith.constant 0 : index
      %get3A_1172 = tpu.vector_load %arg16[%get3A_1170, %get3A_1171] {strides = array<i32>} : memref<512x32xf32, #tpu.memory_space<vmem>>, vector<1x16xf32>,
      %get3A_1173 = vector.shape_cast %get3A_1172 : vector<1x16xf32> to vector<16xf32>
      %get3A_1174 = arith.index_cast %add3A_1145 : i32 to index
      %get3A_1175 = arith.constant 16 : index
      %get3A_1176 = tpu.vector_load %arg16[%get3A_1174, %get3A_1175] {strides = array<i32>} : memref<512x32xf32, #tpu.memory_space<vmem>>, vector<1x16xf32>,
      %get3A_1177 = vector.shape_cast %get3A_1176 : vector<1x16xf32> to vector<16xf32>
      %get3A_1178 = arith.index_cast %add3A_1145 : i32 to index
      %get3A_1179 = arith.constant 0 : index
      %get3A_1180 = tpu.vector_load %arg17[%get3A_1178, %get3A_1179] {strides = array<i32>} : memref<512x32xf32, #tpu.memory_space<vmem>>, vector<1x16xf32>,
      %get3A_1181 = vector.shape_cast %get3A_1180 : vector<1x16xf32> to vector<16xf32>
      %get3A_1182 = arith.index_cast %add3A_1145 : i32 to index
      %get3A_1183 = arith.constant 16 : index
      %get3A_1184 = tpu.vector_load %arg17[%get3A_1182, %get3A_1183] {strides = array<i32>} : memref<512x32xf32, #tpu.memory_space<vmem>>, vector<1x16xf32>,
      %get3A_1185 = vector.shape_cast %get3A_1184 : vector<1x16xf32> to vector<16xf32>
      %get3A_1186 = arith.index_cast %add3A_1145 : i32 to index
      %get3A_1187 = arith.constant 0 : index
      %get3A_1188 = tpu.vector_load %arg18[%get3A_1186, %get3A_1187] {strides = array<i32>} : memref<512x32xf32, #tpu.memory_space<vmem>>, vector<1x16xf32>,
      %get3A_1189 = vector.shape_cast %get3A_1188 : vector<1x16xf32> to vector<16xf32>
      %get3A_1190 = arith.index_cast %add3A_1145 : i32 to index
      %get3A_1191 = arith.constant 16 : index
      %get3A_1192 = tpu.vector_load %arg18[%get3A_1190, %get3A_1191] {strides = array<i32>} : memref<512x32xf32, #tpu.memory_space<vmem>>, vector<1x16xf32>,
      %get3A_1193 = vector.shape_cast %get3A_1192 : vector<1x16xf32> to vector<16xf32>
      %mul3A_1194 = arith.mulf %get3A_1165, %get3A_1149 : vector<16xf32>
      %mul3A_1195 = arith.mulf %get3A_1173, %get3A_1157 : vector<16xf32>
      %sub3A_1196 = arith.subf %mul3A_1194, %mul3A_1195 : vector<16xf32>
      %mul3A_1197 = arith.mulf %get3A_1165, %get3A_1157 : vector<16xf32>
      %mul3A_1198 = arith.mulf %get3A_1173, %get3A_1149 : vector<16xf32>
      %add3A_1199 = arith.addf %mul3A_1197, %mul3A_1198 : vector<16xf32>
      %mul3A_1200 = arith.mulf %get3A_1169, %get3A_1153 : vector<16xf32>
      %mul3A_1201 = arith.mulf %get3A_1177, %get3A_1161 : vector<16xf32>
      %sub3A_1202 = arith.subf %mul3A_1200, %mul3A_1201 : vector<16xf32>
      %mul3A_1203 = arith.mulf %get3A_1169, %get3A_1161 : vector<16xf32>
      %mul3A_1204 = arith.mulf %get3A_1177, %get3A_1153 : vector<16xf32>
      %add3A_1205 = arith.addf %mul3A_1203, %mul3A_1204 : vector<16xf32>
      %mul3A_1206 = arith.mulf %sub3A_1196, %get3A_1181 : vector<16xf32>
      %mul3A_1207 = arith.mulf %add3A_1199, %get3A_1189 : vector<16xf32>
      %add3A_1208 = arith.addf %mul3A_1206, %mul3A_1207 : vector<16xf32>
      %mul3A_1209 = arith.mulf %sub3A_1202, %get3A_1185 : vector<16xf32>
      %mul3A_1210 = arith.mulf %add3A_1205, %get3A_1193 : vector<16xf32>
      %add3A_1211 = arith.addf %mul3A_1209, %mul3A_1210 : vector<16xf32>
      %add3A_1212 = arith.addf %add3A_1208, %add3A_1211 : vector<16xf32>
      %broadcast_in_dim3A_1213 = vector.shape_cast %xor3A_38 : vector<16xi32> to vector<16x1xi32>
      %gather3A_1214 = vector.shape_cast %broadcast_in_dim3A_1213 : vector<16x1xi32> to vector<16xi32>
      %gather3A_1215 = tpu.dynamic_gather %add3A_1212[%gather3A_1214] in [0] : vector<16xf32>, vector<16xi32> -> vector<16xf32>
      %add3A_1216 = arith.addf %add3A_1212, %gather3A_1215 : vector<16xf32>
      %broadcast_in_dim3A_1217 = vector.shape_cast %xor3A_41 : vector<16xi32> to vector<16x1xi32>
      %gather3A_1218 = vector.shape_cast %broadcast_in_dim3A_1217 : vector<16x1xi32> to vector<16xi32>
      %gather3A_1219 = tpu.dynamic_gather %add3A_1216[%gather3A_1218] in [0] : vector<16xf32>, vector<16xi32> -> vector<16xf32>
      %add3A_1220 = arith.addf %add3A_1216, %gather3A_1219 : vector<16xf32>
      %broadcast_in_dim3A_1221 = vector.shape_cast %xor3A_44 : vector<16xi32> to vector<16x1xi32>
      %gather3A_1222 = vector.shape_cast %broadcast_in_dim3A_1221 : vector<16x1xi32> to vector<16xi32>
      %gather3A_1223 = tpu.dynamic_gather %add3A_1220[%gather3A_1222] in [0] : vector<16xf32>, vector<16xi32> -> vector<16xf32>
      %add3A_1224 = arith.addf %add3A_1220, %gather3A_1223 : vector<16xf32>
      %broadcast_in_dim3A_1225 = vector.shape_cast %xor3A_47 : vector<16xi32> to vector<16x1xi32>
      %gather3A_1226 = vector.shape_cast %broadcast_in_dim3A_1225 : vector<16x1xi32> to vector<16xi32>
      %gather3A_1227 = tpu.dynamic_gather %add3A_1224[%gather3A_1226] in [0] : vector<16xf32>, vector<16xi32> -> vector<16xf32>
      %add3A_1228 = arith.addf %add3A_1224, %gather3A_1227 : vector<16xf32>
      %eq3A_1229 = arith.constant 12 : i32
      %eq3A_1230 = vector.broadcast %eq3A_1229 : i32 to vector<16xi32>
      %eq3A_1231 = arith.cmpi eq, %iota3A, %eq3A_1230 : vector<16xi32>
      %select_n3A_1232 = arith.select %eq3A_1231, %add3A_1228, %select_n3A_1141 : vector<16xi1>, vector<16xf32>
      %mul3A_1233 = arith.constant 16 : i32
      %mul3A_1234 = arith.muli %scan3A_53, %mul3A_1233 : i32
      %add3A_1235 = arith.constant 13 : i32
      %add3A_1236 = arith.addi %mul3A_1234, %add3A_1235 : i32
      %get3A_1237 = arith.index_cast %add3A_1236 : i32 to index
      %get3A_1238 = arith.constant 0 : index
      %get3A_1239 = tpu.vector_load %arg13[%get3A_1237, %get3A_1238] {strides = array<i32>} : memref<512x32xf32, #tpu.memory_space<vmem>>, vector<1x16xf32>,
      %get3A_1240 = vector.shape_cast %get3A_1239 : vector<1x16xf32> to vector<16xf32>
      %get3A_1241 = arith.index_cast %add3A_1236 : i32 to index
      %get3A_1242 = arith.constant 16 : index
      %get3A_1243 = tpu.vector_load %arg13[%get3A_1241, %get3A_1242] {strides = array<i32>} : memref<512x32xf32, #tpu.memory_space<vmem>>, vector<1x16xf32>,
      %get3A_1244 = vector.shape_cast %get3A_1243 : vector<1x16xf32> to vector<16xf32>
      %get3A_1245 = arith.index_cast %add3A_1236 : i32 to index
      %get3A_1246 = arith.constant 0 : index
      %get3A_1247 = tpu.vector_load %arg14[%get3A_1245, %get3A_1246] {strides = array<i32>} : memref<512x32xf32, #tpu.memory_space<vmem>>, vector<1x16xf32>,
      %get3A_1248 = vector.shape_cast %get3A_1247 : vector<1x16xf32> to vector<16xf32>
      %get3A_1249 = arith.index_cast %add3A_1236 : i32 to index
      %get3A_1250 = arith.constant 16 : index
      %get3A_1251 = tpu.vector_load %arg14[%get3A_1249, %get3A_1250] {strides = array<i32>} : memref<512x32xf32, #tpu.memory_space<vmem>>, vector<1x16xf32>,
      %get3A_1252 = vector.shape_cast %get3A_1251 : vector<1x16xf32> to vector<16xf32>
      %get3A_1253 = arith.index_cast %add3A_1236 : i32 to index
      %get3A_1254 = arith.constant 0 : index
      %get3A_1255 = tpu.vector_load %arg15[%get3A_1253, %get3A_1254] {strides = array<i32>} : memref<512x32xf32, #tpu.memory_space<vmem>>, vector<1x16xf32>,
      %get3A_1256 = vector.shape_cast %get3A_1255 : vector<1x16xf32> to vector<16xf32>
      %get3A_1257 = arith.index_cast %add3A_1236 : i32 to index
      %get3A_1258 = arith.constant 16 : index
      %get3A_1259 = tpu.vector_load %arg15[%get3A_1257, %get3A_1258] {strides = array<i32>} : memref<512x32xf32, #tpu.memory_space<vmem>>, vector<1x16xf32>,
      %get3A_1260 = vector.shape_cast %get3A_1259 : vector<1x16xf32> to vector<16xf32>
      %get3A_1261 = arith.index_cast %add3A_1236 : i32 to index
      %get3A_1262 = arith.constant 0 : index
      %get3A_1263 = tpu.vector_load %arg16[%get3A_1261, %get3A_1262] {strides = array<i32>} : memref<512x32xf32, #tpu.memory_space<vmem>>, vector<1x16xf32>,
      %get3A_1264 = vector.shape_cast %get3A_1263 : vector<1x16xf32> to vector<16xf32>
      %get3A_1265 = arith.index_cast %add3A_1236 : i32 to index
      %get3A_1266 = arith.constant 16 : index
      %get3A_1267 = tpu.vector_load %arg16[%get3A_1265, %get3A_1266] {strides = array<i32>} : memref<512x32xf32, #tpu.memory_space<vmem>>, vector<1x16xf32>,
      %get3A_1268 = vector.shape_cast %get3A_1267 : vector<1x16xf32> to vector<16xf32>
      %get3A_1269 = arith.index_cast %add3A_1236 : i32 to index
      %get3A_1270 = arith.constant 0 : index
      %get3A_1271 = tpu.vector_load %arg17[%get3A_1269, %get3A_1270] {strides = array<i32>} : memref<512x32xf32, #tpu.memory_space<vmem>>, vector<1x16xf32>,
      %get3A_1272 = vector.shape_cast %get3A_1271 : vector<1x16xf32> to vector<16xf32>
      %get3A_1273 = arith.index_cast %add3A_1236 : i32 to index
      %get3A_1274 = arith.constant 16 : index
      %get3A_1275 = tpu.vector_load %arg17[%get3A_1273, %get3A_1274] {strides = array<i32>} : memref<512x32xf32, #tpu.memory_space<vmem>>, vector<1x16xf32>,
      %get3A_1276 = vector.shape_cast %get3A_1275 : vector<1x16xf32> to vector<16xf32>
      %get3A_1277 = arith.index_cast %add3A_1236 : i32 to index
      %get3A_1278 = arith.constant 0 : index
      %get3A_1279 = tpu.vector_load %arg18[%get3A_1277, %get3A_1278] {strides = array<i32>} : memref<512x32xf32, #tpu.memory_space<vmem>>, vector<1x16xf32>,
      %get3A_1280 = vector.shape_cast %get3A_1279 : vector<1x16xf32> to vector<16xf32>
      %get3A_1281 = arith.index_cast %add3A_1236 : i32 to index
      %get3A_1282 = arith.constant 16 : index
      %get3A_1283 = tpu.vector_load %arg18[%get3A_1281, %get3A_1282] {strides = array<i32>} : memref<512x32xf32, #tpu.memory_space<vmem>>, vector<1x16xf32>,
      %get3A_1284 = vector.shape_cast %get3A_1283 : vector<1x16xf32> to vector<16xf32>
      %mul3A_1285 = arith.mulf %get3A_1256, %get3A_1240 : vector<16xf32>
      %mul3A_1286 = arith.mulf %get3A_1264, %get3A_1248 : vector<16xf32>
      %sub3A_1287 = arith.subf %mul3A_1285, %mul3A_1286 : vector<16xf32>
      %mul3A_1288 = arith.mulf %get3A_1256, %get3A_1248 : vector<16xf32>
      %mul3A_1289 = arith.mulf %get3A_1264, %get3A_1240 : vector<16xf32>
      %add3A_1290 = arith.addf %mul3A_1288, %mul3A_1289 : vector<16xf32>
      %mul3A_1291 = arith.mulf %get3A_1260, %get3A_1244 : vector<16xf32>
      %mul3A_1292 = arith.mulf %get3A_1268, %get3A_1252 : vector<16xf32>
      %sub3A_1293 = arith.subf %mul3A_1291, %mul3A_1292 : vector<16xf32>
      %mul3A_1294 = arith.mulf %get3A_1260, %get3A_1252 : vector<16xf32>
      %mul3A_1295 = arith.mulf %get3A_1268, %get3A_1244 : vector<16xf32>
      %add3A_1296 = arith.addf %mul3A_1294, %mul3A_1295 : vector<16xf32>
      %mul3A_1297 = arith.mulf %sub3A_1287, %get3A_1272 : vector<16xf32>
      %mul3A_1298 = arith.mulf %add3A_1290, %get3A_1280 : vector<16xf32>
      %add3A_1299 = arith.addf %mul3A_1297, %mul3A_1298 : vector<16xf32>
      %mul3A_1300 = arith.mulf %sub3A_1293, %get3A_1276 : vector<16xf32>
      %mul3A_1301 = arith.mulf %add3A_1296, %get3A_1284 : vector<16xf32>
      %add3A_1302 = arith.addf %mul3A_1300, %mul3A_1301 : vector<16xf32>
      %add3A_1303 = arith.addf %add3A_1299, %add3A_1302 : vector<16xf32>
      %broadcast_in_dim3A_1304 = vector.shape_cast %xor3A_38 : vector<16xi32> to vector<16x1xi32>
      %gather3A_1305 = vector.shape_cast %broadcast_in_dim3A_1304 : vector<16x1xi32> to vector<16xi32>
      %gather3A_1306 = tpu.dynamic_gather %add3A_1303[%gather3A_1305] in [0] : vector<16xf32>, vector<16xi32> -> vector<16xf32>
      %add3A_1307 = arith.addf %add3A_1303, %gather3A_1306 : vector<16xf32>
      %broadcast_in_dim3A_1308 = vector.shape_cast %xor3A_41 : vector<16xi32> to vector<16x1xi32>
      %gather3A_1309 = vector.shape_cast %broadcast_in_dim3A_1308 : vector<16x1xi32> to vector<16xi32>
      %gather3A_1310 = tpu.dynamic_gather %add3A_1307[%gather3A_1309] in [0] : vector<16xf32>, vector<16xi32> -> vector<16xf32>
      %add3A_1311 = arith.addf %add3A_1307, %gather3A_1310 : vector<16xf32>
      %broadcast_in_dim3A_1312 = vector.shape_cast %xor3A_44 : vector<16xi32> to vector<16x1xi32>
      %gather3A_1313 = vector.shape_cast %broadcast_in_dim3A_1312 : vector<16x1xi32> to vector<16xi32>
      %gather3A_1314 = tpu.dynamic_gather %add3A_1311[%gather3A_1313] in [0] : vector<16xf32>, vector<16xi32> -> vector<16xf32>
      %add3A_1315 = arith.addf %add3A_1311, %gather3A_1314 : vector<16xf32>
      %broadcast_in_dim3A_1316 = vector.shape_cast %xor3A_47 : vector<16xi32> to vector<16x1xi32>
      %gather3A_1317 = vector.shape_cast %broadcast_in_dim3A_1316 : vector<16x1xi32> to vector<16xi32>
      %gather3A_1318 = tpu.dynamic_gather %add3A_1315[%gather3A_1317] in [0] : vector<16xf32>, vector<16xi32> -> vector<16xf32>
      %add3A_1319 = arith.addf %add3A_1315, %gather3A_1318 : vector<16xf32>
      %eq3A_1320 = arith.constant 13 : i32
      %eq3A_1321 = vector.broadcast %eq3A_1320 : i32 to vector<16xi32>
      %eq3A_1322 = arith.cmpi eq, %iota3A, %eq3A_1321 : vector<16xi32>
      %select_n3A_1323 = arith.select %eq3A_1322, %add3A_1319, %select_n3A_1232 : vector<16xi1>, vector<16xf32>
      %mul3A_1324 = arith.constant 16 : i32
      %mul3A_1325 = arith.muli %scan3A_53, %mul3A_1324 : i32
      %add3A_1326 = arith.constant 14 : i32
      %add3A_1327 = arith.addi %mul3A_1325, %add3A_1326 : i32
      %get3A_1328 = arith.index_cast %add3A_1327 : i32 to index
      %get3A_1329 = arith.constant 0 : index
      %get3A_1330 = tpu.vector_load %arg13[%get3A_1328, %get3A_1329] {strides = array<i32>} : memref<512x32xf32, #tpu.memory_space<vmem>>, vector<1x16xf32>,
      %get3A_1331 = vector.shape_cast %get3A_1330 : vector<1x16xf32> to vector<16xf32>
      %get3A_1332 = arith.index_cast %add3A_1327 : i32 to index
      %get3A_1333 = arith.constant 16 : index
      %get3A_1334 = tpu.vector_load %arg13[%get3A_1332, %get3A_1333] {strides = array<i32>} : memref<512x32xf32, #tpu.memory_space<vmem>>, vector<1x16xf32>,
      %get3A_1335 = vector.shape_cast %get3A_1334 : vector<1x16xf32> to vector<16xf32>
      %get3A_1336 = arith.index_cast %add3A_1327 : i32 to index
      %get3A_1337 = arith.constant 0 : index
      %get3A_1338 = tpu.vector_load %arg14[%get3A_1336, %get3A_1337] {strides = array<i32>} : memref<512x32xf32, #tpu.memory_space<vmem>>, vector<1x16xf32>,
      %get3A_1339 = vector.shape_cast %get3A_1338 : vector<1x16xf32> to vector<16xf32>
      %get3A_1340 = arith.index_cast %add3A_1327 : i32 to index
      %get3A_1341 = arith.constant 16 : index
      %get3A_1342 = tpu.vector_load %arg14[%get3A_1340, %get3A_1341] {strides = array<i32>} : memref<512x32xf32, #tpu.memory_space<vmem>>, vector<1x16xf32>,
      %get3A_1343 = vector.shape_cast %get3A_1342 : vector<1x16xf32> to vector<16xf32>
      %get3A_1344 = arith.index_cast %add3A_1327 : i32 to index
      %get3A_1345 = arith.constant 0 : index
      %get3A_1346 = tpu.vector_load %arg15[%get3A_1344, %get3A_1345] {strides = array<i32>} : memref<512x32xf32, #tpu.memory_space<vmem>>, vector<1x16xf32>,
      %get3A_1347 = vector.shape_cast %get3A_1346 : vector<1x16xf32> to vector<16xf32>
      %get3A_1348 = arith.index_cast %add3A_1327 : i32 to index
      %get3A_1349 = arith.constant 16 : index
      %get3A_1350 = tpu.vector_load %arg15[%get3A_1348, %get3A_1349] {strides = array<i32>} : memref<512x32xf32, #tpu.memory_space<vmem>>, vector<1x16xf32>,
      %get3A_1351 = vector.shape_cast %get3A_1350 : vector<1x16xf32> to vector<16xf32>
      %get3A_1352 = arith.index_cast %add3A_1327 : i32 to index
      %get3A_1353 = arith.constant 0 : index
      %get3A_1354 = tpu.vector_load %arg16[%get3A_1352, %get3A_1353] {strides = array<i32>} : memref<512x32xf32, #tpu.memory_space<vmem>>, vector<1x16xf32>,
      %get3A_1355 = vector.shape_cast %get3A_1354 : vector<1x16xf32> to vector<16xf32>
      %get3A_1356 = arith.index_cast %add3A_1327 : i32 to index
      %get3A_1357 = arith.constant 16 : index
      %get3A_1358 = tpu.vector_load %arg16[%get3A_1356, %get3A_1357] {strides = array<i32>} : memref<512x32xf32, #tpu.memory_space<vmem>>, vector<1x16xf32>,
      %get3A_1359 = vector.shape_cast %get3A_1358 : vector<1x16xf32> to vector<16xf32>
      %get3A_1360 = arith.index_cast %add3A_1327 : i32 to index
      %get3A_1361 = arith.constant 0 : index
      %get3A_1362 = tpu.vector_load %arg17[%get3A_1360, %get3A_1361] {strides = array<i32>} : memref<512x32xf32, #tpu.memory_space<vmem>>, vector<1x16xf32>,
      %get3A_1363 = vector.shape_cast %get3A_1362 : vector<1x16xf32> to vector<16xf32>
      %get3A_1364 = arith.index_cast %add3A_1327 : i32 to index
      %get3A_1365 = arith.constant 16 : index
      %get3A_1366 = tpu.vector_load %arg17[%get3A_1364, %get3A_1365] {strides = array<i32>} : memref<512x32xf32, #tpu.memory_space<vmem>>, vector<1x16xf32>,
      %get3A_1367 = vector.shape_cast %get3A_1366 : vector<1x16xf32> to vector<16xf32>
      %get3A_1368 = arith.index_cast %add3A_1327 : i32 to index
      %get3A_1369 = arith.constant 0 : index
      %get3A_1370 = tpu.vector_load %arg18[%get3A_1368, %get3A_1369] {strides = array<i32>} : memref<512x32xf32, #tpu.memory_space<vmem>>, vector<1x16xf32>,
      %get3A_1371 = vector.shape_cast %get3A_1370 : vector<1x16xf32> to vector<16xf32>
      %get3A_1372 = arith.index_cast %add3A_1327 : i32 to index
      %get3A_1373 = arith.constant 16 : index
      %get3A_1374 = tpu.vector_load %arg18[%get3A_1372, %get3A_1373] {strides = array<i32>} : memref<512x32xf32, #tpu.memory_space<vmem>>, vector<1x16xf32>,
      %get3A_1375 = vector.shape_cast %get3A_1374 : vector<1x16xf32> to vector<16xf32>
      %mul3A_1376 = arith.mulf %get3A_1347, %get3A_1331 : vector<16xf32>
      %mul3A_1377 = arith.mulf %get3A_1355, %get3A_1339 : vector<16xf32>
      %sub3A_1378 = arith.subf %mul3A_1376, %mul3A_1377 : vector<16xf32>
      %mul3A_1379 = arith.mulf %get3A_1347, %get3A_1339 : vector<16xf32>
      %mul3A_1380 = arith.mulf %get3A_1355, %get3A_1331 : vector<16xf32>
      %add3A_1381 = arith.addf %mul3A_1379, %mul3A_1380 : vector<16xf32>
      %mul3A_1382 = arith.mulf %get3A_1351, %get3A_1335 : vector<16xf32>
      %mul3A_1383 = arith.mulf %get3A_1359, %get3A_1343 : vector<16xf32>
      %sub3A_1384 = arith.subf %mul3A_1382, %mul3A_1383 : vector<16xf32>
      %mul3A_1385 = arith.mulf %get3A_1351, %get3A_1343 : vector<16xf32>
      %mul3A_1386 = arith.mulf %get3A_1359, %get3A_1335 : vector<16xf32>
      %add3A_1387 = arith.addf %mul3A_1385, %mul3A_1386 : vector<16xf32>
      %mul3A_1388 = arith.mulf %sub3A_1378, %get3A_1363 : vector<16xf32>
      %mul3A_1389 = arith.mulf %add3A_1381, %get3A_1371 : vector<16xf32>
      %add3A_1390 = arith.addf %mul3A_1388, %mul3A_1389 : vector<16xf32>
      %mul3A_1391 = arith.mulf %sub3A_1384, %get3A_1367 : vector<16xf32>
      %mul3A_1392 = arith.mulf %add3A_1387, %get3A_1375 : vector<16xf32>
      %add3A_1393 = arith.addf %mul3A_1391, %mul3A_1392 : vector<16xf32>
      %add3A_1394 = arith.addf %add3A_1390, %add3A_1393 : vector<16xf32>
      %broadcast_in_dim3A_1395 = vector.shape_cast %xor3A_38 : vector<16xi32> to vector<16x1xi32>
      %gather3A_1396 = vector.shape_cast %broadcast_in_dim3A_1395 : vector<16x1xi32> to vector<16xi32>
      %gather3A_1397 = tpu.dynamic_gather %add3A_1394[%gather3A_1396] in [0] : vector<16xf32>, vector<16xi32> -> vector<16xf32>
      %add3A_1398 = arith.addf %add3A_1394, %gather3A_1397 : vector<16xf32>
      %broadcast_in_dim3A_1399 = vector.shape_cast %xor3A_41 : vector<16xi32> to vector<16x1xi32>
      %gather3A_1400 = vector.shape_cast %broadcast_in_dim3A_1399 : vector<16x1xi32> to vector<16xi32>
      %gather3A_1401 = tpu.dynamic_gather %add3A_1398[%gather3A_1400] in [0] : vector<16xf32>, vector<16xi32> -> vector<16xf32>
      %add3A_1402 = arith.addf %add3A_1398, %gather3A_1401 : vector<16xf32>
      %broadcast_in_dim3A_1403 = vector.shape_cast %xor3A_44 : vector<16xi32> to vector<16x1xi32>
      %gather3A_1404 = vector.shape_cast %broadcast_in_dim3A_1403 : vector<16x1xi32> to vector<16xi32>
      %gather3A_1405 = tpu.dynamic_gather %add3A_1402[%gather3A_1404] in [0] : vector<16xf32>, vector<16xi32> -> vector<16xf32>
      %add3A_1406 = arith.addf %add3A_1402, %gather3A_1405 : vector<16xf32>
      %broadcast_in_dim3A_1407 = vector.shape_cast %xor3A_47 : vector<16xi32> to vector<16x1xi32>
      %gather3A_1408 = vector.shape_cast %broadcast_in_dim3A_1407 : vector<16x1xi32> to vector<16xi32>
      %gather3A_1409 = tpu.dynamic_gather %add3A_1406[%gather3A_1408] in [0] : vector<16xf32>, vector<16xi32> -> vector<16xf32>
      %add3A_1410 = arith.addf %add3A_1406, %gather3A_1409 : vector<16xf32>
      %eq3A_1411 = arith.constant 14 : i32
      %eq3A_1412 = vector.broadcast %eq3A_1411 : i32 to vector<16xi32>
      %eq3A_1413 = arith.cmpi eq, %iota3A, %eq3A_1412 : vector<16xi32>
      %select_n3A_1414 = arith.select %eq3A_1413, %add3A_1410, %select_n3A_1323 : vector<16xi1>, vector<16xf32>
      %mul3A_1415 = arith.constant 16 : i32
      %mul3A_1416 = arith.muli %scan3A_53, %mul3A_1415 : i32
      %add3A_1417 = arith.constant 15 : i32
      %add3A_1418 = arith.addi %mul3A_1416, %add3A_1417 : i32
      %get3A_1419 = arith.index_cast %add3A_1418 : i32 to index
      %get3A_1420 = arith.constant 0 : index
      %get3A_1421 = tpu.vector_load %arg13[%get3A_1419, %get3A_1420] {strides = array<i32>} : memref<512x32xf32, #tpu.memory_space<vmem>>, vector<1x16xf32>,
      %get3A_1422 = vector.shape_cast %get3A_1421 : vector<1x16xf32> to vector<16xf32>
      %get3A_1423 = arith.index_cast %add3A_1418 : i32 to index
      %get3A_1424 = arith.constant 16 : index
      %get3A_1425 = tpu.vector_load %arg13[%get3A_1423, %get3A_1424] {strides = array<i32>} : memref<512x32xf32, #tpu.memory_space<vmem>>, vector<1x16xf32>,
      %get3A_1426 = vector.shape_cast %get3A_1425 : vector<1x16xf32> to vector<16xf32>
      %get3A_1427 = arith.index_cast %add3A_1418 : i32 to index
      %get3A_1428 = arith.constant 0 : index
      %get3A_1429 = tpu.vector_load %arg14[%get3A_1427, %get3A_1428] {strides = array<i32>} : memref<512x32xf32, #tpu.memory_space<vmem>>, vector<1x16xf32>,
      %get3A_1430 = vector.shape_cast %get3A_1429 : vector<1x16xf32> to vector<16xf32>
      %get3A_1431 = arith.index_cast %add3A_1418 : i32 to index
      %get3A_1432 = arith.constant 16 : index
      %get3A_1433 = tpu.vector_load %arg14[%get3A_1431, %get3A_1432] {strides = array<i32>} : memref<512x32xf32, #tpu.memory_space<vmem>>, vector<1x16xf32>,
      %get3A_1434 = vector.shape_cast %get3A_1433 : vector<1x16xf32> to vector<16xf32>
      %get3A_1435 = arith.index_cast %add3A_1418 : i32 to index
      %get3A_1436 = arith.constant 0 : index
      %get3A_1437 = tpu.vector_load %arg15[%get3A_1435, %get3A_1436] {strides = array<i32>} : memref<512x32xf32, #tpu.memory_space<vmem>>, vector<1x16xf32>,
      %get3A_1438 = vector.shape_cast %get3A_1437 : vector<1x16xf32> to vector<16xf32>
      %get3A_1439 = arith.index_cast %add3A_1418 : i32 to index
      %get3A_1440 = arith.constant 16 : index
      %get3A_1441 = tpu.vector_load %arg15[%get3A_1439, %get3A_1440] {strides = array<i32>} : memref<512x32xf32, #tpu.memory_space<vmem>>, vector<1x16xf32>,
      %get3A_1442 = vector.shape_cast %get3A_1441 : vector<1x16xf32> to vector<16xf32>
      %get3A_1443 = arith.index_cast %add3A_1418 : i32 to index
      %get3A_1444 = arith.constant 0 : index
      %get3A_1445 = tpu.vector_load %arg16[%get3A_1443, %get3A_1444] {strides = array<i32>} : memref<512x32xf32, #tpu.memory_space<vmem>>, vector<1x16xf32>,
      %get3A_1446 = vector.shape_cast %get3A_1445 : vector<1x16xf32> to vector<16xf32>
      %get3A_1447 = arith.index_cast %add3A_1418 : i32 to index
      %get3A_1448 = arith.constant 16 : index
      %get3A_1449 = tpu.vector_load %arg16[%get3A_1447, %get3A_1448] {strides = array<i32>} : memref<512x32xf32, #tpu.memory_space<vmem>>, vector<1x16xf32>,
      %get3A_1450 = vector.shape_cast %get3A_1449 : vector<1x16xf32> to vector<16xf32>
      %get3A_1451 = arith.index_cast %add3A_1418 : i32 to index
      %get3A_1452 = arith.constant 0 : index
      %get3A_1453 = tpu.vector_load %arg17[%get3A_1451, %get3A_1452] {strides = array<i32>} : memref<512x32xf32, #tpu.memory_space<vmem>>, vector<1x16xf32>,
      %get3A_1454 = vector.shape_cast %get3A_1453 : vector<1x16xf32> to vector<16xf32>
      %get3A_1455 = arith.index_cast %add3A_1418 : i32 to index
      %get3A_1456 = arith.constant 16 : index
      %get3A_1457 = tpu.vector_load %arg17[%get3A_1455, %get3A_1456] {strides = array<i32>} : memref<512x32xf32, #tpu.memory_space<vmem>>, vector<1x16xf32>,
      %get3A_1458 = vector.shape_cast %get3A_1457 : vector<1x16xf32> to vector<16xf32>
      %get3A_1459 = arith.index_cast %add3A_1418 : i32 to index
      %get3A_1460 = arith.constant 0 : index
      %get3A_1461 = tpu.vector_load %arg18[%get3A_1459, %get3A_1460] {strides = array<i32>} : memref<512x32xf32, #tpu.memory_space<vmem>>, vector<1x16xf32>,
      %get3A_1462 = vector.shape_cast %get3A_1461 : vector<1x16xf32> to vector<16xf32>
      %get3A_1463 = arith.index_cast %add3A_1418 : i32 to index
      %get3A_1464 = arith.constant 16 : index
      %get3A_1465 = tpu.vector_load %arg18[%get3A_1463, %get3A_1464] {strides = array<i32>} : memref<512x32xf32, #tpu.memory_space<vmem>>, vector<1x16xf32>,
      %get3A_1466 = vector.shape_cast %get3A_1465 : vector<1x16xf32> to vector<16xf32>
      %mul3A_1467 = arith.mulf %get3A_1438, %get3A_1422 : vector<16xf32>
      %mul3A_1468 = arith.mulf %get3A_1446, %get3A_1430 : vector<16xf32>
      %sub3A_1469 = arith.subf %mul3A_1467, %mul3A_1468 : vector<16xf32>
      %mul3A_1470 = arith.mulf %get3A_1438, %get3A_1430 : vector<16xf32>
      %mul3A_1471 = arith.mulf %get3A_1446, %get3A_1422 : vector<16xf32>
      %add3A_1472 = arith.addf %mul3A_1470, %mul3A_1471 : vector<16xf32>
      %mul3A_1473 = arith.mulf %get3A_1442, %get3A_1426 : vector<16xf32>
      %mul3A_1474 = arith.mulf %get3A_1450, %get3A_1434 : vector<16xf32>
      %sub3A_1475 = arith.subf %mul3A_1473, %mul3A_1474 : vector<16xf32>
      %mul3A_1476 = arith.mulf %get3A_1442, %get3A_1434 : vector<16xf32>
      %mul3A_1477 = arith.mulf %get3A_1450, %get3A_1426 : vector<16xf32>
      %add3A_1478 = arith.addf %mul3A_1476, %mul3A_1477 : vector<16xf32>
      %mul3A_1479 = arith.mulf %sub3A_1469, %get3A_1454 : vector<16xf32>
      %mul3A_1480 = arith.mulf %add3A_1472, %get3A_1462 : vector<16xf32>
      %add3A_1481 = arith.addf %mul3A_1479, %mul3A_1480 : vector<16xf32>
      %mul3A_1482 = arith.mulf %sub3A_1475, %get3A_1458 : vector<16xf32>
      %mul3A_1483 = arith.mulf %add3A_1478, %get3A_1466 : vector<16xf32>
      %add3A_1484 = arith.addf %mul3A_1482, %mul3A_1483 : vector<16xf32>
      %add3A_1485 = arith.addf %add3A_1481, %add3A_1484 : vector<16xf32>
      %broadcast_in_dim3A_1486 = vector.shape_cast %xor3A_38 : vector<16xi32> to vector<16x1xi32>
      %gather3A_1487 = vector.shape_cast %broadcast_in_dim3A_1486 : vector<16x1xi32> to vector<16xi32>
      %gather3A_1488 = tpu.dynamic_gather %add3A_1485[%gather3A_1487] in [0] : vector<16xf32>, vector<16xi32> -> vector<16xf32>
      %add3A_1489 = arith.addf %add3A_1485, %gather3A_1488 : vector<16xf32>
      %broadcast_in_dim3A_1490 = vector.shape_cast %xor3A_41 : vector<16xi32> to vector<16x1xi32>
      %gather3A_1491 = vector.shape_cast %broadcast_in_dim3A_1490 : vector<16x1xi32> to vector<16xi32>
      %gather3A_1492 = tpu.dynamic_gather %add3A_1489[%gather3A_1491] in [0] : vector<16xf32>, vector<16xi32> -> vector<16xf32>
      %add3A_1493 = arith.addf %add3A_1489, %gather3A_1492 : vector<16xf32>
      %broadcast_in_dim3A_1494 = vector.shape_cast %xor3A_44 : vector<16xi32> to vector<16x1xi32>
      %gather3A_1495 = vector.shape_cast %broadcast_in_dim3A_1494 : vector<16x1xi32> to vector<16xi32>
      %gather3A_1496 = tpu.dynamic_gather %add3A_1493[%gather3A_1495] in [0] : vector<16xf32>, vector<16xi32> -> vector<16xf32>
      %add3A_1497 = arith.addf %add3A_1493, %gather3A_1496 : vector<16xf32>
      %broadcast_in_dim3A_1498 = vector.shape_cast %xor3A_47 : vector<16xi32> to vector<16x1xi32>
      %gather3A_1499 = vector.shape_cast %broadcast_in_dim3A_1498 : vector<16x1xi32> to vector<16xi32>
      %gather3A_1500 = tpu.dynamic_gather %add3A_1497[%gather3A_1499] in [0] : vector<16xf32>, vector<16xi32> -> vector<16xf32>
      %add3A_1501 = arith.addf %add3A_1497, %gather3A_1500 : vector<16xf32>
      %eq3A_1502 = arith.constant 15 : i32
      %eq3A_1503 = vector.broadcast %eq3A_1502 : i32 to vector<16xi32>
      %eq3A_1504 = arith.cmpi eq, %iota3A, %eq3A_1503 : vector<16xi32>
      %select_n3A_1505 = arith.select %eq3A_1504, %add3A_1501, %select_n3A_1414 : vector<16xi1>, vector<16xf32>
      %mul3A_1506 = arith.constant 16 : i32
      %mul3A_1507 = arith.muli %scan3A_53, %mul3A_1506 : i32
      %swap3A = arith.index_cast %mul3A_1507 : i32 to index
      %swap3A_1508 = tpu.vector_load %arg19[%swap3A] {strides = array<i32>} : memref<512xf32, #tpu.memory_space<vmem>>, vector<16xf32>,
      %swap3A_1509 = vector.shape_cast %swap3A_1508 : vector<16xf32> to vector<16xf32>
      %swap3A_1510 = vector.shape_cast %select_n3A_1505 : vector<16xf32> to vector<16xf32>
      tpu.vector_store %arg19[%swap3A], %swap3A_1510 {strides = array<i32>} : memref<512xf32, #tpu.memory_space<vmem>>, vector<16xf32>,
    }
    %scan3A_52 = arith.constant 32 : i32
    "tpu.region"() ({
      %run_scoped3A = tpu.sem_alloc : memref<!tpu.dma_semaphore, #tpu.memory_space<semaphore_mem>>
      %dma_start3A_53 = tpu.memref_slice %arg9[%mul3A_2] : memref<16384xf32, #tpu.memory_space<hbm>> -> memref<512xf32, #tpu.memory_space<hbm>>
      %dma_start3A_54 = tpu.memref_slice %arg9[%mul3A_2] : memref<16384xf32, #tpu.memory_space<hbm>> -> memref<512xf32, #tpu.memory_space<hbm>>
      tpu.enqueue_dma source(%arg19 : memref<512xf32, #tpu.memory_space<vmem>>) target(%dma_start3A_54 : memref<512xf32, #tpu.memory_space<hbm>>) target_semaphore(%run_scoped3A : memref<!tpu.dma_semaphore, #tpu.memory_space<semaphore_mem>>)
      %dma_wait3A_55 = tpu.memref_slice %arg9[%mul3A_2] : memref<16384xf32, #tpu.memory_space<hbm>> -> memref<512xf32, #tpu.memory_space<hbm>>
      %dma_wait3A_56 = tpu.memref_slice %arg9[%mul3A_2] : memref<16384xf32, #tpu.memory_space<hbm>> -> memref<512xf32, #tpu.memory_space<hbm>>
      tpu.wait_dma2 semaphore(%run_scoped3A : memref<!tpu.dma_semaphore, #tpu.memory_space<semaphore_mem>>) src(%arg19 : memref<512xf32, #tpu.memory_space<vmem>>) dst(%dma_wait3A_56 : memref<512xf32, #tpu.memory_space<hbm>>)
      tpu.yield
    }) : () -> ()
    return
  }
}

</mosaic_0001>

<sc_bundles>
// kernel: kernel.3.cloned.1.call-start
scs
__scs_entry_jumppad:
0x0: {  	(pc) =	sbr.rel $0x88, $3  }
0x1: {  	(tag) =	ssettag $0x0;
	lr =	simm.s32 $0x1  }
0x2: {  	[smem:$0x3F9A] =	sst lr;
	_ =	strace $0xD0000000  }
0x3: {  	_ = 	snop  }
0x4: {  	_ = 	snop  }
0x5: {  	_ = 	snop  }
0x6: {  	_ = 	snop  }
0x7: {  	_ = 	snop  }
__scs_overlays_trampoline_lowered:
0x8: {  	[smem:$0x3FA9] =	sst s0  }
0x9: {  	[smem:$0x3FAA] =	sst s1  }
0xa: {  	[smem:$0x3FAB] =	sst s2  }
0xb: {  	[smem:$0x3FAC] =	sst s3  }
0xc: {  	[smem:$0x3FAD] =	sst s4  }
0xd: {  	[smem:$0x3FAE] =	sst s5  }
0xe: {  	[smem:$0x3FAF] =	sst s6  }
0xf: {  	[smem:$0x3FB0] =	sst s7  }
0x10: {  	[smem:$0x3FB1] =	sst s8  }
0x11: {  	[smem:$0x3FB2] =	sst s9;
	s0 =	simm.s32 @!p0 $0x0  }
0x12: {  	s1 =	sld [smem:$0x3F98];
	s0 =	simm.s32 @p0 $0x1  }
0x13: {  	[smem:$0x3FB3] =	sst s0;
	s0 =	simm.s32 @!p1 $0x0  }
0x14: {  	s2 =	sld [smem:$0x3F97];
	s0 =	simm.s32 @p1 $0x1  }
0x15: {  	[smem:$0x3FB4] =	sst s0;
	s0 =	simm.s32 @!p2 $0x0  }
0x16: {  	s3 =	sld [smem:$0x3FDB];
	s0 =	simm.s32 @p2 $0x1  }
0x17: {  	s4 =	simm.s32 $0x1BF5;
	[smem:$0x3FB6] =	sst s0  }
0x18: {  	s0 =	sld [smem:$0x3F99];
	_ =	swait.ge [sflag:s4], $0x0  }
0x19: {  	s7 =	sld [smem:$0x3F9A]  }
0x1a: {  	s8 =	sadd.s32 $0xFFFFE003, lr  }
0x1b: {  	s9 =	sadd.s32 $0xFFFFFEF7, lr;
	s5 =	simm.s32 $0xFFFFFFFF;
	p2 =	slt.u32 s8, $0xFFFFF086  }
0x1c: {  	p1 =	slt.u32 s9, $0xF7A;
	s5 =	simm.s32 @!p2 $0x0  }
0x1d: {  	s5 =	simm.s32 @p1 $0x1;
	p0 =	seq.s32 s7, s2  }
0x1e: {  	s7 =	smul.u32 @!p0 $0xF7A, s2;
	p2 =	seq.s32 @!p0 s5, $0x0  }
0x1f: {  	s9 =	smul.u32 $0xF7A, s1;
	s8 =	simm.s32 @!p0 $0x1BF5;
	p2 =	por !p2, p0  }
0x20: {  	[sflag:s8] =	ssyncset.s32 @!p0 $0xFFFFF086;
	s6 =	sadd.s32 @!p0 s3, s7;
	s7 =	simm.s32 @!p0 $0x108  }
0x21: {  	s3 =	sadd.s32 s3, s9;
	s6 =	sadd.s32 @!p0 $0x88, s6;
	s7 =	simm.s32 @p2 $0x1082  }
0x22: {  	[simem:s7], [sflag:s8] =	dma.local @!p0 [hbm:s6], $0xF7A  }
0x23: {  	s9 =	sor.u32 $0xD0000000, s2;
	s6 =	simm.s32 $0x108;
	_ =	swait.ge @!p0 [sflag:s8], $0x0  }
0x24: {  	s3 =	sadd.s32 $0x88, s3;
	s6 =	simm.s32 @!p1 $0x1082;
	[sflag:s4] =	ssyncset.s32 $0xFFFFF086  }
0x25: {  	[simem:s6], [sflag:s4] =	dma.local [hbm:s3], $0xF7A  }
0x26: {  	[smem:$0x3F9A] =	sst s1;
	(tag) =	ssettag s2;
	_ =	strace s9  }
0x27: {  	s1 =	sld [smem:$0x3FAA]  }
0x28: {  	s2 =	sld [smem:$0x3FAB]  }
0x29: {  	s4 =	sld [smem:$0x3FAD]  }
0x2a: {  	p0 =	seq.s32 s5, $0x0;
	s5 =	sld [smem:$0x3FAE]  }
0x2b: {  	s6 =	sld [smem:$0x3FAF]  }
0x2c: {  	s7 =	sld [smem:$0x3FB0]  }
0x2d: {  	s3 =	simm.s32 $0x108;
	s8 =	sld [smem:$0x3FB1]  }
0x2e: {  	s3 =	simm.s32 @!p0 $0x1082;
	s9 =	sld [smem:$0x3FB2]  }
0x2f: {  	lr =	sadd.s32 s0, s3;
	s0 =	sld [smem:$0x3FA9]  }
0x30: {  	s3 =	sld [smem:$0x3FAC]  }
0x31: {  	[smem:$0x3FB5] =	sst s10  }
0x32: {  	s10 =	sld [smem:$0x3FB3];
	_ =	sdelay $0x3  }
0x33: {  	p0 =	seq.s32 s10, $0x1;
	s10 =	sld [smem:$0x3FB5];
	_ =	sdelay $0x3  }
0x34: {  	[smem:$0x3FB5] =	sst s10  }
0x35: {  	s10 =	sld [smem:$0x3FB4];
	_ =	sdelay $0x3  }
0x36: {  	p1 =	seq.s32 s10, $0x1;
	s10 =	sld [smem:$0x3FB5];
	_ =	sdelay $0x3  }
0x37: {  	[smem:$0x3FB5] =	sst s10  }
0x38: {  	s10 =	sld [smem:$0x3FB6]  }
0x39: {  	_ = 	snop;
	(pc) =	sbr.ind lr, $3  }
0x3a: {  	_ = 	snop  }
0x3b: {  	_ = 	snop  }
0x3c: {  	p2 =	seq.s32 s10, $0x1;
	s10 =	sld [smem:$0x3FB5]  }
0x3d: {  	_ =	shalt  }
0x3e: {  	_ =	shalt  }
0x3f: {  	_ =	shalt  }
0x40: {  	_ =	shalt  }
0x41: {  	_ =	shalt  }
0x42: {  	_ =	shalt  }
0x43: {  	_ =	shalt  }
0x44: {  	_ =	shalt  }
0x45: {  	_ =	shalt  }
0x46: {  	_ =	shalt  }
0x47: {  	_ =	shalt  }
0x48: {  	_ =	shalt  }
0x49: {  	_ =	shalt  }
0x4a: {  	_ =	shalt  }
0x4b: {  	_ =	shalt  }
0x4c: {  	_ =	shalt  }
0x4d: {  	_ =	shalt  }
0x4e: {  	_ =	shalt  }
0x4f: {  	_ =	shalt  }
0x50: {  	_ =	shalt  }
0x51: {  	_ =	shalt  }
0x52: {  	_ =	shalt  }
0x53: {  	_ =	shalt  }
0x54: {  	_ =	shalt  }
0x55: {  	_ =	shalt  }
0x56: {  	_ =	shalt  }
0x57: {  	_ =	shalt  }
0x58: {  	_ =	shalt  }
0x59: {  	_ =	shalt  }
0x5a: {  	_ =	shalt  }
0x5b: {  	_ =	shalt  }
0x5c: {  	_ =	shalt  }
0x5d: {  	_ =	shalt  }
0x5e: {  	_ =	shalt  }
0x5f: {  	_ =	shalt  }
0x60: {  	_ =	shalt  }
0x61: {  	_ =	shalt  }
0x62: {  	_ =	shalt  }
0x63: {  	_ =	shalt  }
0x64: {  	_ =	shalt  }
0x65: {  	_ =	shalt  }
0x66: {  	_ =	shalt  }
0x67: {  	_ =	shalt  }
0x68: {  	_ =	shalt  }
0x69: {  	_ =	shalt  }
0x6a: {  	_ =	shalt  }
0x6b: {  	_ =	shalt  }
0x6c: {  	_ =	shalt  }
0x6d: {  	_ =	shalt  }
0x6e: {  	_ =	shalt  }
0x6f: {  	_ =	shalt  }
0x70: {  	_ =	shalt  }
0x71: {  	_ =	shalt  }
0x72: {  	_ =	shalt  }
0x73: {  	_ =	shalt  }
0x74: {  	_ =	shalt  }
0x75: {  	_ =	shalt  }
0x76: {  	_ =	shalt  }
0x77: {  	_ =	shalt  }
0x78: {  	_ =	shalt  }
0x79: {  	_ =	shalt  }
0x7a: {  	_ =	shalt  }
0x7b: {  	_ =	shalt  }
0x7c: {  	_ =	shalt  }
0x7d: {  	_ =	shalt  }
0x7e: {  	_ =	shalt  }
0x7f: {  	_ =	shalt  }
0x80: {  	_ =	shalt  }
0x81: {  	_ =	shalt  }
0x82: {  	_ =	shalt  }
0x83: {  	_ =	shalt  }
0x84: {  	_ =	shalt  }
0x85: {  	_ =	shalt  }
0x86: {  	_ =	shalt  }
0x87: {  	_ =	shalt  }
.Lfunc_end0:
.L_simem_size_0:
called_computation_lowered:
.L_overlay_start_0:
0x88: {  	s2 =	sld [smem:$0x3FD9]  }
0x89: {  	s3 =	sld [smem:$0x3FFE];
	_ =	sdelay $0x1  }
0x8a: {  	s1 =	srdreg.scid  }
0x8b: {  	s0 =	sand.u32 $0x1, s1  }
0x8c: {  	s17 =	sshll.u32 s0, $0xA;
	s2 =	sadd.s32 s3, s2  }
0x8d: {  	s2 =	sadd.s32 s2, s17  }
0x8e: {  	[smem:$0x3FC1] =	sst s2  }
0x8f: {  	_ = 	snop  }
0x90: {  	s2 =	sld [smem:$0x3FC9]  }
0x91: {  	s18 =	sld [smem:$0x3FC8]  }
0x92: {  	s4 =	sld [smem:$0x3FC7]  }
0x93: {  	s5 =	sld [smem:$0x3FD0];
	(tm) =	ssettm $0x1  }
0x94: {  	s6 =	sld [smem:$0x3FFB];
	_ =	sdelay $0x3  }
0x95: {  	_ =	strace s6  }
0x96: {  	s6 =	sld [smem:$0x3FFC];
	_ =	sdelay $0x3  }
0x97: {  	_ =	strace s6  }
0x98: {  	s6 =	sld [smem:$0x3FFD];
	_ =	sdelay $0x3  }
0x99: {  	_ =	strace s6  }
0x9a: {  	_ =	strace $0x8FFFFFFF  }
0x9b: {  	s19 =	sld [smem:$0x3FDB];
	_ =	sdelay $0x1  }
0x9c: {  	s7 =	simm.s32 $_scs_section_size  }
0x9d: {  	s8 =	simm.s32 $_size__tile_overlayer_lowered;
	s9 =	simm.s32 $_tile_overlayer_lowered  }
0x9e: {  	s22 =	simm.s32 $0x1BFF;
	s21 =	sshll.u32 s9, $0x1;
	s6 =	sadd.s32 s7, s19  }
0x9f: {  	s10 =	simm.s32 $0x0;
	s20 =	sshll.u32 s8, $0x1;
	s8 =	sadd.s32 s21, s6  }
0xa0: {  	[timem:s10], [sflag:s22] =	dma.local [hbm:s8], s20  }
0xa1: {  	_ =	swait.ge [sflag:s22], s20  }
0xa2: {  	s7 =	ssub.s32 $0x0, s20;
	[sflag:s22] =	ssyncset.done $0x0  }
0xa3: {  	[sflag:s22] =	ssyncadd.s32 s7;
	_ =	sdelay $0x1  }
0xa4: {  	s23 =	simm.s32 $0x1B8B  }
0xa5: {  	_ =	swait.ge [sflag:s23], $0x1  }
0xa6: {  	[sflag:s23] =	ssyncset.done $0x0  }
0xa7: {  	s25 =	simm.s32 $0x1B8E;
	s24 =	sld [smem:$0x3FFE];
	[sflag:s23] =	ssyncadd.s32 $0xFFFFFFFF  }
0xa8: {  	s26 =	simm.s32 $execute0_lowered;
	[smem:$0x3FD2] =	sst s25  }
0xa9: {  	s8 =	sshll.u32 s26, $0x1;
	_ =	strace $0x80000046;
	[dreg:$0x1] =	wrdreg $0xFFFFFFFF  }
0xaa: {  	s28 =	simm.s32 $_size_execute0_lowered;
	s6 =	sadd.s32 s6, s8;
	[dreg:$0x0] =	wrdreg $0x0  }
0xab: {  	s8 =	sshll.u32 s28, $0x1;
	[dreg:$0x2] =	wrdreg s6  }
0xac: {  	[dreg:$0x3] =	wrdreg s8  }
0xad: {  	[dreg:$0x4] =	wrdreg $0xC0  }
0xae: {  	_ =	task [dreg:s10], $0x5FFFF  }
0xaf: {  	[dreg:$0x1] =	wrdreg $0xFFFFFFFF  }
0xb0: {  	[dreg:$0x0] =	wrdreg $0x60  }
0xb1: {  	[dreg:$0x2] =	wrdreg s2  }
0xb2: {  	[dreg:$0x3] =	wrdreg s18  }
0xb3: {  	[dreg:$0x4] =	wrdreg s4  }
0xb4: {  	[dreg:$0x5] =	wrdreg s24  }
0xb5: {  	[dreg:$0x6] =	wrdreg s5  }
0xb6: {  	[dreg:$0x7] =	wrdreg $0x9  }
0xb7: {  	_ =	task.clear_ibuf [dreg:s10], $0x8FFFF;
	_ =	strace $0x90000046  }
0xb8: {  	s29 =	simm.s32 $0x9;
	_ =	strace $0x80000048  }
0xb9: {  	_ =	swait.ge [sflag:s29], $0x1  }
0xba: {  	[sflag:s29] =	ssyncadd.s32 $0xFFFFFFFF  }
0xbb: {  	_ =	strace $0x90000048  }
0xbc: {  	_ =	sfence  }
0xbd: {  	s30 =	sld [smem:$0x0];
	_ =	sdelay $0x2  }
0xbe: {  	s31 =	sshll.u32 s1, $0xD;
	s1 =	sshrl.u32 s1, $0x2  }
0xbf: {  	s3 =	sand.u32 $0x4000, s31;
	s1 =	sadd.s32 s1, s30  }
0xc0: {  	s0 =	sor.u32 s3, s0;
	s1 =	sshll.u32 s1, $0x11  }
0xc1: {  	s0 =	sor.u32 s1, s0  }
0xc2: {  	s0 =	sadd.s32 $0x8F2B, s0  }
0xc3: {  	[sflag:s0] =	ssyncadd.remote.s32 $0x1  }
0xc4: {  	_ =	sfence.sel $0xFFFF  }
0xc5: {  	[dreg:$0x0] =	wrdreg $0xFFFFFFFF;
	(pc) =	sbr.abs _section_cstart, $3  }
0xc6: {  	[dreg:$0x1] =	wrdreg $0xFFFFFFFF  }
0xc7: {  	_ =	task.clear_ibuf [dreg:s10], $0x2FFFF;
	_ =	strace $0x9FFFFFFF  }
0xc8: {  	(tm) =	ssettm $0x7FFFFFFF  }
0xc9: {  	_ =	shalt  }
tec
execute0_lowered:
.L_overlay_start_1:
0x0: {  	(tag) =	ssettag $0x1  }
0x1: {  	s7 =	rddreg [dreg:$0x0]  }
0x2: {  	v0 =	vimm.s32 $0xFEDCBA98;
	s8 =	rddreg [dreg:$0x1];
	v1 =	vimm.s32 $0x76543210  }
0x3: {  	s9 =	rddreg [dreg:$0x2];
	v2 =	vimm.s32 $0xBA98FEDC;
	v3 =	vimm.s32 $0x32107654;
	v4 =	vimm.s32 $0xDCFE98BA  }
0x4: {  	s6 =	rddreg [dreg:$0x3];
	v5 =	vimm.s32 $0x54761032;
	v6 =	vimm.s32 $0xEFCDAB89;
	v7 =	vimm.s32 $0x67452301  }
0x5: {  	s10 =	rddreg [dreg:$0x4];
	vm0 =	vmmov $0x1;
	vm1 =	vmmov $0x3;
	vm2 =	vmmov $0x7  }
0x6: {  	s0 =	rddreg [dreg:$0x5];
	vm3 =	vmmov $0xf;
	vm4 =	vmmov $0x1f;
	v0 =	vunpack.c.l.s4.s8 v0  }
0x7: {  	s1 =	simm.s32 $0x0;
	s11 =	srdreg.scid;
	s4 =	stileid.u32;
	v1 =	vunpack.c.l.s4.s8 v1;
	v2 =	vunpack.c.l.s4.s8 v2;
	v3 =	vunpack.c.l.s4.s8 v3  }
0x8: {  	s15 =	simm.s32 $0x600;
	s16 =	simm.s32 $0x4600;
	s17 =	simm.s32 $0x8600;
	v4 =	vunpack.c.l.s4.s8 v4;
	v5 =	vunpack.c.l.s4.s8 v5;
	v6 =	vunpack.c.l.s4.s8 v6  }
0x9: {  	s18 =	simm.s32 $0xC600;
	s19 =	simm.s32 $0x10600;
	s20 =	simm.s32 $0x14600;
	v7 =	vunpack.c.l.s4.s8 v7;
	v0 =	vunpack.c.0.s8.s32 v0;
	v2 =	vunpack.c.0.s8.s32 v2  }
0xa: {  	s21 =	simm.s32 $0x1;
	s22 =	simm.s32 $0x18600;
	[smem:$0x7FF] =	sst s1;
	v3 =	vunpack.c.0.s8.s32 v3;
	v4 =	vunpack.c.0.s8.s32 v4;
	v1 =	vunpack.c.0.s8.s32 v1  }
0xb: {  	s23 =	simm.s32 $0x0;
	s2 =	sadd.s32 $0x1313600, s6;
	s3 =	sadd.s32 $0xF42C00, s6;
	v5 =	vunpack.c.0.s8.s32 v5;
	v6 =	vunpack.c.0.s8.s32 v6;
	v0 =	vand.u32 $0xF, v0  }
0xc: {  	s5 =	sadd.s32 $0x1800, s6;
	s11 =	sand.u32 $0x1, s11;
	s13 =	sshll.u32 s4, $0x7;
	v7 =	vunpack.c.0.s8.s32 v7;
	v2 =	vcombine.low v3, v2;
	v0 =	vcombine.low v0, v1  }
0xd: {  	vm5 =	vmmov $0x3f;
	vm6 =	vmmov $0x7f;
	s6 =	sadd.s32 $0x800, s6;
	s12 =	ssub.s32 $0x2, s11;
	s11 =	sshll.u32 s11, $0x6;
	v59 =	vcombine.low v5, v4  }
0xe: {  	vm7 =	vmmov $0xff;
	_ =	strace $0x80000047;
	s14 =	sshrl.u32 s12, $0x1;
	s11 =	sor.u32 s11, s13;
	v60 =	vcombine.low v7, v6;
	v61 =	vand.u32 $0xF, v2;
	[tilespmem:$0x1FFC0] =	vst v0  }
0xf: {  	vm8 =	vmmov $0x1ff;
	vm9 =	vmmov $0x3ff;
	s13 =	simm.s32 $0x200;
	s12 =	ssub.s32 s12, s14;
	s7 =	sadd.s32 s7, s11;
	v62 =	vand.u32 $0xF, v59;
	[tilespmem:$0x1FFD0] =	vst v61  }
0x10: {  	vm10 =	vmmov $0x7ff;
	vm11 =	vmmov $0xfff;
	s8 =	sadd.s32 s8, s11;
	s9 =	sadd.s32 s9, s11;
	s10 =	sadd.s32 s10, s11;
	v63 =	vand.u32 $0xF, v60;
	[tilespmem:$0x1FFE0] =	vst v62  }
0x11: {  	vm12 =	vmmov $0x1fff;
	vm13 =	vmmov $0x3fff;
	vm14 =	vmmov $0x7fff;
	s14 =	simm.s32 $0x400;
	s11 =	smax.u32 s12, $0x1;
	s12 =	simm.s32 $0x2;
	[tilespmem:$0x1FFF0] =	vst v63  }
.LBB2_1:
0x12: {  	[tilespmem:s1], [sflag:$0x2] =	stream.linear.gather [hbm4b:s7+s1], $0x200, $0x38;
	[tilespmem:$0x18800] =	vst v63  }
0x13: {  	_ =	swait.ge [sflag:s12], $0x200  }
0x14: {  	[sflag:s12] =	ssyncset.done $0x0  }
0x15: {  	[sflag:s12] =	ssyncadd.s32 $0xFFFFFE00  }
0x16: {  	[tilespmem:s13], [sflag:$0x2] =	stream.linear.gather [hbm4b:s8+s1], $0x200, $0x38;
	[tilespmem:$0x18800] =	vst v63  }
0x17: {  	_ =	swait.ge [sflag:s12], $0x200  }
0x18: {  	[sflag:s12] =	ssyncset.done $0x0  }
0x19: {  	[sflag:s12] =	ssyncadd.s32 $0xFFFFFE00  }
0x1a: {  	[tilespmem:s14], [sflag:$0x2] =	stream.linear.gather [hbm4b:s9+s1], $0x200, $0x38;
	[tilespmem:$0x18800] =	vst v63  }
0x1b: {  	_ =	swait.ge [sflag:s12], $0x200  }
0x1c: {  	[sflag:s12] =	ssyncset.done $0x0  }
0x1d: {  	[sflag:s12] =	ssyncadd.s32 $0xFFFFFE00  }
0x1e: {  	[tilespmem:s15], [sflag:$0x1] =	stream.indirect.gather [hbm4b:s2+s13], $0x20, s1, s13, $0xb8;
	[tilespmem:$0x18800] =	vst v63  }
0x1f: {  	_ = 	snop  }
0x20: {  	[tilespmem:s16], [sflag:$0x1] =	stream.indirect.gather [hbm4b:s3+s13], $0x20, s1, s13, $0xb8;
	[tilespmem:$0x18800] =	vst v63  }
0x21: {  	_ = 	snop  }
0x22: {  	[tilespmem:s17], [sflag:$0x1] =	stream.indirect.gather [hbm4b:s5+s13], $0x20, s13, s13, $0xb8;
	[tilespmem:$0x18800] =	vst v63  }
0x23: {  	_ = 	snop  }
0x24: {  	[tilespmem:s18], [sflag:$0x1] =	stream.indirect.gather [hbm4b:s6+s13], $0x20, s13, s13, $0xb8;
	[tilespmem:$0x18800] =	vst v63  }
0x25: {  	_ = 	snop  }
0x26: {  	[tilespmem:s19], [sflag:$0x1] =	stream.indirect.gather [hbm4b:s2+s13], $0x20, s14, s13, $0xb8;
	[tilespmem:$0x18800] =	vst v63  }
0x27: {  	_ = 	snop  }
0x28: {  	[tilespmem:s20], [sflag:$0x1] =	stream.indirect.gather [hbm4b:s3+s13], $0x20, s14, s13, $0xb8;
	[tilespmem:$0x18800] =	vst v63  }
0x29: {  	_ =	swait.ge [sflag:s21], $0x4000  }
0x2a: {  	[sflag:s21] =	ssyncset.done $0x0  }
0x2b: {  	[sflag:s21] =	ssyncadd.s32 $0xFFFFC000  }
0x2c: {  	_ =	swait.ge [sflag:s21], $0x4000  }
0x2d: {  	[sflag:s21] =	ssyncset.done $0x0  }
0x2e: {  	[sflag:s21] =	ssyncadd.s32 $0xFFFFC000  }
0x2f: {  	_ =	swait.ge [sflag:s21], $0x4000  }
0x30: {  	[sflag:s21] =	ssyncset.done $0x0  }
0x31: {  	[sflag:s21] =	ssyncadd.s32 $0xFFFFC000  }
0x32: {  	_ =	swait.ge [sflag:s21], $0x4000  }
0x33: {  	[sflag:s21] =	ssyncset.done $0x0  }
0x34: {  	[sflag:s21] =	ssyncadd.s32 $0xFFFFC000  }
0x35: {  	_ =	swait.ge [sflag:s21], $0x4000  }
0x36: {  	[sflag:s21] =	ssyncset.done $0x0  }
0x37: {  	[sflag:s21] =	ssyncadd.s32 $0xFFFFC000  }
0x38: {  	_ =	swait.ge [sflag:s21], $0x4000  }
0x39: {  	[sflag:s21] =	ssyncset.done $0x0  }
0x3a: {  	s24 =	simm.s32 $0x0;
	[sflag:s21] =	ssyncadd.s32 $0xFFFFC000  }
0x3b: {  	v20 =	vld [tilespmem:s24+$0x107E0]  }
0x3c: {  	v19 =	vld [tilespmem:s24+$0x147E0]  }
0x3d: {  	v21 =	vld [tilespmem:s24+$0x107F0]  }
0x3e: {  	v22 =	vld [tilespmem:s24+$0x147F0]  }
0x3f: {  	v40 =	vld [tilespmem:s24+$0x107C0]  }
0x40: {  	v41 =	vld [tilespmem:s24+$0x147C0]  }
0x41: {  	v42 =	vld [tilespmem:s24+$0x107D0]  }
0x42: {  	v43 =	vld [tilespmem:s24+$0x147D0]  }
0x43: {  	v23 =	vld [tilespmem:s24+$0x107A0]  }
0x44: {  	v25 =	vld [tilespmem:s24+$0x147A0]  }
0x45: {  	v26 =	vld [tilespmem:s24+$0x107B0]  }
0x46: {  	v24 =	vld [tilespmem:s24+$0x147B0]  }
0x47: {  	v27 =	vld [tilespmem:s24+$0x10780]  }
0x48: {  	v28 =	vld [tilespmem:s24+$0x14780]  }
0x49: {  	v29 =	vld [tilespmem:s24+$0x10790]  }
0x4a: {  	v30 =	vld [tilespmem:s24+$0x14790]  }
0x4b: {  	v37 =	vld [tilespmem:s24+$0x10760]  }
0x4c: {  	v31 =	vld [tilespmem:s24+$0x14760]  }
0x4d: {  	v36 =	vld [tilespmem:s24+$0x10770]  }
0x4e: {  	v32 =	vld [tilespmem:s24+$0x14770]  }
0x4f: {  	v33 =	vld [tilespmem:s24+$0x10740]  }
0x50: {  	v38 =	vld [tilespmem:s24+$0x14740]  }
0x51: {  	v39 =	vld [tilespmem:s24+$0x10750]  }
0x52: {  	v35 =	vld [tilespmem:s24+$0x14750]  }
0x53: {  	v9 =	vld [tilespmem:s24+$0x87E0]  }
0x54: {  	v8 =	vld [tilespmem:s24+$0x7E0]  }
0x55: {  	v10 =	vld [tilespmem:s24+$0xC7E0]  }
0x56: {  	v11 =	vld [tilespmem:s24+$0x47E0]  }
0x57: {  	v44 =	vld [tilespmem:s24+$0x87F0]  }
0x58: {  	v45 =	vld [tilespmem:s24+$0x7F0]  }
0x59: {  	v46 =	vld [tilespmem:s24+$0xC7F0]  }
0x5a: {  	v47 =	vld [tilespmem:s24+$0x47F0]  }
0x5b: {  	v0 =	vld [tilespmem:s24+$0x10720]  }
0x5c: {  	v58 =	vld [tilespmem:s24+$0x14720]  }
0x5d: {  	v59 =	vld [tilespmem:s24+$0x10730]  }
0x5e: {  	v60 =	vld [tilespmem:s24+$0x14730]  }
0x5f: {  	v48 =	vld [tilespmem:s24+$0x87C0]  }
0x60: {  	v49 =	vld [tilespmem:s24+$0x7C0]  }
0x61: {  	[tilespmem:$0x1FD90] =	vst v0;
	v0 =	vld [tilespmem:s24+$0x106E0]  }
0x62: {  	v50 =	vld [tilespmem:s24+$0xC7C0]  }
0x63: {  	v51 =	vld [tilespmem:s24+$0x47C0]  }
0x64: {  	v52 =	vld [tilespmem:s24+$0x87D0]  }
0x65: {  	v53 =	vld [tilespmem:s24+$0x7D0]  }
0x66: {  	[tilespmem:$0x1FE00] =	vst v0;
	v0 =	vld [tilespmem:s24+$0x146E0]  }
0x67: {  	v54 =	vld [tilespmem:s24+$0xC7D0]  }
0x68: {  	v55 =	vld [tilespmem:s24+$0x47D0]  }
0x69: {  	v61 =	vld [tilespmem:s24+$0x10700]  }
0x6a: {  	v34 =	vld [tilespmem:s24+$0x14700]  }
0x6b: {  	[tilespmem:$0x1FE10] =	vst v0;
	v0 =	vld [tilespmem:s24+$0x106F0]  }
0x6c: {  	v62 =	vld [tilespmem:s24+$0x10710]  }
0x6d: {  	v63 =	vld [tilespmem:s24+$0x14710]  }
0x6e: {  	v56 =	vld [tilespmem:s24+$0x87A0]  }
0x6f: {  	v57 =	vld [tilespmem:s24+$0x7A0]  }
0x70: {  	[tilespmem:$0x1FE20] =	vst v0;
	v0 =	vld [tilespmem:s24+$0x146F0]  }
0x71: {  	v17 =	vld [tilespmem:s24+$0x8780]  }
0x72: {  	v7 =	vld [tilespmem:s24+$0x780]  }
0x73: {  	v13 =	vld [tilespmem:s24+$0xC780]  }
0x74: {  	v12 =	vld [tilespmem:s24+$0x4780]  }
0x75: {  	[tilespmem:$0x1FE30] =	vst v0;
	v0 =	vld [tilespmem:s24+$0x106C0]  }
0x76: {  	v18 =	vld [tilespmem:s24+$0x8790]  }
0x77: {  	v16 =	vld [tilespmem:s24+$0x790];
	v6 =	vmul.f32 v9, v8;
	v4 =	vmul.f32 v10, v11  }
0x78: {  	v15 =	vld [tilespmem:s24+$0xC790];
	v5 =	vmul.f32 v10, v8;
	v11 =	vmul.f32 v9, v11  }
0x79: {  	v14 =	vld [tilespmem:s24+$0x4790];
	v4 =	vsub.f32 v6, v4  }
0x7a: {  	v5 =	vadd.f32 v5, v11;
	[tilespmem:$0x1FE40] =	vst v0;
	v0 =	vld [tilespmem:s24+$0x146C0]  }
0x7b: {  	[tilespmem:$0x1FDA0] =	vst v58;
	v58 =	vld [tilespmem:s24+$0xC7A0];
	v6 =	vmul.f32 v20, v4  }
0x7c: {  	v3 =	vld [tilespmem:s24+$0x106A0];
	v5 =	vmul.f32 v19, v5;
	v19 =	vmul.f32 v44, v45  }
0x7d: {  	[tilespmem:$0x1FDB0] =	vst v59;
	v59 =	vld [tilespmem:s24+$0x47A0];
	v45 =	vmul.f32 v46, v45;
	v46 =	vmul.f32 v46, v47  }
0x7e: {  	[tilespmem:$0x1FDD0] =	vst v61;
	v61 =	vld [tilespmem:s24+$0x7B0];
	v44 =	vmul.f32 v44, v47;
	v4 =	vmul.f32 v48, v49  }
0x7f: {  	v49 =	vmul.f32 v50, v49;
	v50 =	vmul.f32 v50, v51;
	[tilespmem:$0x1FE50] =	vst v0;
	v0 =	vld [tilespmem:s24+$0x106D0]  }
0x80: {  	[tilespmem:$0x1FDE0] =	vst v62;
	v62 =	vld [tilespmem:s24+$0xC7B0];
	v48 =	vmul.f32 v48, v51;
	v2 =	vmul.f32 v58, v57  }
0x81: {  	[tilespmem:$0x1FDC0] =	vst v60;
	v60 =	vld [tilespmem:s24+$0x87B0];
	v19 =	vsub.f32 v19, v46;
	v46 =	vmul.f32 v52, v53;
	v53 =	vmul.f32 v54, v53  }
0x82: {  	[tilespmem:$0x1FDF0] =	vst v63;
	v63 =	vld [tilespmem:s24+$0x47B0];
	v54 =	vmul.f32 v54, v55;
	v52 =	vmul.f32 v52, v55;
	v45 =	vadd.f32 v45, v44  }
0x83: {  	v9 =	vld [tilespmem:s24+$0xC760];
	v4 =	vsub.f32 v4, v50;
	v48 =	vadd.f32 v49, v48;
	v44 =	vmul.f32 v58, v59  }
0x84: {  	v5 =	vadd.f32 v5, v6;
	v19 =	vmul.f32 v21, v19;
	v22 =	vmul.f32 v22, v45;
	[tilespmem:$0x1FE60] =	vst v0;
	v0 =	vld [tilespmem:s24+$0x146D0]  }
0x85: {  	v10 =	vld [tilespmem:s24+$0x8770];
	v58 =	vmul.f32 v62, v61;
	v21 =	vsub.f32 v46, v54;
	v4 =	vmul.f32 v40, v4  }
0x86: {  	v8 =	vld [tilespmem:s24+$0xC770];
	v1 =	vmul.f32 v41, v48;
	v19 =	vadd.f32 v22, v19;
	v22 =	vmul.f32 v56, v57  }
0x87: {  	v11 =	vld [tilespmem:s24+$0x8760];
	v53 =	vadd.f32 v53, v52;
	v57 =	vmul.f32 v56, v59;
	v59 =	vmul.f32 v62, v63  }
0x88: {  	v52 =	vld [tilespmem:s24+$0xC740];
	v5 =	vadd.f32 v19, v5;
	v19 =	vmul.f32 v60, v61;
	v60 =	vmul.f32 v60, v63  }
0x89: {  	v6 =	vmul.f32 v42, v21;
	v22 =	vsub.f32 v22, v44;
	v41 =	vadd.f32 v2, v57;
	[tilespmem:$0x1FE70] =	vst v0;
	v0 =	vld [tilespmem:$0x1FFC0]  }
0x8a: {  	v21 =	vmul.f32 v43, v53;
	v62 =	vld [tilespmem:s24+$0x750];
	v19 =	vsub.f32 v19, v59;
	v40 =	vadd.f32 v58, v60  }
0x8b: {  	v4 =	vadd.f32 v1, v4;
	v1 =	vld [tilespmem:$0x1FFD0];
	v22 =	vmul.f32 v23, v22;
	v23 =	vmul.f32 v25, v41  }
0x8c: {  	v6 =	vadd.f32 v21, v6;
	v21 =	vld [tilespmem:s24+$0x4740];
	v19 =	vmul.f32 v26, v19;
	v24 =	vmul.f32 v24, v40  }
0x8d: {  	v63 =	vld [tilespmem:s24+$0xC750];
	v22 =	vadd.f32 v23, v22  }
0x8e: {  	v20 =	vld [tilespmem:s24+$0x760];
	v23 =	vadd.f32 v24, v19;
	v24 =	vmul.f32 v17, v7;
	v61 =	vperm.xlane v5, v0  }
0x8f: {  	v47 =	vld [tilespmem:s24+$0x4760];
	v7 =	vmul.f32 v13, v7;
	v13 =	vmul.f32 v13, v12  }
0x90: {  	v51 =	vld [tilespmem:s24+$0x770];
	v12 =	vmul.f32 v17, v12;
	v25 =	vadd.f32 v5, v61  }
0x91: {  	v55 =	vld [tilespmem:s24+$0x4770];
	v6 =	vadd.f32 v6, v4;
	v59 =	vmul.f32 v52, v21;
	v13 =	vsub.f32 v24, v13  }
0x92: {  	v50 =	vld [tilespmem:s24+$0x740];
	v60 =	vmul.f32 v63, v62;
	v7 =	vadd.f32 v7, v12;
	v4 =	vperm.xlane v25, v1  }
0x93: {  	v49 =	vld [tilespmem:s24+$0x8750];
	v17 =	vadd.f32 v23, v22;
	v22 =	vmul.f32 v18, v16;
	v13 =	vmul.f32 v27, v13  }
0x94: {  	v54 =	vld [tilespmem:s24+$0x146A0];
	v7 =	vmul.f32 v28, v7;
	v19 =	vadd.f32 v25, v4;
	v25 =	vmul.f32 v15, v14  }
0x95: {  	v46 =	vld [tilespmem:s24+$0x106B0];
	v15 =	vmul.f32 v15, v16;
	v14 =	vmul.f32 v18, v14  }
0x96: {  	v48 =	vld [tilespmem:s24+$0x8720];
	v27 =	vmul.f32 v11, v20;
	v20 =	vmul.f32 v9, v20  }
0x97: {  	v26 =	vld [tilespmem:s24+$0x4750];
	v9 =	vmul.f32 v9, v47;
	v18 =	vsub.f32 v22, v25;
	v14 =	vadd.f32 v15, v14  }
0x98: {  	v43 =	vld [tilespmem:s24+$0x8740];
	v11 =	vmul.f32 v11, v47;
	v22 =	vperm.xlane v17, v0  }
0x99: {  	[tilespmem:$0x1FE80] =	vst v54;
	v54 =	vld [tilespmem:s24+$0xC720];
	v18 =	vmul.f32 v29, v18;
	v14 =	vmul.f32 v30, v14  }
0x9a: {  	v23 =	vld [tilespmem:s24+$0x720];
	v28 =	vmul.f32 v8, v51;
	v7 =	vadd.f32 v7, v13;
	v9 =	vsub.f32 v27, v9  }
0x9b: {  	v12 =	vld [tilespmem:s24+$0x4720];
	v8 =	vmul.f32 v8, v55;
	v17 =	vadd.f32 v17, v22;
	v13 =	vadd.f32 v14, v18  }
0x9c: {  	v45 =	vld [tilespmem:s24+$0x146B0];
	v9 =	vmul.f32 v37, v9;
	v61 =	vmul.f32 v63, v26  }
0x9d: {  	v42 =	vld [tilespmem:s24+$0x14680];
	v26 =	vmul.f32 v49, v26;
	v7 =	vadd.f32 v13, v7;
	v13 =	vperm.xlane v17, v1  }
0x9e: {  	v56 =	vld [tilespmem:s24+$0x730];
	v14 =	vmul.f32 v10, v51;
	v10 =	vmul.f32 v10, v55  }
0x9f: {  	v4 =	vld [tilespmem:$0x1FD90];
	v37 =	vadd.f32 v17, v13;
	v17 =	vmul.f32 v43, v21;
	v21 =	vmul.f32 v49, v62  }
0xa0: {  	v24 =	vld [tilespmem:s24+$0x8730];
	v63 =	vmul.f32 v48, v23;
	v55 =	vmul.f32 v54, v12;
	v10 =	vadd.f32 v28, v10  }
0xa1: {  	v47 =	vld [tilespmem:s24+$0xC700];
	v11 =	vadd.f32 v20, v11;
	v21 =	vsub.f32 v21, v61  }
0xa2: {  	v20 =	vld [tilespmem:s24+$0x8700];
	v10 =	vmul.f32 v32, v10;
	v62 =	vadd.f32 v60, v26;
	v32 =	vsub.f32 v63, v55  }
0xa3: {  	v16 =	vperm.xlane v6, v0;
	v29 =	vld [tilespmem:s24+$0xC730];
	v21 =	vmul.f32 v39, v21  }
0xa4: {  	v39 =	vmul.f32 v35, v62;
	v62 =	vmul.f32 v4, v32;
	v4 =	vld [tilespmem:$0x1FDA0]  }
0xa5: {  	v23 =	vmul.f32 v54, v23;
	v6 =	vadd.f32 v6, v16;
	v30 =	vld [tilespmem:s24+$0x4730];
	v12 =	vmul.f32 v48, v12  }
0xa6: {  	v8 =	vsub.f32 v14, v8;
	v14 =	vld [tilespmem:s24+$0x700]  }
0xa7: {  	v11 =	vmul.f32 v31, v11;
	v31 =	vld [tilespmem:s24+$0x4700];
	v57 =	vperm.xlane v6, v1;
	v12 =	vadd.f32 v23, v12  }
0xa8: {  	v53 =	vld [tilespmem:s24+$0x6F0];
	v58 =	vmul.f32 v52, v50;
	v8 =	vmul.f32 v36, v8  }
0xa9: {  	v36 =	vadd.f32 v6, v57;
	v57 =	vmul.f32 v24, v56;
	v12 =	vmul.f32 v4, v12;
	v4 =	vld [tilespmem:$0x1FDB0]  }
0xaa: {  	v44 =	vld [tilespmem:s24+$0x10680];
	v17 =	vadd.f32 v58, v17;
	v58 =	vmul.f32 v29, v56;
	v29 =	vmul.f32 v29, v30  }
0xab: {  	v2 =	vld [tilespmem:$0x1FFE0];
	v9 =	vadd.f32 v11, v9;
	v24 =	vmul.f32 v24, v30;
	v30 =	vmul.f32 v20, v14  }
0xac: {  	v11 =	vld [tilespmem:s24+$0x6E0];
	v14 =	vmul.f32 v47, v14;
	v20 =	vmul.f32 v20, v31;
	v29 =	vsub.f32 v57, v29  }
0xad: {  	v5 =	vld [tilespmem:s24+$0xC670]  }
0xae: {  	v14 =	vadd.f32 v14, v20;
	v20 =	vmul.f32 v4, v29;
	v4 =	vld [tilespmem:$0x1FDC0]  }
0xaf: {  	v15 =	vld [tilespmem:s24+$0x10660]  }
0xb0: {  	v6 =	vld [tilespmem:s24+$0x8710]  }
0xb1: {  	v13 =	vld [tilespmem:s24+$0x710];
	v24 =	vadd.f32 v58, v24  }
0xb2: {  	v28 =	vmul.f32 v43, v50;
	v27 =	vperm.xlane v7, v0;
	v43 =	vld [tilespmem:s24+$0xC710]  }
0xb3: {  	v24 =	vmul.f32 v4, v24;
	v4 =	vld [tilespmem:$0x1FDD0]  }
0xb4: {  	v49 =	vld [tilespmem:s24+$0x4710];
	v50 =	vsub.f32 v28, v59;
	v59 =	vmul.f32 v47, v31;
	v7 =	vadd.f32 v7, v27  }
0xb5: {  	v25 =	vperm.xlane v19, v2;
	v16 =	vld [tilespmem:s24+$0x14660]  }
0xb6: {  	v22 =	vld [tilespmem:s24+$0x14670];
	v52 =	vperm.xlane v7, v1;
	v30 =	vsub.f32 v30, v59  }
0xb7: {  	v19 =	vadd.f32 v19, v25;
	v25 =	vld [tilespmem:s24+$0xC650]  }
0xb8: {  	v63 =	vmul.f32 v6, v13;
	v35 =	vadd.f32 v7, v52;
	v7 =	vmul.f32 v4, v30;
	v4 =	vld [tilespmem:$0x1FDE0]  }
0xb9: {  	v18 =	vld [tilespmem:s24+$0x10670];
	v13 =	vmul.f32 v43, v13;
	v43 =	vmul.f32 v43, v49  }
0xba: {  	v54 =	vld [tilespmem:s24+$0x86C0]  }
0xbb: {  	v8 =	vadd.f32 v10, v8;
	v10 =	vld [tilespmem:s24+$0xC6E0];
	v14 =	vmul.f32 v34, v14;
	v34 =	vsub.f32 v63, v43  }
0xbc: {  	v17 =	vmul.f32 v38, v17;
	v38 =	vld [tilespmem:s24+$0x86E0]  }
0xbd: {  	v34 =	vmul.f32 v4, v34;
	v4 =	vld [tilespmem:$0x1FDF0]  }
0xbe: {  	v33 =	vmul.f32 v33, v50;
	v50 =	vld [tilespmem:s24+$0x46E0];
	v6 =	vmul.f32 v6, v49  }
0xbf: {  	v48 =	vld [tilespmem:s24+$0xC6B0]  }
0xc0: {  	v23 =	vld [tilespmem:s24+$0xC6F0];
	v6 =	vadd.f32 v13, v6  }
0xc1: {  	v28 =	vld [tilespmem:s24+$0x14640]  }
0xc2: {  	v56 =	vmul.f32 v38, v11;
	v6 =	vmul.f32 v4, v6;
	v4 =	vld [tilespmem:$0x1FE00]  }
0xc3: {  	v26 =	vld [tilespmem:s24+$0x10650];
	v11 =	vmul.f32 v10, v11;
	v10 =	vmul.f32 v10, v50  }
0xc4: {  	v55 =	vld [tilespmem:s24+$0x6C0]  }
0xc5: {  	v27 =	vld [tilespmem:s24+$0x10640];
	v10 =	vsub.f32 v56, v10  }
0xc6: {  	v61 =	vld [tilespmem:s24+$0x46F0]  }
0xc7: {  	v10 =	vmul.f32 v4, v10;
	v4 =	vld [tilespmem:$0x1FE10]  }
0xc8: {  	v8 =	vadd.f32 v8, v9;
	v9 =	vld [tilespmem:s24+$0x86F0];
	v38 =	vmul.f32 v38, v50  }
0xc9: {  	v31 =	vld [tilespmem:s24+$0x14600]  }
0xca: {  	v32 =	vld [tilespmem:s24+$0x10600];
	v11 =	vadd.f32 v11, v38  }
0xcb: {  	v57 =	vld [tilespmem:s24+$0xC6C0];
	v59 =	vmul.f32 v23, v53  }
0xcc: {  	v60 =	vperm.xlane v8, v0;
	v11 =	vmul.f32 v4, v11;
	v4 =	vld [tilespmem:$0x1FE20]  }
0xcd: {  	v23 =	vmul.f32 v23, v61;
	v13 =	vld [tilespmem:s24+$0x6D0];
	v58 =	vmul.f32 v9, v53  }
0xce: {  	v8 =	vadd.f32 v8, v60;
	v60 =	vld [tilespmem:s24+$0x86D0]  }
0xcf: {  	v9 =	vmul.f32 v9, v61;
	v61 =	vld [tilespmem:s24+$0xC6D0];
	v23 =	vsub.f32 v58, v23  }
0xd0: {  	v12 =	vadd.f32 v12, v62;
	v62 =	vld [tilespmem:s24+$0x46D0]  }
0xd1: {  	v17 =	vadd.f32 v17, v33;
	v23 =	vmul.f32 v4, v23;
	v4 =	vld [tilespmem:$0x1FE30]  }
0xd2: {  	v21 =	vadd.f32 v39, v21;
	v20 =	vadd.f32 v24, v20;
	v24 =	vld [tilespmem:s24+$0x46C0]  }
0xd3: {  	v33 =	vld [tilespmem:s24+$0x46A0]  }
0xd4: {  	v17 =	vadd.f32 v21, v17;
	v21 =	vld [tilespmem:s24+$0x86A0];
	v9 =	vadd.f32 v59, v9  }
0xd5: {  	v50 =	vld [tilespmem:s24+$0x8690];
	v52 =	vmul.f32 v60, v13;
	v13 =	vmul.f32 v61, v13  }
0xd6: {  	v43 =	vmul.f32 v60, v62;
	v9 =	vmul.f32 v4, v9;
	v4 =	vld [tilespmem:$0x1FE40]  }
0xd7: {  	v63 =	vmul.f32 v54, v55;
	v29 =	vld [tilespmem:s24+$0x10610];
	v49 =	vmul.f32 v57, v24  }
0xd8: {  	v13 =	vadd.f32 v13, v43;
	v43 =	vld [tilespmem:s24+$0x46B0]  }
0xd9: {  	v12 =	vadd.f32 v20, v12;
	v20 =	vld [tilespmem:s24+$0x6A0];
	v53 =	vsub.f32 v63, v49  }
0xda: {  	v40 =	vperm.xlane v36, v2;
	v7 =	vadd.f32 v14, v7;
	v14 =	vld [tilespmem:s24+$0xC6A0];
	v6 =	vadd.f32 v6, v34  }
0xdb: {  	v56 =	vperm.xlane v12, v0;
	v47 =	vmul.f32 v4, v53;
	v4 =	vld [tilespmem:$0x1FE50]  }
0xdc: {  	v39 =	vmul.f32 v57, v55;
	v24 =	vmul.f32 v54, v24;
	v49 =	vld [tilespmem:s24+$0xC690];
	v6 =	vadd.f32 v6, v7  }
0xdd: {  	v54 =	vperm.xlane v17, v0;
	v12 =	vadd.f32 v12, v56;
	v10 =	vadd.f32 v11, v10;
	v11 =	vld [tilespmem:s24+$0x86B0]  }
0xde: {  	v24 =	vadd.f32 v39, v24;
	v55 =	vperm.xlane v6, v0;
	v9 =	vadd.f32 v9, v23;
	v23 =	vld [tilespmem:s24+$0x6B0]  }
0xdf: {  	v41 =	vperm.xlane v37, v2;
	v17 =	vadd.f32 v17, v54;
	v54 =	vld [tilespmem:s24+$0x660];
	v60 =	vperm.xlane v12, v1  }
0xe0: {  	v38 =	vmul.f32 v61, v62;
	v6 =	vadd.f32 v6, v55;
	v24 =	vmul.f32 v4, v24;
	v4 =	vld [tilespmem:$0x1FE60]  }
0xe1: {  	v58 =	vperm.xlane v8, v1;
	v12 =	vadd.f32 v12, v60;
	v60 =	vld [tilespmem:s24+$0x4660];
	v9 =	vadd.f32 v9, v10  }
0xe2: {  	v39 =	vperm.xlane v35, v2;
	v34 =	vsub.f32 v52, v38;
	v38 =	vld [tilespmem:s24+$0xC680];
	v59 =	vperm.xlane v6, v1  }
0xe3: {  	v7 =	vld [tilespmem:s24+$0x8680];
	v57 =	vperm.xlane v9, v0;
	v63 =	vmul.f32 v11, v23  }
0xe4: {  	v8 =	vadd.f32 v8, v58;
	v10 =	vld [tilespmem:s24+$0x680];
	v23 =	vmul.f32 v48, v23;
	v48 =	vmul.f32 v48, v43  }
0xe5: {  	v51 =	vadd.f32 v6, v59;
	v11 =	vmul.f32 v11, v43;
	v34 =	vmul.f32 v4, v34;
	v4 =	vld [tilespmem:$0x1FE70]  }
0xe6: {  	v52 =	vperm.xlane v8, v2;
	v9 =	vadd.f32 v9, v57;
	v24 =	vadd.f32 v24, v47;
	v47 =	vld [tilespmem:s24+$0x4680]  }
0xe7: {  	v56 =	vperm.xlane v12, v2;
	v57 =	vld [tilespmem:s24+$0xC660];
	v63 =	vsub.f32 v63, v48;
	v11 =	vadd.f32 v23, v11  }
0xe8: {  	v8 =	vadd.f32 v8, v52;
	v52 =	vld [tilespmem:s24+$0x630];
	v55 =	vperm.xlane v51, v2;
	v62 =	vperm.xlane v9, v1  }
0xe9: {  	v6 =	vld [tilespmem:s24+$0x8660];
	v46 =	vmul.f32 v46, v63;
	v45 =	vmul.f32 v45, v11  }
0xea: {  	v43 =	vld [tilespmem:s24+$0x4670];
	v13 =	vmul.f32 v4, v13;
	v4 =	vmul.f32 v7, v10  }
0xeb: {  	v48 =	vld [tilespmem:s24+$0xC640];
	v53 =	vadd.f32 v9, v62;
	v10 =	vmul.f32 v38, v10;
	v38 =	vmul.f32 v38, v47  }
0xec: {  	v63 =	vld [tilespmem:s24+$0x650];
	v11 =	vmul.f32 v57, v54;
	v7 =	vmul.f32 v7, v47  }
0xed: {  	v62 =	vld [tilespmem:s24+$0x8670];
	v59 =	vperm.xlane v53, v2;
	v13 =	vadd.f32 v13, v34;
	v4 =	vsub.f32 v4, v38  }
0xee: {  	v47 =	vld [tilespmem:s24+$0x8650];
	v7 =	vadd.f32 v10, v7;
	v10 =	vmul.f32 v6, v54;
	v54 =	vmul.f32 v6, v60  }
0xef: {  	v34 =	vld [tilespmem:s24+$0x690];
	v6 =	vadd.f32 v37, v41;
	v13 =	vadd.f32 v13, v24;
	v24 =	vperm.xlane v17, v1  }
0xf0: {  	v38 =	vld [tilespmem:s24+$0x4640];
	v44 =	vmul.f32 v44, v4;
	v42 =	vmul.f32 v42, v7;
	v4 =	vadd.f32 v36, v40  }
0xf1: {  	v37 =	vld [tilespmem:s24+$0x8600];
	v40 =	vmul.f32 v57, v60;
	v11 =	vadd.f32 v11, v54;
	v17 =	vadd.f32 v17, v24  }
0xf2: {  	v36 =	vld [tilespmem:s24+$0x4650];
	v7 =	vadd.f32 v35, v39;
	v60 =	vmul.f32 v62, v43;
	v61 =	vperm.xlane v13, v0  }
0xf3: {  	v35 =	vld [tilespmem:s24+$0x600];
	v10 =	vsub.f32 v10, v40;
	v16 =	vmul.f32 v16, v11;
	v9 =	vperm.xlane v17, v2  }
0xf4: {  	v24 =	vld [tilespmem:s24+$0x4690];
	v13 =	vadd.f32 v13, v61;
	v61 =	vmul.f32 v21, v20;
	v20 =	vmul.f32 v14, v20  }
0xf5: {  	v39 =	vld [tilespmem:s24+$0x8610];
	v14 =	vmul.f32 v14, v33;
	v21 =	vmul.f32 v21, v33  }
0xf6: {  	v33 =	vld [tilespmem:s24+$0x670];
	v15 =	vmul.f32 v15, v10;
	v10 =	vadd.f32 v12, v56;
	v56 =	vmul.f32 v48, v38  }
0xf7: {  	v12 =	vadd.f32 v53, v59;
	v59 =	vmul.f32 v25, v36;
	v14 =	vsub.f32 v61, v14;
	v61 =	vld [tilespmem:s24+$0x8640]  }
0xf8: {  	v25 =	vmul.f32 v25, v63;
	v36 =	vmul.f32 v47, v36;
	v20 =	vadd.f32 v20, v21;
	v21 =	vld [tilespmem:s24+$0x640]  }
0xf9: {  	v11 =	vadd.f32 v51, v55;
	v51 =	vld [tilespmem:s24+$0x8630];
	v58 =	vperm.xlane v13, v1;
	v40 =	vmul.f32 v49, v24  }
0xfa: {  	v9 =	vadd.f32 v17, v9;
	v17 =	vld [tilespmem:s24+$0x610];
	v24 =	vmul.f32 v50, v24;
	v23 =	vmul.f32 v3, v14  }
0xfb: {  	v15 =	vadd.f32 v16, v15;
	v3 =	vld [tilespmem:$0x1FE80];
	v14 =	vmul.f32 v50, v34;
	v57 =	vmul.f32 v62, v33  }
0xfc: {  	v25 =	vadd.f32 v25, v36;
	v33 =	vmul.f32 v5, v33;
	v5 =	vmul.f32 v5, v43;
	v43 =	vld [tilespmem:s24+$0xC600]  }
0xfd: {  	v34 =	vmul.f32 v49, v34;
	v13 =	vadd.f32 v13, v58;
	v62 =	vld [tilespmem:s24+$0x4600];
	v54 =	vmul.f32 v61, v21  }
0xfe: {  	v30 =	vld [tilespmem:s24+$0x14610];
	v5 =	vsub.f32 v57, v5;
	v38 =	vmul.f32 v61, v38;
	v21 =	vmul.f32 v48, v21  }
0xff: {  	v53 =	vld [tilespmem:s24+$0x620];
	v33 =	vadd.f32 v33, v60;
	v57 =	vmul.f32 v47, v63;
	v60 =	vmul.f32 v37, v35  }
0x100: {  	v50 =	vld [tilespmem:s24+$0x4610];
	v14 =	vsub.f32 v14, v40;
	v55 =	vmul.f32 v39, v17;
	v47 =	vmul.f32 v51, v52  }
0x101: {  	v49 =	vld [tilespmem:s24+$0x4620];
	v24 =	vadd.f32 v34, v24;
	v20 =	vmul.f32 v3, v20;
	v35 =	vmul.f32 v43, v35  }
0x102: {  	v48 =	vld [tilespmem:s24+$0x8620];
	v21 =	vadd.f32 v21, v38;
	v61 =	vmul.f32 v43, v62;
	v37 =	vmul.f32 v37, v62  }
0x103: {  	v5 =	vmul.f32 v18, v5;
	v18 =	vmul.f32 v22, v33;
	v22 =	vld [tilespmem:s24+$0xC610];
	v33 =	vsub.f32 v54, v56  }
0x104: {  	v56 =	vld [tilespmem:s24+$0x4630];
	v21 =	vmul.f32 v28, v21;
	v28 =	vsub.f32 v60, v61;
	v62 =	vadd.f32 v35, v37  }
0x105: {  	v41 =	vsub.f32 v57, v59;
	v39 =	vmul.f32 v39, v50;
	v43 =	vld [tilespmem:s24+$0xC620];
	v27 =	vmul.f32 v27, v33  }
0x106: {  	v20 =	vadd.f32 v20, v23;
	v23 =	vmul.f32 v32, v28;
	v28 =	vmul.f32 v31, v62;
	v31 =	vld [tilespmem:s24+$0xC630]  }
0x107: {  	v58 =	vld [tilespmem:s24+$0x10620];
	v54 =	vadd.f32 v45, v46;
	v26 =	vmul.f32 v26, v41;
	v60 =	vmul.f32 v48, v53  }
0x108: {  	v57 =	vadd.f32 v42, v44;
	v59 =	vld [tilespmem:s24+$0x14620];
	v17 =	vmul.f32 v22, v17;
	v22 =	vmul.f32 v22, v50  }
0x109: {  	v5 =	vadd.f32 v18, v5;
	v63 =	vmul.f32 v48, v49;
	v62 =	vld [tilespmem:s24+$0x10630];
	v35 =	vmul.f32 v51, v56  }
0x10a: {  	v61 =	vmul.f32 v43, v53;
	v43 =	vmul.f32 v43, v49;
	v16 =	vsub.f32 v55, v22;
	v22 =	vld [tilespmem:s24+$0x14630]  }
0x10b: {  	v48 =	vld [tilespmem:s24+$0x14650];
	v17 =	vadd.f32 v17, v39;
	v37 =	vmul.f32 v31, v52;
	v31 =	vmul.f32 v31, v56  }
0x10c: {  	v50 =	vld [tilespmem:s24+$0x10690];
	v49 =	vadd.f32 v61, v63;
	v16 =	vmul.f32 v29, v16;
	v29 =	vsub.f32 v60, v43  }
0x10d: {  	v51 =	vld [tilespmem:s24+$0x14690];
	v17 =	vmul.f32 v30, v17;
	v30 =	vsub.f32 v47, v31;
	v31 =	vadd.f32 v37, v35  }
0x10e: {  	v21 =	vadd.f32 v21, v27;
	v52 =	vmul.f32 v59, v49;
	v29 =	vmul.f32 v58, v29  }
0x10f: {  	v5 =	vadd.f32 v5, v15;
	v30 =	vmul.f32 v62, v30;
	v22 =	vmul.f32 v22, v31  }
0x110: {  	v18 =	vadd.f32 v28, v23;
	v16 =	vadd.f32 v17, v16;
	v17 =	vmul.f32 v48, v25  }
0x111: {  	v23 =	vadd.f32 v52, v29;
	v22 =	vadd.f32 v22, v30  }
0x112: {  	v14 =	vmul.f32 v50, v14;
	v24 =	vmul.f32 v51, v24;
	v17 =	vadd.f32 v17, v26  }
0x113: {  	v16 =	vadd.f32 v16, v18;
	v18 =	vadd.f32 v22, v23  }
0x114: {  	v14 =	vadd.f32 v24, v14;
	v17 =	vadd.f32 v17, v21  }
0x115: {  	v20 =	vadd.f32 v54, v20;
	v22 =	vperm.xlane v16, v0;
	v23 =	vperm.xlane v18, v0  }
0x116: {  	v14 =	vadd.f32 v14, v57;
	v21 =	vperm.xlane v13, v2;
	v15 =	vperm.xlane v17, v0  }
0x117: {  	v16 =	vadd.f32 v16, v22;
	v22 =	vperm.xlane v5, v0;
	v18 =	vadd.f32 v18, v23  }
0x118: {  	v15 =	vadd.f32 v17, v15;
	v17 =	vperm.xlane v14, v0;
	v23 =	vperm.xlane v20, v0  }
0x119: {  	v24 =	vperm.xlane v16, v1;
	v5 =	vadd.f32 v5, v22;
	v25 =	vperm.xlane v18, v1  }
0x11a: {  	v14 =	vadd.f32 v14, v17;
	v22 =	vperm.xlane v15, v1;
	v17 =	vadd.f32 v20, v23  }
0x11b: {  	v16 =	vadd.f32 v16, v24;
	v20 =	vperm.xlane v5, v1;
	v18 =	vadd.f32 v18, v25  }
0x11c: {  	v3 =	vld [tilespmem:$0x1FFF0];
	v15 =	vadd.f32 v15, v22;
	v22 =	vperm.xlane v14, v1;
	v23 =	vperm.xlane v17, v1  }
0x11d: {  	v24 =	vperm.xlane v16, v2;
	v5 =	vadd.f32 v5, v20;
	v25 =	vperm.xlane v18, v2  }
0x11e: {  	v20 =	vperm.xlane v15, v2;
	v14 =	vadd.f32 v14, v22;
	v17 =	vadd.f32 v17, v23  }
0x11f: {  	v16 =	vadd.f32 v16, v24;
	v22 =	vperm.xlane v5, v2;
	v18 =	vadd.f32 v18, v25  }
0x120: {  	v15 =	vadd.f32 v15, v20;
	v20 =	vperm.xlane v14, v2;
	v23 =	vperm.xlane v17, v2  }
0x121: {  	v24 =	vperm.xlane v16, v3;
	v5 =	vadd.f32 v5, v22;
	v25 =	vperm.xlane v18, v3  }
0x122: {  	v22 =	vperm.xlane v15, v3;
	v14 =	vadd.f32 v14, v20;
	v17 =	vadd.f32 v17, v23  }
0x123: {  	v16 =	vadd.f32 v16, v24;
	v20 =	vperm.xlane v5, v3;
	v18 =	vadd.f32 v18, v25  }
0x124: {  	v13 =	vadd.f32 v13, v21;
	v15 =	vadd.f32 v15, v22;
	v22 =	vperm.xlane v14, v3  }
0x125: {  	v5 =	vadd.f32 v5, v20;
	v16 =	vsel vm0, v16, v18;
	v18 =	vperm.xlane v17, v3  }
0x126: {  	v14 =	vadd.f32 v14, v22;
	v15 =	vsel vm1, v16, v15;
	v16 =	vperm.xlane v13, v3  }
0x127: {  	v5 =	vsel vm2, v15, v5;
	v15 =	vadd.f32 v17, v18;
	v17 =	vperm.xlane v12, v3  }
0x128: {  	v5 =	vsel vm3, v5, v14;
	v13 =	vadd.f32 v13, v16;
	v14 =	vperm.xlane v11, v3  }
0x129: {  	v5 =	vsel vm4, v5, v15;
	v12 =	vadd.f32 v12, v17;
	v15 =	vperm.xlane v10, v3  }
0x12a: {  	v5 =	vsel vm5, v5, v13;
	v11 =	vadd.f32 v11, v14;
	v13 =	vperm.xlane v9, v3  }
0x12b: {  	v5 =	vsel vm6, v5, v12;
	v10 =	vadd.f32 v10, v15;
	v12 =	vperm.xlane v8, v3  }
0x12c: {  	v5 =	vsel vm7, v5, v11;
	v9 =	vadd.f32 v9, v13;
	v11 =	vperm.xlane v7, v3  }
0x12d: {  	v5 =	vsel vm8, v5, v10;
	v8 =	vadd.f32 v8, v12;
	v10 =	vperm.xlane v6, v3  }
0x12e: {  	v5 =	vsel vm9, v5, v9;
	v7 =	vadd.f32 v7, v11;
	v9 =	vperm.xlane v4, v3  }
0x12f: {  	v5 =	vsel vm10, v5, v8;
	v6 =	vadd.f32 v6, v10;
	v8 =	vperm.xlane v19, v3  }
0x130: {  	v5 =	vsel vm11, v5, v7;
	v4 =	vadd.f32 v4, v9  }
0x131: {  	v5 =	vsel vm12, v5, v6;
	v6 =	vadd.f32 v19, v8  }
0x132: {  	v4 =	vsel vm13, v5, v4  }
0x133: {  	v4 =	vsel vm14, v4, v6  }
0x134: {  	s24 =	simm.s32 $0x200;
	[tilespmem:s22+$0x0] =	vst v4  }
0x135: {  	v23 =	vld [tilespmem:s24+$0x107E0]  }
0x136: {  	v24 =	vld [tilespmem:s24+$0x147E0]  }
0x137: {  	v28 =	vld [tilespmem:s24+$0x107F0]  }
0x138: {  	v42 =	vld [tilespmem:s24+$0x147F0]  }
0x139: {  	v43 =	vld [tilespmem:s24+$0x107C0]  }
0x13a: {  	v44 =	vld [tilespmem:s24+$0x147C0]  }
0x13b: {  	v45 =	vld [tilespmem:s24+$0x107D0]  }
0x13c: {  	v41 =	vld [tilespmem:s24+$0x147D0]  }
0x13d: {  	v29 =	vld [tilespmem:s24+$0x107A0]  }
0x13e: {  	v30 =	vld [tilespmem:s24+$0x147A0]  }
0x13f: {  	v40 =	vld [tilespmem:s24+$0x107B0]  }
0x140: {  	v31 =	vld [tilespmem:s24+$0x147B0]  }
0x141: {  	v32 =	vld [tilespmem:s24+$0x10780]  }
0x142: {  	v33 =	vld [tilespmem:s24+$0x14780]  }
0x143: {  	v34 =	vld [tilespmem:s24+$0x10790]  }
0x144: {  	v39 =	vld [tilespmem:s24+$0x14790]  }
0x145: {  	v38 =	vld [tilespmem:s24+$0x10760]  }
0x146: {  	v37 =	vld [tilespmem:s24+$0x14760]  }
0x147: {  	v36 =	vld [tilespmem:s24+$0x10770]  }
0x148: {  	v35 =	vld [tilespmem:s24+$0x14770]  }
0x149: {  	v3 =	vld [tilespmem:s24+$0x10740]  }
0x14a: {  	v8 =	vld [tilespmem:s24+$0x87E0]  }
0x14b: {  	v9 =	vld [tilespmem:s24+$0x7E0]  }
0x14c: {  	v46 =	vld [tilespmem:s24+$0xC7E0]  }
0x14d: {  	v47 =	vld [tilespmem:s24+$0x47E0]  }
0x14e: {  	v48 =	vld [tilespmem:s24+$0x87F0]  }
0x14f: {  	v49 =	vld [tilespmem:s24+$0x7F0]  }
0x150: {  	v50 =	vld [tilespmem:s24+$0xC7F0]  }
0x151: {  	v51 =	vld [tilespmem:s24+$0x47F0]  }
0x152: {  	v52 =	vld [tilespmem:s24+$0x87C0]  }
0x153: {  	v53 =	vld [tilespmem:s24+$0x7C0]  }
0x154: {  	v54 =	vld [tilespmem:s24+$0xC7C0]  }
0x155: {  	v55 =	vld [tilespmem:s24+$0x47C0]  }
0x156: {  	v56 =	vld [tilespmem:s24+$0x87D0]  }
0x157: {  	v57 =	vld [tilespmem:s24+$0x7D0]  }
0x158: {  	v58 =	vld [tilespmem:s24+$0xC7D0]  }
0x159: {  	v59 =	vld [tilespmem:s24+$0x47D0]  }
0x15a: {  	v60 =	vld [tilespmem:s24+$0x87A0]  }
0x15b: {  	v61 =	vld [tilespmem:s24+$0x7A0]  }
0x15c: {  	v62 =	vld [tilespmem:s24+$0xC7A0]  }
0x15d: {  	v63 =	vld [tilespmem:s24+$0x47A0]  }
0x15e: {  	v13 =	vld [tilespmem:s24+$0x87B0]  }
0x15f: {  	v12 =	vld [tilespmem:s24+$0x7B0]  }
0x160: {  	v10 =	vld [tilespmem:s24+$0xC7B0]  }
0x161: {  	v11 =	vld [tilespmem:s24+$0x47B0]  }
0x162: {  	v17 =	vld [tilespmem:s24+$0x8780]  }
0x163: {  	v14 =	vld [tilespmem:s24+$0x780]  }
0x164: {  	v15 =	vld [tilespmem:s24+$0xC780]  }
0x165: {  	v16 =	vld [tilespmem:s24+$0x4780]  }
0x166: {  	v21 =	vld [tilespmem:s24+$0x8790]  }
0x167: {  	v19 =	vld [tilespmem:s24+$0x790]  }
0x168: {  	v18 =	vld [tilespmem:s24+$0xC790]  }
0x169: {  	v20 =	vld [tilespmem:s24+$0x4790]  }
0x16a: {  	v4 =	vld [tilespmem:s24+$0x146D0]  }
0x16b: {  	v27 =	vld [tilespmem:s24+$0x8760]  }
0x16c: {  	v22 =	vld [tilespmem:s24+$0x760]  }
0x16d: {  	v25 =	vld [tilespmem:s24+$0xC760]  }
0x16e: {  	v26 =	vld [tilespmem:s24+$0x8770];
	[tilespmem:$0x1FE90] =	vst v3  }
0x16f: {  	v3 =	vld [tilespmem:s24+$0x14740];
	[tilespmem:$0x1FFB0] =	vst v4;
	v5 =	vmul.f32 v8, v9;
	v4 =	vmul.f32 v46, v47  }
0x170: {  	v9 =	vmul.f32 v46, v9;
	v8 =	vmul.f32 v8, v47;
	v46 =	vld [tilespmem:s24+$0x4760]  }
0x171: {  	v47 =	vld [tilespmem:s24+$0x770];
	v6 =	vmul.f32 v52, v53;
	v4 =	vsub.f32 v5, v4  }
0x172: {  	v53 =	vmul.f32 v54, v53;
	v52 =	vmul.f32 v52, v55;
	v8 =	vadd.f32 v9, v8;
	v9 =	vld [tilespmem:s24+$0x4770]  }
0x173: {  	v5 =	vmul.f32 v54, v55;
	v54 =	vld [tilespmem:s24+$0x106B0];
	v7 =	vmul.f32 v23, v4  }
0x174: {  	v23 =	vld [tilespmem:s24+$0xC770];
	v24 =	vmul.f32 v24, v8;
	v8 =	vmul.f32 v48, v49  }
0x175: {  	v49 =	vmul.f32 v50, v49;
	v4 =	vmul.f32 v50, v51;
	v50 =	vld [tilespmem:s24+$0x106A0]  }
0x176: {  	v51 =	vmul.f32 v48, v51;
	v48 =	vld [tilespmem:s24+$0x146A0]  }
0x177: {  	v5 =	vsub.f32 v6, v5;
	v6 =	vadd.f32 v53, v52;
	v52 =	vld [tilespmem:s24+$0x740]  }
0x178: {  	[tilespmem:$0x1FEA0] =	vst v3;
	v3 =	vld [tilespmem:s24+$0x10750]  }
0x179: {  	v55 =	vmul.f32 v56, v57;
	v4 =	vsub.f32 v8, v4;
	v8 =	vld [tilespmem:s24+$0x146B0]  }
0x17a: {  	v49 =	vadd.f32 v49, v51;
	v51 =	vmul.f32 v58, v57;
	v57 =	vmul.f32 v58, v59;
	v58 =	vld [tilespmem:s24+$0x8740]  }
0x17b: {  	v5 =	vmul.f32 v43, v5;
	v43 =	vmul.f32 v44, v6;
	v44 =	vld [tilespmem:s24+$0x4740]  }
0x17c: {  	v53 =	vmul.f32 v62, v61;
	v6 =	vmul.f32 v60, v61;
	v61 =	vld [tilespmem:s24+$0x8730]  }
0x17d: {  	v24 =	vadd.f32 v24, v7;
	v7 =	vmul.f32 v62, v63;
	v62 =	vld [tilespmem:s24+$0x730]  }
0x17e: {  	v4 =	vmul.f32 v28, v4;
	v28 =	vmul.f32 v42, v49;
	v42 =	vld [tilespmem:s24+$0xC740]  }
0x17f: {  	v56 =	vmul.f32 v56, v59;
	v49 =	vsub.f32 v55, v57;
	v55 =	vld [tilespmem:s24+$0x8750]  }
0x180: {  	v57 =	vld [tilespmem:s24+$0x750]  }
0x181: {  	v59 =	vmul.f32 v10, v11;
	v51 =	vadd.f32 v51, v56;
	v56 =	vmul.f32 v60, v63;
	v60 =	vld [tilespmem:s24+$0xC750]  }
0x182: {  	v10 =	vmul.f32 v10, v12;
	v11 =	vmul.f32 v13, v11;
	v7 =	vsub.f32 v6, v7;
	v6 =	vld [tilespmem:s24+$0x10680]  }
0x183: {  	v5 =	vadd.f32 v43, v5;
	v43 =	vld [tilespmem:s24+$0xC720]  }
0x184: {  	v10 =	vadd.f32 v10, v11;
	v63 =	vld [tilespmem:s24+$0x4700];
	v4 =	vadd.f32 v28, v4;
	v28 =	vmul.f32 v13, v12  }
0x185: {  	[tilespmem:$0x1FEB0] =	vst v3;
	v3 =	vld [tilespmem:s24+$0x14750];
	v13 =	vmul.f32 v45, v49;
	v41 =	vmul.f32 v41, v51  }
0x186: {  	v12 =	vld [tilespmem:s24+$0x4750];
	v11 =	vmul.f32 v29, v7;
	v10 =	vmul.f32 v31, v10  }
0x187: {  	v53 =	vadd.f32 v53, v56;
	v7 =	vld [tilespmem:s24+$0x14680];
	v29 =	vmul.f32 v17, v14;
	v14 =	vmul.f32 v15, v14  }
0x188: {  	v31 =	vld [tilespmem:s24+$0x720];
	v15 =	vmul.f32 v15, v16;
	v16 =	vmul.f32 v17, v16  }
0x189: {  	v4 =	vadd.f32 v4, v24;
	v24 =	vmul.f32 v30, v53;
	v30 =	vld [tilespmem:s24+$0x8720];
	v13 =	vadd.f32 v41, v13  }
0x18a: {  	v17 =	vmul.f32 v21, v19;
	v28 =	vsub.f32 v28, v59;
	v41 =	vld [tilespmem:s24+$0x4720];
	v59 =	vmul.f32 v18, v20  }
0x18b: {  	v5 =	vadd.f32 v13, v5;
	v13 =	vmul.f32 v18, v19;
	v19 =	vmul.f32 v21, v20;
	v20 =	vld [tilespmem:s24+$0xC730]  }
0x18c: {  	v21 =	vld [tilespmem:s24+$0x4730]  }
0x18d: {  	v14 =	vadd.f32 v14, v16;
	v18 =	vld [tilespmem:s24+$0x10670]  }
0x18e: {  	v15 =	vsub.f32 v29, v15;
	[tilespmem:$0x1FEC0] =	vst v3;
	v3 =	vld [tilespmem:s24+$0x10720]  }
0x18f: {  	v14 =	vmul.f32 v33, v14;
	v33 =	vld [tilespmem:s24+$0x710]  }
0x190: {  	v56 =	vperm.xlane v4, v0;
	v16 =	vsub.f32 v17, v59;
	v15 =	vmul.f32 v32, v15;
	v32 =	vld [tilespmem:s24+$0x10600]  }
0x191: {  	v28 =	vmul.f32 v40, v28;
	v40 =	vld [tilespmem:s24+$0x6C0]  }
0x192: {  	v11 =	vadd.f32 v24, v11;
	v4 =	vadd.f32 v4, v56;
	v24 =	vmul.f32 v34, v16;
	v16 =	vld [tilespmem:s24+$0x10660]  }
0x193: {  	v10 =	vadd.f32 v10, v28;
	v28 =	vmul.f32 v23, v47;
	[tilespmem:$0x1FED0] =	vst v3;
	v3 =	vld [tilespmem:s24+$0x14720]  }
0x194: {  	v13 =	vadd.f32 v13, v19;
	v19 =	vld [tilespmem:s24+$0x14670];
	v23 =	vmul.f32 v23, v9;
	v17 =	vperm.xlane v4, v1  }
0x195: {  	v9 =	vmul.f32 v26, v9;
	v56 =	vld [tilespmem:s24+$0x86E0];
	v10 =	vadd.f32 v10, v11;
	v11 =	vmul.f32 v25, v46  }
0x196: {  	v29 =	vadd.f32 v4, v17;
	v4 =	vmul.f32 v27, v22;
	v22 =	vmul.f32 v25, v22;
	v17 =	vld [tilespmem:s24+$0x14660]  }
0x197: {  	v9 =	vadd.f32 v28, v9;
	v25 =	vmul.f32 v27, v46;
	v27 =	vmul.f32 v26, v47;
	v26 =	vld [tilespmem:s24+$0x700]  }
0x198: {  	v13 =	vmul.f32 v39, v13;
	[tilespmem:$0x1FEE0] =	vst v3;
	v3 =	vld [tilespmem:s24+$0x10730]  }
0x199: {  	v9 =	vmul.f32 v35, v9;
	v35 =	vld [tilespmem:s24+$0xC710]  }
0x19a: {  	v28 =	vmul.f32 v42, v52;
	v13 =	vadd.f32 v13, v24;
	v24 =	vmul.f32 v58, v52;
	v52 =	vld [tilespmem:$0x1FE90]  }
0x19b: {  	v14 =	vadd.f32 v14, v15;
	v4 =	vsub.f32 v4, v11;
	v11 =	vld [tilespmem:s24+$0x8700]  }
0x19c: {  	v22 =	vadd.f32 v22, v25;
	v25 =	vperm.xlane v5, v0;
	v23 =	vsub.f32 v27, v23;
	v27 =	vld [tilespmem:s24+$0xC700]  }
0x19d: {  	v46 =	vmul.f32 v60, v57;
	v13 =	vadd.f32 v13, v14;
	[tilespmem:$0x1FEF0] =	vst v3;
	v3 =	vld [tilespmem:s24+$0x14730]  }
0x19e: {  	v14 =	vmul.f32 v55, v57;
	v57 =	vld [tilespmem:s24+$0xC6E0];
	v5 =	vadd.f32 v5, v25;
	v25 =	vperm.xlane v10, v0  }
0x19f: {  	v4 =	vmul.f32 v38, v4;
	v15 =	vmul.f32 v36, v23;
	v23 =	vld [tilespmem:s24+$0x8710]  }
0x1a0: {  	v38 =	vld [tilespmem:s24+$0x4710];
	v10 =	vadd.f32 v10, v25;
	v25 =	vmul.f32 v42, v44;
	v42 =	vmul.f32 v58, v44  }
0x1a1: {  	v44 =	vmul.f32 v60, v12;
	v12 =	vmul.f32 v55, v12;
	v55 =	vld [tilespmem:$0x1FEA0]  }
0x1a2: {  	v22 =	vmul.f32 v37, v22;
	[tilespmem:$0x1FF00] =	vst v3;
	v3 =	vld [tilespmem:s24+$0x10700]  }
0x1a3: {  	v58 =	vld [tilespmem:s24+$0x46E0]  }
0x1a4: {  	v4 =	vadd.f32 v22, v4;
	v22 =	vmul.f32 v30, v31;
	v60 =	vld [tilespmem:s24+$0x86F0]  }
0x1a5: {  	v31 =	vmul.f32 v43, v31;
	v9 =	vadd.f32 v9, v15;
	v15 =	vmul.f32 v43, v41;
	v43 =	vld [tilespmem:s24+$0x8680]  }
0x1a6: {  	v25 =	vsub.f32 v24, v25;
	v24 =	vld [tilespmem:s24+$0x10640]  }
0x1a7: {  	[tilespmem:$0x1FF10] =	vst v3;
	v3 =	vld [tilespmem:s24+$0x14700]  }
0x1a8: {  	v59 =	vmul.f32 v20, v62;
	v30 =	vmul.f32 v30, v41;
	v34 =	vadd.f32 v28, v42;
	v28 =	vld [tilespmem:s24+$0x14640]  }
0x1a9: {  	v9 =	vadd.f32 v9, v4;
	v4 =	vmul.f32 v20, v21;
	v20 =	vmul.f32 v61, v21;
	v21 =	vld [tilespmem:s24+$0x6F0]  }
0x1aa: {  	v15 =	vsub.f32 v22, v15;
	v22 =	vld [tilespmem:s24+$0xC6F0]  }
0x1ab: {  	v30 =	vadd.f32 v31, v30;
	v31 =	vld [tilespmem:s24+$0x46F0]  }
0x1ac: {  	v47 =	vperm.xlane v5, v1;
	[tilespmem:$0x1FF20] =	vst v3;
	v3 =	vld [tilespmem:s24+$0x10710]  }
0x1ad: {  	v51 =	vperm.xlane v10, v1;
	v42 =	vld [tilespmem:s24+$0x86A0]  }
0x1ae: {  	v37 =	vadd.f32 v5, v47;
	v5 =	vperm.xlane v13, v0;
	v53 =	vmul.f32 v52, v25;
	v25 =	vld [tilespmem:s24+$0x10650]  }
0x1af: {  	v36 =	vadd.f32 v10, v51;
	v10 =	vld [tilespmem:$0x1FEB0]  }
0x1b0: {  	v5 =	vadd.f32 v13, v5;
	v13 =	vmul.f32 v61, v62;
	v62 =	vld [tilespmem:$0x1FEE0]  }
0x1b1: {  	[tilespmem:$0x1FF30] =	vst v3;
	v3 =	vld [tilespmem:s24+$0x14710]  }
0x1b2: {  	v49 =	vld [tilespmem:$0x1FEF0]  }
0x1b3: {  	v39 =	vmul.f32 v55, v34;
	v55 =	vld [tilespmem:s24+$0x46C0]  }
0x1b4: {  	v14 =	vsub.f32 v14, v44;
	v44 =	vmul.f32 v57, v58;
	v41 =	vmul.f32 v56, v58;
	v58 =	vld [tilespmem:s24+$0x6D0]  }
0x1b5: {  	v4 =	vsub.f32 v13, v4;
	v13 =	vadd.f32 v59, v20;
	v20 =	vld [tilespmem:$0x1FED0]  }
0x1b6: {  	[tilespmem:$0x1FF40] =	vst v3;
	v3 =	vld [tilespmem:s24+$0x106E0]  }
0x1b7: {  	v59 =	vld [tilespmem:s24+$0xC6D0]  }
0x1b8: {  	v39 =	vadd.f32 v39, v53;
	v53 =	vld [tilespmem:s24+$0xC6C0]  }
0x1b9: {  	v10 =	vmul.f32 v10, v14;
	v14 =	vld [tilespmem:$0x1FEC0]  }
0x1ba: {  	v61 =	vmul.f32 v11, v26;
	v52 =	vld [tilespmem:$0x1FF00]  }
0x1bb: {  	v26 =	vmul.f32 v27, v26;
	v27 =	vmul.f32 v27, v63;
	[tilespmem:$0x1FF50] =	vst v3;
	v3 =	vld [tilespmem:s24+$0x146E0]  }
0x1bc: {  	v12 =	vadd.f32 v46, v12;
	v11 =	vmul.f32 v11, v63;
	v63 =	vmul.f32 v62, v30;
	v30 =	vld [tilespmem:s24+$0x14600]  }
0x1bd: {  	v51 =	vmul.f32 v49, v4;
	v4 =	vld [tilespmem:s24+$0x10610]  }
0x1be: {  	v12 =	vmul.f32 v14, v12;
	v14 =	vld [tilespmem:s24+$0x6E0]  }
0x1bf: {  	v15 =	vmul.f32 v20, v15;
	v20 =	vsub.f32 v61, v27;
	v27 =	vperm.xlane v5, v1;
	v61 =	vld [tilespmem:s24+$0x46D0]  }
0x1c0: {  	v13 =	vmul.f32 v52, v13;
	v10 =	vadd.f32 v12, v10;
	[tilespmem:$0x1FF60] =	vst v3;
	v3 =	vld [tilespmem:s24+$0x106F0]  }
0x1c1: {  	v34 =	vadd.f32 v5, v27;
	v15 =	vadd.f32 v63, v15;
	v5 =	vld [tilespmem:$0x1FF10]  }
0x1c2: {  	v13 =	vadd.f32 v13, v51;
	v10 =	vadd.f32 v10, v39;
	v39 =	vld [tilespmem:s24+$0x6A0]  }
0x1c3: {  	v12 =	vmul.f32 v56, v14;
	v14 =	vmul.f32 v57, v14;
	v57 =	vld [tilespmem:s24+$0x86D0]  }
0x1c4: {  	v11 =	vadd.f32 v26, v11;
	v26 =	vperm.xlane v9, v0;
	v13 =	vadd.f32 v13, v15;
	v15 =	vld [tilespmem:s24+$0xC6A0]  }
0x1c5: {  	[tilespmem:$0x1FF70] =	vst v3;
	v3 =	vld [tilespmem:s24+$0x146F0]  }
0x1c6: {  	v9 =	vadd.f32 v9, v26;
	v26 =	vmul.f32 v23, v33;
	v20 =	vmul.f32 v5, v20;
	v5 =	vld [tilespmem:s24+$0x14610]  }
0x1c7: {  	v33 =	vmul.f32 v35, v33;
	v35 =	vmul.f32 v35, v38;
	v27 =	vld [tilespmem:$0x1FF20]  }
0x1c8: {  	v56 =	vmul.f32 v60, v21;
	v21 =	vmul.f32 v22, v21;
	v12 =	vsub.f32 v12, v44;
	v44 =	vld [tilespmem:s24+$0x690]  }
0x1c9: {  	v22 =	vmul.f32 v22, v31;
	v31 =	vmul.f32 v60, v31;
	v60 =	vld [tilespmem:$0x1FF30]  }
0x1ca: {  	v26 =	vsub.f32 v26, v35;
	[tilespmem:$0x1FF80] =	vst v3;
	v3 =	vld [tilespmem:s24+$0x106C0]  }
0x1cb: {  	v35 =	vmul.f32 v59, v58;
	v14 =	vadd.f32 v14, v41;
	v41 =	vmul.f32 v57, v61;
	v62 =	vld [tilespmem:$0x1FF40]  }
0x1cc: {  	v23 =	vmul.f32 v23, v38;
	v11 =	vmul.f32 v27, v11;
	v27 =	vld [tilespmem:s24+$0x86C0]  }
0x1cd: {  	v35 =	vadd.f32 v35, v41;
	v41 =	vld [tilespmem:s24+$0x4680]  }
0x1ce: {  	v45 =	vperm.xlane v37, v2;
	v23 =	vadd.f32 v33, v23;
	v38 =	vmul.f32 v53, v55;
	v63 =	vld [tilespmem:$0x1FF50]  }
0x1cf: {  	v33 =	vmul.f32 v59, v61;
	v21 =	vadd.f32 v21, v31;
	v31 =	vperm.xlane v29, v2;
	[tilespmem:$0x1FF90] =	vst v3;
	v3 =	vld [tilespmem:s24+$0x146C0]  }
0x1d0: {  	v26 =	vmul.f32 v60, v26;
	v23 =	vmul.f32 v62, v23;
	v47 =	vld [tilespmem:$0x1FF60]  }
0x1d1: {  	v59 =	vperm.xlane v13, v0;
	v61 =	vperm.xlane v9, v1;
	v49 =	vld [tilespmem:$0x1FF70]  }
0x1d2: {  	v11 =	vadd.f32 v11, v20;
	v52 =	vmul.f32 v27, v40;
	v23 =	vadd.f32 v23, v26;
	v51 =	vld [tilespmem:$0x1FF80]  }
0x1d3: {  	v22 =	vsub.f32 v56, v22;
	v20 =	vld [tilespmem:s24+$0x46A0];
	v40 =	vmul.f32 v53, v40;
	v27 =	vmul.f32 v27, v55  }
0x1d4: {  	v46 =	vadd.f32 v9, v61;
	v53 =	vmul.f32 v57, v58;
	v11 =	vadd.f32 v23, v11;
	[tilespmem:$0x1FFA0] =	vst v3;
	v3 =	vld [tilespmem:s24+$0x106D0]  }
0x1d5: {  	v55 =	vperm.xlane v10, v0;
	v27 =	vadd.f32 v40, v27;
	v40 =	vld [tilespmem:s24+$0x46B0];
	v12 =	vmul.f32 v63, v12  }
0x1d6: {  	v38 =	vsub.f32 v52, v38;
	v58 =	vperm.xlane v11, v0;
	v14 =	vmul.f32 v47, v14;
	v56 =	vld [tilespmem:$0x1FF90]  }
0x1d7: {  	v33 =	vsub.f32 v53, v33;
	v52 =	vld [tilespmem:s24+$0x4690];
	v22 =	vmul.f32 v49, v22;
	v21 =	vmul.f32 v51, v21  }
0x1d8: {  	v61 =	vmul.f32 v42, v39;
	v10 =	vadd.f32 v10, v55;
	v11 =	vadd.f32 v11, v58;
	v57 =	vld [tilespmem:$0x1FFA0]  }
0x1d9: {  	v12 =	vadd.f32 v14, v12;
	v21 =	vadd.f32 v21, v22;
	v33 =	vmul.f32 v3, v33;
	v3 =	vld [tilespmem:$0x1FFB0]  }
0x1da: {  	v62 =	vperm.xlane v10, v1;
	v26 =	vld [tilespmem:s24+$0x86B0];
	v47 =	vperm.xlane v36, v2  }
0x1db: {  	v63 =	vperm.xlane v11, v1;
	v14 =	vld [tilespmem:s24+$0x6B0];
	v12 =	vadd.f32 v21, v12;
	v38 =	vmul.f32 v56, v38  }
0x1dc: {  	v22 =	vld [tilespmem:s24+$0xC6B0];
	v56 =	vadd.f32 v10, v62;
	v62 =	vmul.f32 v15, v39;
	v15 =	vmul.f32 v15, v20  }
0x1dd: {  	v53 =	vld [tilespmem:s24+$0x8660];
	v20 =	vmul.f32 v42, v20;
	v60 =	vperm.xlane v12, v0  }
0x1de: {  	v13 =	vadd.f32 v13, v59;
	v23 =	vld [tilespmem:s24+$0x680];
	v27 =	vmul.f32 v57, v27;
	v35 =	vmul.f32 v3, v35  }
0x1df: {  	v49 =	vld [tilespmem:s24+$0xC690];
	v15 =	vsub.f32 v61, v15;
	v55 =	vperm.xlane v56, v2;
	v57 =	vadd.f32 v11, v63  }
0x1e0: {  	v10 =	vld [tilespmem:s24+$0x660];
	v63 =	vmul.f32 v26, v14;
	v27 =	vadd.f32 v27, v38;
	v33 =	vadd.f32 v35, v33  }
0x1e1: {  	v58 =	vld [tilespmem:s24+$0x640];
	v20 =	vadd.f32 v62, v20;
	v14 =	vmul.f32 v22, v14;
	v22 =	vmul.f32 v22, v40  }
0x1e2: {  	v21 =	vld [tilespmem:s24+$0xC680];
	v12 =	vadd.f32 v12, v60;
	v60 =	vperm.xlane v13, v1;
	v27 =	vadd.f32 v33, v27  }
0x1e3: {  	v42 =	vld [tilespmem:s24+$0x8670];
	v50 =	vmul.f32 v50, v15;
	v48 =	vmul.f32 v48, v20;
	v22 =	vsub.f32 v63, v22  }
0x1e4: {  	v15 =	vld [tilespmem:s24+$0x4670];
	v38 =	vmul.f32 v49, v52;
	v9 =	vperm.xlane v27, v0  }
0x1e5: {  	v54 =	vmul.f32 v54, v22;
	v22 =	vmul.f32 v53, v10;
	v33 =	vld [tilespmem:s24+$0xC670]  }
0x1e6: {  	v51 =	vld [tilespmem:s24+$0x8640];
	v0 =	vperm.xlane v12, v1;
	v27 =	vadd.f32 v27, v9;
	v9 =	vmul.f32 v26, v40  }
0x1e7: {  	v11 =	vld [tilespmem:s24+$0xC660];
	v13 =	vadd.f32 v13, v60;
	v26 =	vmul.f32 v43, v23;
	v23 =	vmul.f32 v21, v23  }
0x1e8: {  	v39 =	vld [tilespmem:s24+$0x4660];
	v21 =	vmul.f32 v21, v41;
	v41 =	vmul.f32 v43, v41  }
0x1e9: {  	v62 =	vld [tilespmem:s24+$0x4640];
	v43 =	vperm.xlane v34, v2;
	v61 =	vadd.f32 v12, v0;
	v12 =	vperm.xlane v13, v2  }
0x1ea: {  	v60 =	vld [tilespmem:s24+$0xC640];
	v0 =	vmul.f32 v33, v15;
	v15 =	vmul.f32 v42, v15  }
0x1eb: {  	v63 =	vld [tilespmem:s24+$0x8650];
	v9 =	vadd.f32 v14, v9;
	v14 =	vperm.xlane v46, v2;
	v20 =	vsub.f32 v26, v21  }
0x1ec: {  	v40 =	vld [tilespmem:s24+$0x670];
	v21 =	vadd.f32 v23, v41;
	v23 =	vperm.xlane v57, v2;
	v26 =	vmul.f32 v11, v10  }
0x1ed: {  	v35 =	vld [tilespmem:s24+$0x8690];
	v11 =	vmul.f32 v11, v39;
	v12 =	vadd.f32 v13, v12;
	v59 =	vmul.f32 v8, v9  }
0x1ee: {  	v41 =	vld [tilespmem:s24+$0x610];
	v20 =	vmul.f32 v6, v20;
	v21 =	vmul.f32 v7, v21;
	v6 =	vadd.f32 v29, v31  }
0x1ef: {  	v7 =	vadd.f32 v37, v45;
	v37 =	vld [tilespmem:s24+$0x650];
	v29 =	vmul.f32 v53, v39;
	v8 =	vadd.f32 v36, v47  }
0x1f0: {  	v53 =	vld [tilespmem:s24+$0xC650];
	v9 =	vadd.f32 v34, v43;
	v11 =	vsub.f32 v22, v11;
	v22 =	vmul.f32 v49, v44  }
0x1f1: {  	v34 =	vld [tilespmem:s24+$0x4650];
	v13 =	vadd.f32 v57, v23;
	v23 =	vmul.f32 v60, v58;
	v31 =	vmul.f32 v42, v40  }
0x1f2: {  	v10 =	vadd.f32 v46, v14;
	v45 =	vld [tilespmem:s24+$0x8600];
	v36 =	vmul.f32 v33, v40;
	v40 =	vperm.xlane v27, v1  }
0x1f3: {  	v46 =	vld [tilespmem:s24+$0x600];
	v33 =	vmul.f32 v35, v44;
	v35 =	vmul.f32 v35, v52;
	v14 =	vadd.f32 v26, v29  }
0x1f4: {  	v39 =	vld [tilespmem:s24+$0x8610];
	v52 =	vperm.xlane v61, v2;
	v29 =	vsub.f32 v31, v0;
	v15 =	vadd.f32 v36, v15  }
0x1f5: {  	v1 =	vld [tilespmem:s24+$0x4600];
	v31 =	vmul.f32 v16, v11;
	v26 =	vmul.f32 v17, v14  }
0x1f6: {  	v0 =	vld [tilespmem:s24+$0xC600];
	v16 =	vmul.f32 v18, v29;
	v17 =	vmul.f32 v19, v15  }
0x1f7: {  	v43 =	vld [tilespmem:s24+$0x4610];
	v15 =	vmul.f32 v51, v58;
	v18 =	vmul.f32 v60, v62  }
0x1f8: {  	v42 =	vld [tilespmem:s24+$0xC610];
	v11 =	vadd.f32 v56, v55;
	v19 =	vmul.f32 v51, v62;
	v57 =	vmul.f32 v63, v37  }
0x1f9: {  	v44 =	vld [tilespmem:s24+$0x620];
	v14 =	vadd.f32 v61, v52;
	v58 =	vmul.f32 v53, v34;
	v60 =	vmul.f32 v45, v46  }
0x1fa: {  	v29 =	vld [tilespmem:s24+$0x8620];
	v36 =	vmul.f32 v45, v1;
	v18 =	vsub.f32 v15, v18;
	v19 =	vadd.f32 v23, v19  }
0x1fb: {  	v45 =	vld [tilespmem:s24+$0xC620];
	v15 =	vadd.f32 v27, v40;
	v61 =	vmul.f32 v0, v46;
	v47 =	vmul.f32 v0, v1  }
0x1fc: {  	v49 =	vsub.f32 v57, v58;
	v27 =	vmul.f32 v53, v37;
	v40 =	vld [tilespmem:s24+$0x8630];
	v23 =	vmul.f32 v24, v18  }
0x1fd: {  	v46 =	vld [tilespmem:s24+$0x4620];
	v24 =	vmul.f32 v28, v19;
	v19 =	vsub.f32 v60, v47;
	v62 =	vadd.f32 v61, v36  }
0x1fe: {  	v25 =	vmul.f32 v25, v49;
	v18 =	vadd.f32 v48, v50;
	v36 =	vmul.f32 v63, v34;
	v47 =	vld [tilespmem:s24+$0x630]  }
0x1ff: {  	s26 =	simm.s32 $0x1000;
	s25 =	simm.s32 $0x18600;
	v28 =	vmul.f32 v32, v19;
	v30 =	vmul.f32 v30, v62;
	v19 =	vadd.f32 v59, v54;
	v32 =	vld [tilespmem:s24+$0xC630]  }
.LBB2_2:
0x200: {  	v52 =	vld [tilespmem:s24+$0x4630];
	v20 =	vadd.f32 v21, v20;
	v22 =	vadd.f32 v22, v35;
	v34 =	vmul.f32 v39, v41  }
0x201: {  	v26 =	vadd.f32 v26, v31;
	v37 =	vmul.f32 v42, v41;
	v21 =	vmul.f32 v42, v43  }
0x202: {  	v54 =	vld [tilespmem:s24+$0x10620];
	v33 =	vsub.f32 v33, v38;
	v53 =	vmul.f32 v39, v43;
	v56 =	vmul.f32 v29, v44  }
0x203: {  	v55 =	vld [tilespmem:s24+$0x14620];
	v27 =	vadd.f32 v27, v36;
	v57 =	vmul.f32 v45, v44;
	v29 =	vmul.f32 v29, v46  }
0x204: {  	v58 =	vld [tilespmem:s24+$0x10630];
	v16 =	vadd.f32 v17, v16;
	v60 =	vmul.f32 v40, v47;
	v61 =	vmul.f32 v32, v47  }
0x205: {  	v31 =	vld [tilespmem:s24+$0x14630];
	v62 =	vmul.f32 v32, v52;
	v63 =	vmul.f32 v40, v52;
	v21 =	vsub.f32 v34, v21  }
0x206: {  	v0 =	vld [tilespmem:s24+$0x14650];
	v59 =	vmul.f32 v45, v46;
	v37 =	vadd.f32 v37, v53;
	v29 =	vadd.f32 v57, v29  }
0x207: {  	v1 =	vld [tilespmem:s24+$0x10690];
	v32 =	vsub.f32 v60, v62;
	v2 =	vadd.f32 v61, v63  }
0x208: {  	v43 =	vld [tilespmem:s24+$0x14690];
	v4 =	vmul.f32 v4, v21;
	v21 =	vsub.f32 v56, v59;
	v5 =	vmul.f32 v5, v37  }
0x209: {  	v17 =	vadd.f32 v30, v28;
	v29 =	vmul.f32 v55, v29;
	v32 =	vmul.f32 v58, v32  }
0x20a: {  	v23 =	vadd.f32 v24, v23;
	v31 =	vmul.f32 v31, v2;
	v21 =	vmul.f32 v54, v21  }
0x20b: {  	v30 =	vld [tilespmem:$0x1FFC0];
	v16 =	vadd.f32 v16, v26;
	v4 =	vadd.f32 v5, v4;
	v5 =	vmul.f32 v0, v27  }
0x20c: {  	v27 =	vadd.f32 v31, v32;
	v21 =	vadd.f32 v29, v21  }
0x20d: {  	v28 =	vmul.f32 v1, v33;
	v22 =	vmul.f32 v43, v22;
	v0 =	vld [tilespmem:$0x1FFE0];
	v5 =	vadd.f32 v5, v25  }
0x20e: {  	v4 =	vadd.f32 v4, v17;
	v17 =	vadd.f32 v27, v21  }
0x20f: {  	v26 =	vld [tilespmem:$0x1FFD0];
	v5 =	vadd.f32 v5, v23;
	v21 =	vadd.f32 v22, v28  }
0x210: {  	v18 =	vadd.f32 v19, v18;
	v23 =	vperm.xlane v4, v30;
	v24 =	vperm.xlane v17, v30  }
0x211: {  	v19 =	vperm.xlane v16, v30;
	v25 =	vperm.xlane v5, v30;
	v20 =	vadd.f32 v21, v20  }
0x212: {  	v22 =	vperm.xlane v15, v0;
	v4 =	vadd.f32 v4, v23;
	v17 =	vadd.f32 v17, v24  }
0x213: {  	v23 =	vperm.xlane v18, v30;
	v5 =	vadd.f32 v5, v25;
	v21 =	vperm.xlane v20, v30  }
0x214: {  	v16 =	vadd.f32 v16, v19;
	v24 =	vperm.xlane v4, v26;
	v25 =	vperm.xlane v17, v26  }
0x215: {  	v18 =	vadd.f32 v18, v23;
	v19 =	vperm.xlane v5, v26;
	v20 =	vadd.f32 v20, v21  }
0x216: {  	v4 =	vadd.f32 v4, v24;
	v21 =	vperm.xlane v16, v26;
	v17 =	vadd.f32 v17, v25  }
0x217: {  	v44 =	vld [tilespmem:$0x1FFF0];
	v23 =	vperm.xlane v18, v26;
	v5 =	vadd.f32 v5, v19;
	v19 =	vperm.xlane v20, v26  }
0x218: {  	v24 =	vperm.xlane v4, v0;
	v16 =	vadd.f32 v16, v21;
	v25 =	vperm.xlane v17, v0  }
0x219: {  	v18 =	vadd.f32 v18, v23;
	v21 =	vperm.xlane v5, v0;
	v19 =	vadd.f32 v20, v19  }
0x21a: {  	v4 =	vadd.f32 v4, v24;
	v20 =	vperm.xlane v16, v0;
	v17 =	vadd.f32 v17, v25  }
0x21b: {  	v23 =	vperm.xlane v18, v0;
	v5 =	vadd.f32 v5, v21;
	v21 =	vperm.xlane v19, v0  }
0x21c: {  	v24 =	vperm.xlane v4, v44;
	v16 =	vadd.f32 v16, v20;
	v25 =	vperm.xlane v17, v44  }
0x21d: {  	v18 =	vadd.f32 v18, v23;
	v20 =	vperm.xlane v5, v44;
	v19 =	vadd.f32 v19, v21  }
0x21e: {  	v4 =	vadd.f32 v4, v24;
	v21 =	vperm.xlane v16, v44;
	v17 =	vadd.f32 v17, v25  }
0x21f: {  	v15 =	vadd.f32 v15, v22;
	v5 =	vadd.f32 v5, v20;
	v20 =	vperm.xlane v19, v44  }
0x220: {  	v16 =	vadd.f32 v16, v21;
	v4 =	vsel vm0, v4, v17;
	v17 =	vperm.xlane v18, v44  }
0x221: {  	v4 =	vsel vm1, v4, v5;
	v5 =	vadd.f32 v19, v20;
	v19 =	vperm.xlane v15, v44  }
0x222: {  	v4 =	vsel vm2, v4, v16;
	v16 =	vadd.f32 v18, v17;
	v17 =	vperm.xlane v14, v44  }
0x223: {  	v4 =	vsel vm3, v4, v5;
	v5 =	vadd.f32 v15, v19;
	v15 =	vperm.xlane v13, v44  }
0x224: {  	v4 =	vsel vm4, v4, v16;
	v14 =	vadd.f32 v14, v17;
	v16 =	vperm.xlane v12, v44  }
0x225: {  	v4 =	vsel vm5, v4, v5;
	v5 =	vadd.f32 v13, v15;
	v13 =	vperm.xlane v11, v44  }
0x226: {  	v4 =	vsel vm6, v4, v14;
	v12 =	vadd.f32 v12, v16;
	v14 =	vperm.xlane v10, v44  }
0x227: {  	v4 =	vsel vm7, v4, v5;
	v5 =	vadd.f32 v11, v13;
	v11 =	vperm.xlane v9, v44  }
0x228: {  	v4 =	vsel vm8, v4, v12;
	v10 =	vadd.f32 v10, v14;
	v12 =	vperm.xlane v8, v44  }
0x229: {  	v4 =	vsel vm9, v4, v5;
	v5 =	vadd.f32 v9, v11;
	v9 =	vperm.xlane v7, v44  }
0x22a: {  	v4 =	vsel vm10, v4, v10;
	v8 =	vadd.f32 v8, v12;
	v10 =	vperm.xlane v6, v44  }
0x22b: {  	v4 =	vsel vm11, v4, v5;
	v5 =	vadd.f32 v7, v9  }
0x22c: {  	v4 =	vsel vm12, v4, v8;
	v6 =	vadd.f32 v6, v10  }
0x22d: {  	v4 =	vsel vm13, v4, v5  }
0x22e: {  	s25 =	sadd.s32 $0x10, s25;
	v4 =	vsel vm14, v4, v6  }
0x22f: {  	s24 =	sshra.s32 s26, $0x2;
	[tilespmem:s25+$0x0] =	vst v4  }
0x230: {  	v14 =	vld [tilespmem:s24+$0x107E0]  }
0x231: {  	v17 =	vld [tilespmem:s24+$0x147E0]  }
0x232: {  	v31 =	vld [tilespmem:s24+$0x107F0]  }
0x233: {  	v25 =	vld [tilespmem:s24+$0x147F0]  }
0x234: {  	v18 =	vld [tilespmem:s24+$0x107C0]  }
0x235: {  	v16 =	vld [tilespmem:s24+$0x147C0]  }
0x236: {  	v20 =	vld [tilespmem:s24+$0x107D0]  }
0x237: {  	v19 =	vld [tilespmem:s24+$0x147D0]  }
0x238: {  	v22 =	vld [tilespmem:s24+$0x107A0]  }
0x239: {  	v21 =	vld [tilespmem:s24+$0x147A0]  }
0x23a: {  	v24 =	vld [tilespmem:s24+$0x107B0]  }
0x23b: {  	v23 =	vld [tilespmem:s24+$0x147B0]  }
0x23c: {  	v28 =	vld [tilespmem:s24+$0x10780]  }
0x23d: {  	v27 =	vld [tilespmem:s24+$0x14780]  }
0x23e: {  	v32 =	vld [tilespmem:s24+$0x10790]  }
0x23f: {  	v29 =	vld [tilespmem:s24+$0x14790]  }
0x240: {  	v36 =	vld [tilespmem:s24+$0x10760]  }
0x241: {  	v40 =	vld [tilespmem:s24+$0x14760]  }
0x242: {  	v37 =	vld [tilespmem:s24+$0x10770]  }
0x243: {  	v43 =	vld [tilespmem:s24+$0x14770]  }
0x244: {  	v34 =	vld [tilespmem:s24+$0x10740]  }
0x245: {  	v38 =	vld [tilespmem:s24+$0x14740]  }
0x246: {  	v35 =	vld [tilespmem:s24+$0x10750]  }
0x247: {  	v39 =	vld [tilespmem:s24+$0x14750]  }
0x248: {  	v13 =	vld [tilespmem:s24+$0x87E0]  }
0x249: {  	v15 =	vld [tilespmem:s24+$0x7E0]  }
0x24a: {  	v41 =	vld [tilespmem:s24+$0xC7E0]  }
0x24b: {  	v48 =	vld [tilespmem:s24+$0x47E0]  }
0x24c: {  	v49 =	vld [tilespmem:s24+$0x87F0]  }
0x24d: {  	v50 =	vld [tilespmem:s24+$0x7F0]  }
0x24e: {  	v54 =	vld [tilespmem:s24+$0xC7F0]  }
0x24f: {  	v55 =	vld [tilespmem:s24+$0x47F0]  }
0x250: {  	v45 =	vld [tilespmem:s24+$0x10720]  }
0x251: {  	v46 =	vld [tilespmem:s24+$0x14720]  }
0x252: {  	v47 =	vld [tilespmem:s24+$0x10730]  }
0x253: {  	v51 =	vld [tilespmem:s24+$0x14730]  }
0x254: {  	v56 =	vld [tilespmem:s24+$0x87C0]  }
0x255: {  	v57 =	vld [tilespmem:s24+$0x7C0]  }
0x256: {  	v58 =	vld [tilespmem:s24+$0xC7C0]  }
0x257: {  	v59 =	vld [tilespmem:s24+$0x47C0]  }
0x258: {  	v60 =	vld [tilespmem:s24+$0x87D0]  }
0x259: {  	v61 =	vld [tilespmem:s24+$0x7D0]  }
0x25a: {  	v62 =	vld [tilespmem:s24+$0xC7D0]  }
0x25b: {  	v63 =	vld [tilespmem:s24+$0x47D0]  }
0x25c: {  	v52 =	vld [tilespmem:s24+$0x10700]  }
0x25d: {  	v33 =	vld [tilespmem:s24+$0x14700]  }
0x25e: {  	v53 =	vld [tilespmem:s24+$0x10710]  }
0x25f: {  	v42 =	vld [tilespmem:s24+$0x14710]  }
0x260: {  	v10 =	vld [tilespmem:s24+$0x87A0]  }
0x261: {  	v4 =	vld [tilespmem:s24+$0x7A0]  }
0x262: {  	v7 =	vld [tilespmem:s24+$0xC7A0]  }
0x263: {  	v5 =	vld [tilespmem:s24+$0x47A0]  }
0x264: {  	v11 =	vld [tilespmem:s24+$0x87B0]  }
0x265: {  	v6 =	vld [tilespmem:s24+$0x7B0]  }
0x266: {  	v9 =	vld [tilespmem:s24+$0xC7B0]  }
0x267: {  	v8 =	vld [tilespmem:s24+$0x47B0]  }
0x268: {  	v44 =	vld [tilespmem:s24+$0x106E0]  }
0x269: {  	v12 =	vld [tilespmem:s24+$0x4760]  }
0x26a: {  	[tilespmem:$0x1FCD0] =	vst v45;
	v45 =	vld [tilespmem:s24+$0x146E0]  }
0x26b: {  	[tilespmem:$0x1FCE0] =	vst v46;
	v46 =	vld [tilespmem:s24+$0x106F0]  }
0x26c: {  	[tilespmem:$0x1FCF0] =	vst v47;
	v47 =	vld [tilespmem:s24+$0x146F0]  }
0x26d: {  	[tilespmem:$0x1FD40] =	vst v44;
	v44 =	vld [tilespmem:s24+$0x8780]  }
0x26e: {  	[tilespmem:$0x1FD30] =	vst v42;
	v42 =	vld [tilespmem:s24+$0x8790]  }
0x26f: {  	[tilespmem:$0x1FD00] =	vst v51;
	v0 =	vmul.f32 v13, v15;
	v15 =	vmul.f32 v41, v15;
	v51 =	vld [tilespmem:s24+$0x790]  }
0x270: {  	[tilespmem:$0x1FD10] =	vst v52;
	v41 =	vmul.f32 v41, v48;
	v13 =	vmul.f32 v13, v48;
	v52 =	vld [tilespmem:s24+$0xC790]  }
0x271: {  	[tilespmem:$0x1FD20] =	vst v53;
	v53 =	vld [tilespmem:s24+$0x4790]  }
0x272: {  	v2 =	vmul.f32 v58, v57;
	v0 =	vsub.f32 v0, v41;
	v48 =	vadd.f32 v15, v13;
	v13 =	vld [tilespmem:s24+$0x106C0]  }
0x273: {  	v1 =	vmul.f32 v60, v61;
	v61 =	vmul.f32 v62, v61;
	v15 =	vld [tilespmem:s24+$0x146C0]  }
0x274: {  	v62 =	vmul.f32 v62, v63;
	v3 =	vmul.f32 v14, v0;
	v14 =	vld [tilespmem:s24+$0x106D0]  }
0x275: {  	v41 =	vmul.f32 v17, v48;
	v48 =	vmul.f32 v49, v50;
	v17 =	vld [tilespmem:s24+$0x146D0]  }
0x276: {  	v50 =	vmul.f32 v54, v50;
	v0 =	vmul.f32 v54, v55;
	v54 =	vld [tilespmem:s24+$0x8760]  }
0x277: {  	v1 =	vsub.f32 v1, v62;
	v49 =	vmul.f32 v49, v55;
	v55 =	vmul.f32 v56, v57;
	v57 =	vld [tilespmem:s24+$0x760]  }
0x278: {  	v58 =	vmul.f32 v58, v59;
	v59 =	vmul.f32 v56, v59;
	v56 =	vld [tilespmem:s24+$0xC760]  }
0x279: {  	v20 =	vmul.f32 v20, v1;
	v1 =	vld [tilespmem:s24+$0x146A0]  }
0x27a: {  	[tilespmem:$0x1FD60] =	vst v46;
	v46 =	vld [tilespmem:s24+$0x780]  }
0x27b: {  	[tilespmem:$0x1FD50] =	vst v45;
	v45 =	vld [tilespmem:s24+$0xC780]  }
0x27c: {  	[tilespmem:$0x1FD70] =	vst v47;
	v47 =	vld [tilespmem:s24+$0x4780]  }
0x27d: {  	v2 =	vadd.f32 v2, v59;
	v0 =	vsub.f32 v48, v0;
	v48 =	vld [tilespmem:s24+$0x8770]  }
0x27e: {  	v60 =	vmul.f32 v60, v63;
	v58 =	vsub.f32 v55, v58;
	v55 =	vld [tilespmem:s24+$0x770]  }
0x27f: {  	v2 =	vmul.f32 v16, v2;
	v49 =	vadd.f32 v50, v49;
	v50 =	vld [tilespmem:s24+$0x4770]  }
0x280: {  	v16 =	vadd.f32 v41, v3;
	v3 =	vld [tilespmem:s24+$0x106A0];
	v0 =	vmul.f32 v31, v0;
	v31 =	vadd.f32 v61, v60  }
0x281: {  	v25 =	vmul.f32 v25, v49;
	v49 =	vld [tilespmem:s24+$0xC770]  }
0x282: {  	v18 =	vmul.f32 v18, v58;
	v58 =	vld [tilespmem:s24+$0x740];
	v19 =	vmul.f32 v19, v31  }
0x283: {  	v60 =	vld [tilespmem:$0x1FFE0];
	v0 =	vadd.f32 v25, v0;
	v25 =	vmul.f32 v10, v4;
	v4 =	vmul.f32 v7, v4  }
0x284: {  	v7 =	vmul.f32 v7, v5;
	v5 =	vmul.f32 v10, v5;
	v18 =	vadd.f32 v2, v18;
	v2 =	vld [tilespmem:s24+$0x146B0]  }
0x285: {  	v31 =	vmul.f32 v44, v46;
	v62 =	vmul.f32 v45, v46;
	v46 =	vld [tilespmem:s24+$0x720]  }
0x286: {  	v45 =	vmul.f32 v45, v47;
	v44 =	vmul.f32 v44, v47;
	v47 =	vld [tilespmem:s24+$0xC720]  }
0x287: {  	v10 =	vadd.f32 v0, v16;
	v0 =	vld [tilespmem:s24+$0x106B0];
	v16 =	vmul.f32 v11, v6;
	v6 =	vmul.f32 v9, v6  }
0x288: {  	v9 =	vmul.f32 v9, v8;
	v8 =	vmul.f32 v11, v8;
	v11 =	vadd.f32 v19, v20;
	v20 =	vld [tilespmem:s24+$0x8740]  }
0x289: {  	v7 =	vsub.f32 v25, v7;
	v19 =	vld [tilespmem:s24+$0x14680]  }
0x28a: {  	v4 =	vadd.f32 v4, v5;
	v41 =	vadd.f32 v62, v44;
	v44 =	vld [tilespmem:s24+$0x730]  }
0x28b: {  	v9 =	vsub.f32 v16, v9;
	v6 =	vadd.f32 v6, v8;
	v8 =	vld [tilespmem:s24+$0xC740]  }
0x28c: {  	v45 =	vsub.f32 v31, v45;
	v7 =	vmul.f32 v22, v7;
	v4 =	vmul.f32 v21, v4;
	v21 =	vld [tilespmem:s24+$0x8750]  }
0x28d: {  	v16 =	vadd.f32 v11, v18;
	v22 =	vld [tilespmem:s24+$0x750];
	v9 =	vmul.f32 v24, v9;
	v6 =	vmul.f32 v23, v6  }
0x28e: {  	v5 =	vperm.xlane v10, v30;
	v18 =	vld [tilespmem:s24+$0x10680];
	v28 =	vmul.f32 v28, v45  }
0x28f: {  	v45 =	vld [tilespmem:s24+$0x4730];
	v4 =	vadd.f32 v4, v7;
	v7 =	vperm.xlane v16, v30;
	v6 =	vadd.f32 v6, v9  }
0x290: {  	v27 =	vmul.f32 v27, v41;
	v5 =	vadd.f32 v10, v5;
	v10 =	vld [tilespmem:s24+$0x4740]  }
0x291: {  	v24 =	vld [tilespmem:s24+$0x8720];
	v4 =	vadd.f32 v6, v4;
	v6 =	vadd.f32 v16, v7  }
0x292: {  	v28 =	vadd.f32 v27, v28;
	v27 =	vld [tilespmem:s24+$0x10670];
	v11 =	vperm.xlane v5, v26  }
0x293: {  	v9 =	vld [tilespmem:s24+$0xC750];
	v23 =	vperm.xlane v6, v26  }
0x294: {  	v11 =	vadd.f32 v5, v11;
	v5 =	vld [tilespmem:s24+$0x4750];
	v7 =	vperm.xlane v4, v30  }
0x295: {  	v63 =	vmul.f32 v42, v51;
	v51 =	vmul.f32 v52, v51;
	v25 =	vadd.f32 v6, v23;
	v6 =	vld [tilespmem:s24+$0x4720]  }
0x296: {  	v42 =	vmul.f32 v42, v53;
	v23 =	vmul.f32 v52, v53;
	v4 =	vadd.f32 v4, v7;
	v7 =	vld [tilespmem:s24+$0x8730]  }
0x297: {  	v62 =	vmul.f32 v54, v57;
	v59 =	vmul.f32 v8, v58;
	v52 =	vld [tilespmem:s24+$0xC730]  }
0x298: {  	v8 =	vmul.f32 v8, v10;
	v53 =	vld [tilespmem:s24+$0x4710];
	v23 =	vsub.f32 v63, v23;
	v63 =	vmul.f32 v56, v57  }
0x299: {  	v56 =	vmul.f32 v56, v12;
	v12 =	vmul.f32 v54, v12;
	v54 =	vld [tilespmem:s24+$0xC700]  }
0x29a: {  	v42 =	vadd.f32 v51, v42;
	v10 =	vmul.f32 v20, v10;
	v57 =	vmul.f32 v20, v58;
	v20 =	vld [tilespmem:s24+$0xC710]  }
0x29b: {  	v51 =	vperm.xlane v4, v26;
	v58 =	vld [tilespmem:$0x1FCD0]  }
0x29c: {  	v29 =	vmul.f32 v29, v42;
	v61 =	vmul.f32 v32, v23;
	v23 =	vld [tilespmem:s24+$0x10660]  }
0x29d: {  	v41 =	vadd.f32 v4, v51;
	v51 =	vld [tilespmem:s24+$0x700]  }
0x29e: {  	v4 =	vmul.f32 v49, v50;
	v62 =	vsub.f32 v62, v56;
	v32 =	vadd.f32 v29, v61;
	v29 =	vld [tilespmem:s24+$0x14670]  }
0x29f: {  	v12 =	vadd.f32 v63, v12;
	v61 =	vmul.f32 v48, v55;
	v55 =	vmul.f32 v49, v55;
	v49 =	vld [tilespmem:s24+$0x8700]  }
0x2a0: {  	v48 =	vmul.f32 v48, v50;
	v50 =	vld [tilespmem:s24+$0x4700]  }
0x2a1: {  	v36 =	vmul.f32 v36, v62;
	v12 =	vmul.f32 v40, v12;
	v40 =	vld [tilespmem:s24+$0x14640]  }
0x2a2: {  	v62 =	vmul.f32 v47, v6;
	v48 =	vadd.f32 v55, v48;
	v55 =	vld [tilespmem:s24+$0x710]  }
0x2a3: {  	v4 =	vsub.f32 v61, v4;
	v12 =	vadd.f32 v12, v36;
	v61 =	vmul.f32 v21, v22;
	v36 =	vld [tilespmem:s24+$0x10640]  }
0x2a4: {  	v28 =	vadd.f32 v32, v28;
	v22 =	vmul.f32 v9, v22;
	v9 =	vmul.f32 v9, v5;
	[tilespmem:$0x1FD80] =	vst v23;
	v23 =	vld [tilespmem:s24+$0x14660]  }
0x2a5: {  	v5 =	vmul.f32 v21, v5;
	v32 =	vmul.f32 v43, v48;
	v43 =	vld [tilespmem:s24+$0x8710]  }
0x2a6: {  	v63 =	vperm.xlane v28, v30;
	v4 =	vmul.f32 v37, v4;
	v9 =	vsub.f32 v61, v9;
	v37 =	vld [tilespmem:s24+$0x10650]  }
0x2a7: {  	v5 =	vadd.f32 v22, v5;
	v48 =	vld [tilespmem:s24+$0x86F0];
	v56 =	vmul.f32 v49, v51;
	v51 =	vmul.f32 v54, v51  }
0x2a8: {  	v61 =	vld [tilespmem:$0x1FD20];
	v54 =	vmul.f32 v54, v50;
	v49 =	vmul.f32 v49, v50  }
0x2a9: {  	v50 =	vld [tilespmem:s24+$0xC6C0];
	v9 =	vmul.f32 v35, v9;
	v35 =	vmul.f32 v39, v5  }
0x2aa: {  	v28 =	vadd.f32 v28, v63;
	v39 =	vld [tilespmem:s24+$0x6E0];
	v63 =	vmul.f32 v7, v44;
	v44 =	vmul.f32 v52, v44  }
0x2ab: {  	v4 =	vadd.f32 v32, v4;
	v52 =	vmul.f32 v52, v45;
	v7 =	vmul.f32 v7, v45;
	v45 =	vld [tilespmem:s24+$0x6F0]  }
0x2ac: {  	v6 =	vmul.f32 v24, v6;
	v5 =	vmul.f32 v47, v46;
	v49 =	vadd.f32 v51, v49;
	v51 =	vld [tilespmem:s24+$0x4690]  }
0x2ad: {  	v12 =	vadd.f32 v4, v12;
	v4 =	vsub.f32 v57, v8;
	v57 =	vld [tilespmem:s24+$0xC6F0]  }
0x2ae: {  	v5 =	vadd.f32 v5, v6;
	v6 =	vld [tilespmem:s24+$0x46F0]  }
0x2af: {  	v47 =	vsub.f32 v63, v52;
	v63 =	vld [tilespmem:s24+$0x10600]  }
0x2b0: {  	v9 =	vadd.f32 v35, v9;
	v35 =	vld [tilespmem:s24+$0x6C0]  }
0x2b1: {  	v8 =	vadd.f32 v59, v10;
	v52 =	vld [tilespmem:$0x1FD30]  }
0x2b2: {  	v32 =	vmul.f32 v33, v49;
	v49 =	vld [tilespmem:s24+$0xC690];
	v22 =	vmul.f32 v34, v4  }
0x2b3: {  	v8 =	vmul.f32 v38, v8;
	v38 =	vld [tilespmem:s24+$0x86E0];
	v4 =	vmul.f32 v24, v46  }
0x2b4: {  	v46 =	vld [tilespmem:s24+$0xC6E0]  }
0x2b5: {  	v21 =	vperm.xlane v12, v30;
	v24 =	vld [tilespmem:s24+$0x46E0];
	v4 =	vsub.f32 v4, v62  }
0x2b6: {  	v34 =	vld [tilespmem:s24+$0x14600]  }
0x2b7: {  	v12 =	vadd.f32 v12, v21;
	v21 =	vmul.f32 v43, v55;
	v59 =	vmul.f32 v58, v4;
	v4 =	vld [tilespmem:$0x1FCE0]  }
0x2b8: {  	v55 =	vmul.f32 v20, v55;
	v8 =	vadd.f32 v8, v22;
	v22 =	vld [tilespmem:s24+$0x86C0];
	v20 =	vmul.f32 v20, v53  }
0x2b9: {  	v43 =	vmul.f32 v43, v53;
	v53 =	vld [tilespmem:s24+$0x46D0]  }
0x2ba: {  	v20 =	vsub.f32 v21, v20;
	v21 =	vld [tilespmem:s24+$0x86D0]  }
0x2bb: {  	v16 =	vperm.xlane v11, v60;
	v33 =	vadd.f32 v55, v43;
	v43 =	vld [tilespmem:s24+$0x6D0]  }
0x2bc: {  	v31 =	vperm.xlane v25, v60;
	v62 =	vsub.f32 v56, v54;
	v54 =	vmul.f32 v4, v5;
	v4 =	vld [tilespmem:$0x1FCF0]  }
0x2bd: {  	v42 =	vperm.xlane v41, v60;
	v10 =	vperm.xlane v28, v26;
	v55 =	vld [tilespmem:$0x1FD50]  }
0x2be: {  	v7 =	vadd.f32 v44, v7;
	v58 =	vmul.f32 v48, v45;
	v45 =	vmul.f32 v57, v45;
	v5 =	vld [tilespmem:$0x1FD10]  }
0x2bf: {  	v8 =	vadd.f32 v9, v8;
	v9 =	vld [tilespmem:s24+$0x86A0];
	v56 =	vmul.f32 v38, v39;
	v39 =	vmul.f32 v46, v39  }
0x2c0: {  	v46 =	vmul.f32 v46, v24;
	v24 =	vmul.f32 v38, v24;
	v44 =	vadd.f32 v54, v59;
	v54 =	vld [tilespmem:$0x1FD40]  }
0x2c1: {  	v28 =	vadd.f32 v28, v10;
	v20 =	vmul.f32 v61, v20;
	v47 =	vmul.f32 v4, v47;
	v4 =	vld [tilespmem:$0x1FD00]  }
0x2c2: {  	v33 =	vmul.f32 v52, v33;
	v24 =	vadd.f32 v39, v24;
	v59 =	vmul.f32 v57, v6;
	v57 =	vld [tilespmem:$0x1FD70]  }
0x2c3: {  	v46 =	vsub.f32 v56, v46;
	v6 =	vmul.f32 v48, v6;
	v10 =	vmul.f32 v5, v62;
	v62 =	vld [tilespmem:s24+$0xC6D0]  }
0x2c4: {  	v38 =	vld [tilespmem:s24+$0x46C0];
	v24 =	vmul.f32 v55, v24;
	v61 =	vmul.f32 v21, v43  }
0x2c5: {  	v56 =	vld [tilespmem:$0x1FD60];
	v21 =	vmul.f32 v21, v53;
	v6 =	vadd.f32 v45, v6;
	v46 =	vmul.f32 v54, v46  }
0x2c6: {  	v20 =	vadd.f32 v33, v20;
	v33 =	vld [tilespmem:s24+$0x46A0];
	v55 =	vperm.xlane v8, v30;
	v7 =	vmul.f32 v4, v7  }
0x2c7: {  	v48 =	vld [tilespmem:s24+$0xC6B0];
	v6 =	vmul.f32 v57, v6;
	v10 =	vadd.f32 v32, v10;
	v24 =	vadd.f32 v24, v46  }
0x2c8: {  	v5 =	vld [tilespmem:s24+$0x14610];
	v43 =	vmul.f32 v62, v43;
	v39 =	vmul.f32 v62, v53;
	v7 =	vadd.f32 v7, v47  }
0x2c9: {  	v62 =	vld [tilespmem:s24+$0x6B0];
	v47 =	vsub.f32 v58, v59;
	v58 =	vmul.f32 v22, v35;
	v35 =	vmul.f32 v50, v35  }
0x2ca: {  	v46 =	vld [tilespmem:s24+$0x86B0];
	v10 =	vadd.f32 v20, v10;
	v59 =	vmul.f32 v50, v38;
	v22 =	vmul.f32 v22, v38  }
0x2cb: {  	v38 =	vsub.f32 v61, v39;
	v21 =	vadd.f32 v43, v21;
	v43 =	vld [tilespmem:s24+$0x46B0];
	v47 =	vmul.f32 v56, v47  }
0x2cc: {  	v20 =	vld [tilespmem:s24+$0x8680];
	v54 =	vsub.f32 v58, v59;
	v22 =	vadd.f32 v35, v22;
	v35 =	vperm.xlane v28, v60  }
0x2cd: {  	v8 =	vadd.f32 v8, v55;
	v14 =	vmul.f32 v14, v38;
	v17 =	vmul.f32 v17, v21;
	v21 =	vld [tilespmem:s24+$0x680]  }
0x2ce: {  	v7 =	vadd.f32 v7, v44;
	v38 =	vld [tilespmem:s24+$0xC680];
	v45 =	vmul.f32 v48, v62;
	v13 =	vmul.f32 v13, v54  }
0x2cf: {  	v32 =	vld [tilespmem:s24+$0xC6A0];
	v6 =	vadd.f32 v6, v47;
	v15 =	vmul.f32 v15, v22;
	v22 =	vperm.xlane v10, v30  }
0x2d0: {  	v14 =	vadd.f32 v17, v14;
	v17 =	vld [tilespmem:s24+$0x4680];
	v48 =	vmul.f32 v48, v43;
	v43 =	vmul.f32 v46, v43  }
0x2d1: {  	v4 =	vld [tilespmem:s24+$0x10610];
	v6 =	vadd.f32 v6, v24;
	v24 =	vperm.xlane v7, v30;
	v13 =	vadd.f32 v15, v13  }
0x2d2: {  	v39 =	vld [tilespmem:s24+$0xC660];
	v10 =	vadd.f32 v10, v22;
	v22 =	vperm.xlane v12, v26;
	v61 =	vmul.f32 v20, v21  }
0x2d3: {  	v44 =	vld [tilespmem:s24+$0x6A0];
	v21 =	vmul.f32 v38, v21;
	v15 =	vperm.xlane v6, v30;
	v7 =	vadd.f32 v7, v24  }
0x2d4: {  	v59 =	vld [tilespmem:s24+$0x670];
	v13 =	vadd.f32 v14, v13;
	v14 =	vperm.xlane v8, v26;
	v56 =	vperm.xlane v10, v26  }
0x2d5: {  	v24 =	vld [tilespmem:s24+$0x8690];
	v12 =	vadd.f32 v12, v22;
	v38 =	vmul.f32 v38, v17;
	v17 =	vmul.f32 v20, v17  }
0x2d6: {  	v6 =	vadd.f32 v6, v15;
	v15 =	vld [tilespmem:s24+$0x690];
	v57 =	vperm.xlane v7, v26;
	v14 =	vadd.f32 v8, v14  }
0x2d7: {  	v22 =	vperm.xlane v13, v30;
	v52 =	vadd.f32 v10, v56;
	v8 =	vld [tilespmem:s24+$0x8660];
	v17 =	vadd.f32 v21, v17  }
0x2d8: {  	v10 =	vperm.xlane v12, v60;
	v58 =	vperm.xlane v6, v26;
	v47 =	vadd.f32 v7, v57;
	v7 =	vld [tilespmem:s24+$0x660]  }
0x2d9: {  	v53 =	vadd.f32 v13, v22;
	v13 =	vperm.xlane v14, v60;
	v21 =	vmul.f32 v19, v17;
	v19 =	vld [tilespmem:s24+$0xC650]  }
0x2da: {  	v54 =	vperm.xlane v52, v60;
	v22 =	vmul.f32 v32, v44;
	v50 =	vadd.f32 v6, v58;
	v58 =	vld [tilespmem:s24+$0x4660]  }
0x2db: {  	v32 =	vmul.f32 v32, v33;
	v6 =	vmul.f32 v9, v44;
	v44 =	vld [tilespmem:s24+$0x8670]  }
0x2dc: {  	v9 =	vmul.f32 v9, v33;
	v33 =	vmul.f32 v46, v62;
	v46 =	vld [tilespmem:s24+$0x4670]  }
0x2dd: {  	v55 =	vperm.xlane v47, v60;
	v56 =	vperm.xlane v53, v26;
	v62 =	vld [tilespmem:s24+$0x640]  }
0x2de: {  	v57 =	vperm.xlane v50, v60;
	v60 =	vld [tilespmem:s24+$0xC670];
	v6 =	vsub.f32 v6, v32;
	v9 =	vadd.f32 v22, v9  }
0x2df: {  	v32 =	vld [tilespmem:s24+$0x8640];
	v20 =	vsub.f32 v33, v48;
	v22 =	vadd.f32 v45, v43;
	v33 =	vmul.f32 v24, v15  }
0x2e0: {  	v45 =	vld [tilespmem:s24+$0xC640];
	v3 =	vmul.f32 v3, v6;
	v1 =	vmul.f32 v1, v9  }
0x2e1: {  	v48 =	vld [tilespmem:s24+$0x4640];
	v6 =	vsub.f32 v61, v38;
	v0 =	vmul.f32 v0, v20;
	v2 =	vmul.f32 v2, v22  }
0x2e2: {  	v43 =	vld [tilespmem:s24+$0x4610];
	v22 =	vmul.f32 v49, v15;
	v15 =	vmul.f32 v39, v7  }
0x2e3: {  	v61 =	vld [tilespmem:s24+$0x8650];
	v9 =	vadd.f32 v28, v35;
	v17 =	vmul.f32 v8, v58;
	v20 =	vmul.f32 v18, v6  }
0x2e4: {  	v28 =	vld [tilespmem:s24+$0x600];
	v6 =	vadd.f32 v11, v16;
	v11 =	vmul.f32 v8, v7;
	v16 =	vmul.f32 v39, v58  }
0x2e5: {  	v7 =	vadd.f32 v25, v31;
	v58 =	vld [tilespmem:s24+$0x8600];
	v31 =	vmul.f32 v44, v59;
	v39 =	vmul.f32 v60, v59  }
0x2e6: {  	v10 =	vadd.f32 v12, v10;
	v35 =	vmul.f32 v60, v46;
	v59 =	vmul.f32 v44, v46;
	v60 =	vld [tilespmem:s24+$0xC600]  }
0x2e7: {  	v38 =	vmul.f32 v49, v51;
	v12 =	vadd.f32 v15, v17;
	v15 =	vld [tilespmem:s24+$0x4600];
	v11 =	vsub.f32 v11, v16  }
0x2e8: {  	v16 =	vsub.f32 v31, v35;
	v17 =	vadd.f32 v39, v59;
	v35 =	vmul.f32 v24, v51;
	v24 =	vld [tilespmem:$0x1FD80]  }
0x2e9: {  	v18 =	vld [tilespmem:s24+$0x650];
	v26 =	vmul.f32 v23, v12;
	v23 =	vmul.f32 v32, v62  }
0x2ea: {  	v25 =	vld [tilespmem:s24+$0x4650];
	v8 =	vadd.f32 v41, v42;
	v16 =	vmul.f32 v27, v16;
	v17 =	vmul.f32 v29, v17  }
0x2eb: {  	v41 =	vld [tilespmem:s24+$0x610];
	v12 =	vadd.f32 v47, v55;
	v27 =	vmul.f32 v32, v48;
	v55 =	vmul.f32 v58, v28  }
0x2ec: {  	v42 =	vld [tilespmem:s24+$0xC610];
	v28 =	vmul.f32 v60, v28;
	v59 =	vmul.f32 v58, v15  }
0x2ed: {  	v44 =	vld [tilespmem:s24+$0x620];
	v31 =	vmul.f32 v24, v11;
	v11 =	vadd.f32 v14, v13;
	v24 =	vmul.f32 v45, v48  }
0x2ee: {  	v46 =	vld [tilespmem:s24+$0x4620];
	v13 =	vadd.f32 v52, v54;
	v52 =	vmul.f32 v45, v62;
	v14 =	vadd.f32 v50, v57  }
0x2ef: {  	p0 =	sne.s32 s26, $0xF800;
	v39 =	vld [tilespmem:s24+$0x8610];
	v54 =	vmul.f32 v19, v25;
	v57 =	vmul.f32 v60, v15;
	v62 =	vadd.f32 v28, v59  }
.Ltmp0:
0x2f0: {  	v47 =	vld [tilespmem:s24+$0x630];
	v23 =	vsub.f32 v23, v24;
	v24 =	vmul.f32 v61, v18;
	v27 =	vadd.f32 v52, v27;
	(pc) =	sbr.rel @p0 .LBB2_2-.Ltmp0, $4  }
0x2f1: {  	v29 =	vld [tilespmem:s24+$0x8620];
	v15 =	vadd.f32 v53, v56;
	v32 =	vsub.f32 v55, v57;
	v30 =	vmul.f32 v34, v62  }
0x2f2: {  	v45 =	vld [tilespmem:s24+$0xC620];
	v60 =	vsub.f32 v24, v54;
	v23 =	vmul.f32 v36, v23;
	v24 =	vmul.f32 v40, v27  }
0x2f3: {  	v40 =	vld [tilespmem:s24+$0x8630];
	v27 =	vmul.f32 v19, v18;
	v36 =	vmul.f32 v61, v25;
	v18 =	vadd.f32 v1, v3  }
0x2f4: {  	s26 =	sadd.s32 $0x800, s26;
	v28 =	vmul.f32 v63, v32;
	v32 =	vld [tilespmem:s24+$0xC630];
	v19 =	vadd.f32 v2, v0;
	v25 =	vmul.f32 v37, v60  }
0x2f5: {  	v0 =	vmul.f32 v39, v41;
	v1 =	vmul.f32 v42, v41  }
0x2f6: {  	v2 =	vld [tilespmem:s24+$0x4630];
	v3 =	vadd.f32 v21, v20;
	v57 =	vmul.f32 v42, v43;
	v33 =	vsub.f32 v33, v38  }
0x2f7: {  	v58 =	vmul.f32 v39, v43;
	v34 =	vld [tilespmem:s24+$0x10620];
	v22 =	vadd.f32 v22, v35;
	v26 =	vadd.f32 v26, v31  }
0x2f8: {  	v37 =	vld [tilespmem:s24+$0x14620];
	v27 =	vadd.f32 v27, v36;
	v59 =	vmul.f32 v29, v44;
	v63 =	vmul.f32 v29, v46  }
0x2f9: {  	v61 =	vld [tilespmem:s24+$0x10630];
	v16 =	vadd.f32 v17, v16;
	v60 =	vmul.f32 v45, v44;
	v62 =	vmul.f32 v45, v46  }
0x2fa: {  	v0 =	vsub.f32 v0, v57;
	v45 =	vld [tilespmem:s24+$0x14630];
	v46 =	vmul.f32 v40, v47;
	v47 =	vmul.f32 v32, v47  }
0x2fb: {  	v49 =	vld [tilespmem:s24+$0x14650];
	v1 =	vadd.f32 v1, v58;
	v48 =	vmul.f32 v32, v2;
	v2 =	vmul.f32 v40, v2  }
0x2fc: {  	v51 =	vld [tilespmem:s24+$0x10690];
	v0 =	vmul.f32 v4, v0;
	v50 =	vsub.f32 v59, v62;
	v29 =	vadd.f32 v60, v63  }
0x2fd: {  	v53 =	vld [tilespmem:s24+$0x14690];
	v1 =	vmul.f32 v5, v1;
	v52 =	vsub.f32 v46, v48;
	v2 =	vadd.f32 v47, v2  }
0x2fe: {  	v54 =	vadd.f32 v30, v28;
	v4 =	vmul.f32 v34, v50;
	v29 =	vmul.f32 v37, v29  }
0x2ff: {  	v57 =	vadd.f32 v24, v23;
	v5 =	vmul.f32 v61, v52;
	v2 =	vmul.f32 v45, v2  }
0x300: {  	v16 =	vadd.f32 v16, v26;
	v55 =	vmul.f32 v49, v27;
	v0 =	vadd.f32 v1, v0;
	v61 =	vld [tilespmem:$0x1FFC0]  }
0x301: {  	v59 =	vld [tilespmem:$0x1FFE0];
	v4 =	vadd.f32 v29, v4;
	v2 =	vadd.f32 v2, v5  }
0x302: {  	v56 =	vmul.f32 v51, v33;
	v21 =	vmul.f32 v53, v22;
	v1 =	vadd.f32 v55, v25  }
0x303: {  	v0 =	vadd.f32 v0, v54;
	v2 =	vadd.f32 v2, v4  }
0x304: {  	v27 =	vld [tilespmem:$0x1FFD0];
	v58 =	vadd.f32 v21, v56;
	v1 =	vadd.f32 v1, v57  }
0x305: {  	v24 =	vadd.f32 v19, v18;
	v17 =	vperm.xlane v0, v61;
	v62 =	vperm.xlane v2, v61  }
0x306: {  	v60 =	vperm.xlane v15, v59;
	v3 =	vadd.f32 v58, v3;
	v63 =	vperm.xlane v1, v61  }
0x307: {  	v25 =	vperm.xlane v16, v61;
	v0 =	vadd.f32 v0, v17;
	v2 =	vadd.f32 v2, v62  }
0x308: {  	v26 =	vperm.xlane v3, v61;
	v19 =	vperm.xlane v24, v61;
	v1 =	vadd.f32 v1, v63  }
0x309: {  	v16 =	vadd.f32 v16, v25;
	v28 =	vperm.xlane v0, v27;
	v29 =	vperm.xlane v2, v27  }
0x30a: {  	v3 =	vadd.f32 v3, v26;
	v4 =	vadd.f32 v24, v19;
	v30 =	vperm.xlane v1, v27  }
0x30b: {  	v31 =	vperm.xlane v16, v27;
	v0 =	vadd.f32 v0, v28;
	v2 =	vadd.f32 v2, v29  }
0x30c: {  	v36 =	vld [tilespmem:$0x1FFF0];
	v32 =	vperm.xlane v3, v27;
	v19 =	vperm.xlane v4, v27;
	v1 =	vadd.f32 v1, v30  }
0x30d: {  	v16 =	vadd.f32 v16, v31;
	v20 =	vperm.xlane v0, v59;
	v21 =	vperm.xlane v2, v59  }
0x30e: {  	v3 =	vadd.f32 v3, v32;
	v4 =	vadd.f32 v4, v19;
	v33 =	vperm.xlane v1, v59  }
0x30f: {  	v34 =	vperm.xlane v16, v59;
	v0 =	vadd.f32 v0, v20;
	v2 =	vadd.f32 v2, v21  }
0x310: {  	v35 =	vperm.xlane v3, v59;
	v19 =	vperm.xlane v4, v59;
	v1 =	vadd.f32 v1, v33  }
0x311: {  	v16 =	vadd.f32 v16, v34;
	v20 =	vperm.xlane v0, v36;
	v21 =	vperm.xlane v2, v36  }
0x312: {  	v3 =	vadd.f32 v3, v35;
	v4 =	vadd.f32 v4, v19;
	v37 =	vperm.xlane v1, v36  }
0x313: {  	v38 =	vperm.xlane v16, v36;
	v0 =	vadd.f32 v0, v20;
	v2 =	vadd.f32 v2, v21  }
0x314: {  	v5 =	vadd.f32 v15, v60;
	v39 =	vperm.xlane v3, v36;
	v1 =	vadd.f32 v1, v37  }
0x315: {  	v41 =	vperm.xlane v4, v36;
	v40 =	vadd.f32 v16, v38;
	v0 =	vsel vm0, v0, v2  }
0x316: {  	v43 =	vperm.xlane v5, v36;
	v42 =	vadd.f32 v3, v39;
	v0 =	vsel vm1, v0, v1  }
0x317: {  	v45 =	vperm.xlane v14, v36;
	v44 =	vadd.f32 v4, v41;
	v0 =	vsel vm2, v0, v40  }
0x318: {  	v47 =	vperm.xlane v13, v36;
	v46 =	vadd.f32 v5, v43;
	v0 =	vsel vm3, v0, v42  }
0x319: {  	v49 =	vperm.xlane v12, v36;
	v48 =	vadd.f32 v14, v45;
	v0 =	vsel vm4, v0, v44  }
0x31a: {  	v51 =	vperm.xlane v11, v36;
	v50 =	vadd.f32 v13, v47;
	v0 =	vsel vm5, v0, v46  }
0x31b: {  	v53 =	vperm.xlane v10, v36;
	v52 =	vadd.f32 v12, v49;
	v0 =	vsel vm6, v0, v48  }
0x31c: {  	v55 =	vperm.xlane v9, v36;
	v54 =	vadd.f32 v11, v51;
	v0 =	vsel vm7, v0, v50  }
0x31d: {  	v56 =	vadd.f32 v10, v53;
	v57 =	vperm.xlane v8, v36;
	v0 =	vsel vm8, v0, v52  }
0x31e: {  	v58 =	vadd.f32 v9, v55;
	v59 =	vperm.xlane v7, v36;
	v0 =	vsel vm9, v0, v54  }
0x31f: {  	v60 =	vadd.f32 v8, v57;
	v61 =	vperm.xlane v6, v36;
	v0 =	vsel vm10, v0, v56  }
0x320: {  	v62 =	vadd.f32 v7, v59;
	v0 =	vsel vm11, v0, v58  }
0x321: {  	v63 =	vadd.f32 v6, v61;
	v0 =	vsel vm12, v0, v60  }
0x322: {  	s23 =	sadd.s32 $0x1, s23;
	v0 =	vsel vm13, v0, v62  }
0x323: {  	s31 =	sadd.s32 $0x10, s25;
	p0 =	sne.s32 s23, s11;
	v0 =	vsel vm14, v0, v63  }
.Ltmp1:
0x324: {  	[tilespmem:s31+$0x0] =	vst v0;
	(pc) =	sbr.rel @p0 .LBB2_1-.Ltmp1, $4  }
0x325: {  	[hbm4b:s10+s1] =	stream.linear.scatter [tilespmem:s22], [sflag:$0x2], $0x200, $0x38;
	[tilespmem:$0x18800] =	vst v63  }
0x326: {  	_ =	swait.ge [sflag:s12], $0x200  }
0x327: {  	[sflag:s12] =	ssyncset.done $0x0  }
0x328: {  	[sflag:s12] =	ssyncadd.s32 $0xFFFFFE00  }
0x329: {  	_ =	sfence.sel $0x180000  }
0x32a: {  	[bflag:$0x0] =	sbarrier.arrive $0xFFFF  }
0x32b: {  	p0 =	sne.s32 s4, $0x0;
	_ =	strace $0x90000047  }
0x32c: {  	s0 =	sadd.s32 @!p0 $0x100000, s0;
	[bflag:$0x2] =	sbarrier.arrive $0xFFFF  }
0x32d: {  	[sflag:s0] =	ssyncadd.tile.s32 @!p0 $0x1;
	_ =	shalt  }
.Lfunc_end2:
_tile_overlayer_lowered:
.L_overlay_start_2:
0x32e: {  	(tag) =	ssettag $0x2  }
0x32f: {  	s0 =	rddreg [dreg:$0x0];
	s2 =	stileid.u32  }
0x330: {  	s1 =	rddreg [dreg:$0x1];
	p0 =	sne.s32 s2, $0x0  }
0x331: {  	s3 =	rddreg [dreg:$0x2];
	[bflag:$0x3] =	sbarrier.arrive $0xFFFF;
	s2 =	simm.s32 @!p0 $0x1C02  }
0x332: {  	[timem:s3], [sflag:s2] =	dma.local @!p0 [hbm:s0], s1  }
0x333: {  	s0 =	simm.s32 @!p0 $0x2  }
0x334: {  	_ =	swait.ge @!p0 [sflag:s0], s1  }
0x335: {  	s1 =	ssub.s32 @!p0 $0x0, s1;
	[sflag:s0] =	ssyncset.done @!p0 $0x0  }
0x336: {  	[sflag:s0] =	ssyncadd.s32 @!p0 s1  }
0x337: {  	[bflag:$0x3] =	sbarrier.arrive $0xFFFF  }
0x338: {  	_ =	shalt  }

</sc_bundles>
